<compile_context>
chip_gen: v7x
topology: tpu7x:2x2x1
jax: 0.10.2.dev20260603
libtpu: 0.0.44.dev20260713+nightly
codegen_flags: <defaults>
</compile_context>

<pallas_src>
import functools

import jax
import jax.numpy as jnp
from jax import lax
from jax.experimental import pallas as pl
from jax.experimental.pallas import tpu as pltpu
from jax.experimental.pallas import tpu_sc as plsc

RADIUS2 = 0.25 * 0.25
NSAMPLE = 32
B, N, M, C = 8, 4096, 1024, 64
OUTW = 3 + C
NC, NS, L = 2, 16, 16
NW = NC * NS
QPW = (B * M) // NW
WPB = M // QPW
NCHUNK = N // L
G = 8
NBATCH = NCHUNK // G


def _bf(v):
    bits = plsc.bitcast(v, jnp.uint32)
    rounded = bits + jnp.uint32(0x7FFF) + ((bits >> 16) & jnp.uint32(1))
    return plsc.bitcast(rounded & jnp.uint32(0xFFFF0000), jnp.float32)


def _sc_body(xyzt, newt, featflat, out, xyzv, xbv, pnv, qv, idxbuf, gidx,
             featbuf, outbuf, sem, sem_o):
    w = lax.axis_index("s") * NC + lax.axis_index("c")
    b = w // WPB
    q0 = (w % WPB) * QPW

    pltpu.sync_copy(xyzt.at[b], xyzv)
    for c in range(3):
        pltpu.sync_copy(newt.at[b, pl.ds(c * M + q0, QPW)],
                        qv.at[pl.ds(c * QPW, QPW)])

    def precomp(i, carry):
        px = xyzv[pl.ds(i * L, L)]
        py = xyzv[pl.ds(N + i * L, L)]
        pz = xyzv[pl.ds(2 * N + i * L, L)]
        xbv[pl.ds(i * L, L)] = _bf(px)
        xbv[pl.ds(N + i * L, L)] = _bf(py)
        xbv[pl.ds(2 * N + i * L, L)] = _bf(pz)
        pnv[pl.ds(i * L, L)] = px * px + py * py + pz * pz
        return carry

    lax.fori_loop(0, NCHUNK, precomp, jnp.int32(0))

    lane = lax.iota(jnp.int32, L)
    padv = jnp.full((L,), N - 1, jnp.int32)

    def per_query(j, carry):
        jsp = jnp.full((L,), j, jnp.int32)
        qx = plsc.load_gather(qv, [jsp])
        qy = plsc.load_gather(qv, [jsp + QPW])
        qz = plsc.load_gather(qv, [jsp + 2 * QPW])
        qxb, qyb, qzb = _bf(qx), _bf(qy), _bf(qz)
        qn = qx * qx + qy * qy + qz * qz

        idxbuf[pl.ds(0, L)] = padv
        idxbuf[pl.ds(L, L)] = padv

        def cond(st):
            i, cnt_s = st
            return (cnt_s < NSAMPLE) & (i < NBATCH)

        def body(st):
            i, cnt_s = st
            off = jnp.full((L,), cnt_s, jnp.int32)
            masks = []
            for g in range(G):
                ii = i * G + g
                pxb = xbv[pl.ds(ii * L, L)]
                pyb = xbv[pl.ds(N + ii * L, L)]
                pzb = xbv[pl.ds(2 * N + ii * L, L)]
                pn = pnv[pl.ds(ii * L, L)]
                dot = pxb * qxb + pyb * qyb + pzb * qzb
                d = (-2.0 * dot + qn) + pn
                masks.append(d <= RADIUS2)
            for g, m in enumerate(masks):
                ii = i * G + g
                pos = off + plsc.cumsum(m.astype(jnp.int32)) - 1
                plsc.store_scatter(idxbuf, [pos], lane + ii * L, mask=m)
                off = off + plsc.all_reduce_population_count(m)
            return i + 1, jnp.max(off)

        _, cnt = lax.while_loop(cond, body, (jnp.int32(0), jnp.int32(0)))

        v0 = idxbuf[pl.ds(0, L)]
        v1 = idxbuf[pl.ds(L, L)]
        first = jnp.full((L,), jnp.min(v0), jnp.int32)
        sel0 = jnp.where(lane < cnt, v0, first)
        sel1 = jnp.where(lane + L < cnt, v1, first)

        gidx[pl.ds(0, L)] = sel0 + b * N
        gidx[pl.ds(L, L)] = sel1 + b * N
        cp = pltpu.async_copy(featflat.at[gidx], featbuf, sem)

        @pl.when(j > 0)
        def _wait_prev_out():
            pltpu.make_async_copy(out.at[b, q0], outbuf, sem_o).wait()

        for h, sel in enumerate((sel0, sel1)):
            opos = (lane + h * L) * OUTW
            for c, qc in enumerate((qx, qy, qz)):
                pv = plsc.load_gather(xyzv, [sel + c * N])
                plsc.store_scatter(outbuf, [opos + c], pv - qc)

        cp.wait()
        for r in range(NSAMPLE):
            for k in range(C // L):
                outbuf[pl.ds(r * OUTW + 3 + k * L, L)] = (
                    featbuf[r, pl.ds(k * L, L)])

        pltpu.async_copy(outbuf, out.at[b, q0 + j], sem_o)
        return carry

    lax.fori_loop(0, QPW, per_query, jnp.int32(0))
    pltpu.make_async_copy(out.at[b, q0], outbuf, sem_o).wait()


@functools.partial(jax.jit, static_argnums=())
def kernel(xyz, new_xyz, features):
    mesh = plsc.VectorSubcoreMesh(core_axis_name="c", subcore_axis_name="s")
    kern = pl.kernel(
        _sc_body,
        out_type=jax.ShapeDtypeStruct((B, M, NSAMPLE * OUTW), jnp.float32),
        mesh=mesh,
        scratch_types=[
            pltpu.VMEM((3 * N,), jnp.float32),
            pltpu.VMEM((3 * N,), jnp.float32),
            pltpu.VMEM((N,), jnp.float32),
            pltpu.VMEM((3 * QPW,), jnp.float32),
            pltpu.VMEM((NSAMPLE + G * L,), jnp.int32),
            pltpu.VMEM((NSAMPLE,), jnp.int32),
            pltpu.VMEM((NSAMPLE, C), jnp.float32),
            pltpu.VMEM((NSAMPLE * OUTW,), jnp.float32),
            pltpu.SemaphoreType.DMA,
            pltpu.SemaphoreType.DMA,
        ],
        compiler_params=pltpu.CompilerParams(
            needs_layout_passes=False, use_tc_tiling_on_sc=False),
    )
    xyzt = xyz.transpose(0, 2, 1).reshape(B, 3 * N)
    newt = new_xyz.transpose(0, 2, 1).reshape(B, 3 * M)
    featflat = features.reshape(B * N, C)
    out = kern(xyzt, newt, featflat)
    return out.reshape(B, M, NSAMPLE, OUTW)

# --- scband reference (transcript-rebuilt; emitter-appended) ---
"""Pipeline reference for scband-sample-and-group-31413390803130 (READ-ONLY COPY).

The authoritative reference and input builder live on the scoring server;
editing this copy changes nothing except your own understanding.
"""

import jax, jax.numpy as jnp
import numpy as np

RADIUS = 0.25
NSAMPLE = 32
USE_XYZ = True


def setup_inputs(seed: int = 0) -> dict:
    key = jax.random.key(seed)
    k1, k2, k3 = jax.random.split(key, 3)
    xyz = jax.random.uniform(k1, (8, 4096, 3), dtype=jnp.float32)
    new_xyz = jax.random.uniform(k2, (8, 1024, 3), dtype=jnp.float32)
    features = jax.random.normal(k3, (8, 4096, 64), dtype=jnp.float32)
    return {"xyz": xyz, "new_xyz": new_xyz, "features": features}


def square_distance(src, dst):
    # src: [B, N, C], dst: [B, M, C] -> [B, N, M]
    dist = -2.0 * jnp.matmul(src, jnp.transpose(dst, (0, 2, 1)))
    dist = dist + jnp.sum(src ** 2, axis=-1)[:, :, None]
    dist = dist + jnp.sum(dst ** 2, axis=-1)[:, None, :]
    return dist


def ball_query(radius, nsample, xyz, new_xyz):
    B, N, _ = xyz.shape
    npoint = new_xyz.shape[1]
    group_idx = jnp.broadcast_to(jnp.arange(N, dtype=jnp.int32)[None, None, :], (B, npoint, N))
    sqrdists = square_distance(new_xyz, xyz)
    group_idx = jnp.where(sqrdists > radius ** 2, jnp.int32(N), group_idx)
    group_idx = jnp.sort(group_idx, axis=-1)[:, :, :nsample]
    group_first = jnp.broadcast_to(group_idx[:, :, 0:1], group_idx.shape)
    group_idx = jnp.where(group_idx == N, group_first, group_idx)
    return group_idx


def gather_operation(points, idx):
    # points: [B, N, C], idx: [B, npoint, nsample] -> [B, npoint, nsample, C]
    B = points.shape[0]
    batch_indices = jnp.arange(B, dtype=jnp.int32)[:, None, None]
    return points[batch_indices, idx, :]


def reference(xyz, new_xyz, features):
    B, N, _ = xyz.shape
    npoint = new_xyz.shape[1]
    idx = ball_query(RADIUS, NSAMPLE, xyz, new_xyz)
    grouped_xyz = gather_operation(xyz, idx)
    grouped_xyz = grouped_xyz - new_xyz.reshape(B, npoint, 1, 3)
    grouped_features = gather_operation(features, idx)
    if USE_XYZ:
        new_features = jnp.concatenate([grouped_xyz, grouped_features], axis=-1)
    else:
        new_features = grouped_features
    return new_features

if __name__ == "__main__":
    import jax
    _d = setup_inputs()
    print(jax.jit(kernel)(*tuple(_d.values())))

</pallas_src>

<mosaic_0001>
#map = affine_map<(d0, d1) -> (0, 0)>
#map1 = affine_map<(d0, d1) -> (0, 0, 0)>
module attributes {stable_mosaic.version = 14 : i64} {
  func.func @_sc_body(%arg0: i32, %arg1: i32, %arg2: memref<8x12288xf32, #tpu.memory_space<hbm>>, %arg3: memref<8x3072xf32, #tpu.memory_space<hbm>>, %arg4: memref<32768x64xf32, #tpu.memory_space<hbm>>, %arg5: memref<8x1024x2144xf32, #tpu.memory_space<hbm>>, %arg6: memref<12288xf32, #tpu.memory_space<vmem>>, %arg7: memref<12288xf32, #tpu.memory_space<vmem>>, %arg8: memref<4096xf32, #tpu.memory_space<vmem>>, %arg9: memref<768xf32, #tpu.memory_space<vmem>>, %arg10: memref<160xi32, #tpu.memory_space<vmem>>, %arg11: memref<32xi32, #tpu.memory_space<vmem>>, %arg12: memref<32x64xf32, #tpu.memory_space<vmem>>, %arg13: memref<2144xf32, #tpu.memory_space<vmem>>, %arg14: memref<!tpu.dma_semaphore, #tpu.memory_space<semaphore_mem>>, %arg15: memref<!tpu.dma_semaphore, #tpu.memory_space<semaphore_mem>>) attributes {dimension_semantics = [#tpu.dimension_semantics<core_parallel>, #tpu.dimension_semantics<subcore_parallel>], iteration_bounds = array<i64: 2, 16>, scalar_prefetch = 0 : i64, scratch_operands = 10 : i64, tpu.core_type = #tpu.core_type<sc_vector_subcore>, window_params = [{transform_indices = #map}, {transform_indices = #map}, {transform_indices = #map}, {transform_indices = #map1}]} {
    %mul3A = arith.constant 2 : i32
    %mul3A_0 = arith.muli %arg1, %mul3A : i32
    %add3A = arith.addi %mul3A_0, %arg0 : i32
    %jit3A = arith.constant 4 : i32
    %div3A = arith.divsi %add3A, %jit3A : i32
    %sign3A = arith.constant 0 : i32
    %sign3A_1 = arith.cmpi sgt, %add3A, %sign3A : i32
    %sign3A_2 = arith.extui %sign3A_1 : i1 to i32
    %sign3A_3 = arith.constant 0 : i32
    %sign3A_4 = arith.cmpi slt, %add3A, %sign3A_3 : i32
    %sign3A_5 = arith.extui %sign3A_4 : i1 to i32
    %sign3A_6 = arith.subi %sign3A_2, %sign3A_5 : i32
    %sign3A_7 = arith.constant 0 : i32
    %sign3A_8 = arith.cmpi sgt, %jit3A, %sign3A_7 : i32
    %sign3A_9 = arith.extui %sign3A_8 : i1 to i32
    %sign3A_10 = arith.constant 0 : i32
    %sign3A_11 = arith.cmpi slt, %jit3A, %sign3A_10 : i32
    %sign3A_12 = arith.extui %sign3A_11 : i1 to i32
    %sign3A_13 = arith.subi %sign3A_9, %sign3A_12 : i32
    %ne3A = arith.cmpi ne, %sign3A_6, %sign3A_13 : i32
    %rem3A = arith.remsi %add3A, %jit3A : i32
    %ne3A_14 = arith.constant 0 : i32
    %ne3A_15 = arith.cmpi ne, %rem3A, %ne3A_14 : i32
    %and3A = arith.andi %ne3A, %ne3A_15 : i1
    %sub3A = arith.constant 1 : i32
    %sub3A_16 = arith.subi %div3A, %sub3A : i32
    %select_n3A = arith.select %and3A, %sub3A_16, %div3A : i32
    %jit3A_17 = arith.constant 4 : i32
    %eq3A = arith.constant 0 : i32
    %eq3A_18 = arith.cmpi eq, %jit3A_17, %eq3A : i32
    %jit3A_19 = arith.constant 1 : i32
    %select_n3A_20 = arith.select %eq3A_18, %jit3A_19, %jit3A_17 : i32
    %rem3A_21 = arith.remsi %add3A, %select_n3A_20 : i32
    %ne3A_22 = arith.constant 0 : i32
    %ne3A_23 = arith.cmpi ne, %rem3A_21, %ne3A_22 : i32
    %lt3A = arith.constant 0 : i32
    %lt3A_24 = arith.cmpi slt, %rem3A_21, %lt3A : i32
    %lt3A_25 = arith.constant 0 : i32
    %lt3A_26 = arith.cmpi slt, %select_n3A_20, %lt3A_25 : i32
    %ne3A_27 = arith.xori %lt3A_24, %lt3A_26 : i1
    %and3A_28 = arith.andi %ne3A_27, %ne3A_23 : i1
    %add3A_29 = arith.addi %rem3A_21, %select_n3A_20 : i32
    %select_n3A_30 = arith.select %and3A_28, %add3A_29, %rem3A_21 : i32
    %mul3A_31 = arith.constant 256 : i32
    %mul3A_32 = arith.muli %select_n3A_30, %mul3A_31 : i32
    "tpu.region"() ({
      %run_scoped3A = tpu.sem_alloc : memref<!tpu.dma_semaphore, #tpu.memory_space<semaphore_mem>>
      %dma_start3A = arith.constant 0 : i32
      %dma_start3A_56 = tpu.memref_slice %arg2[%select_n3A, %dma_start3A] : memref<8x12288xf32, #tpu.memory_space<hbm>> -> memref<1x12288xf32, #tpu.memory_space<hbm>>
      %dma_start3A_57 = tpu.memref_squeeze %dma_start3A_56 : memref<1x12288xf32, #tpu.memory_space<hbm>> -> memref<12288xf32, #tpu.memory_space<hbm>>
      %dma_start3A_58 = arith.constant 0 : i32
      %dma_start3A_59 = tpu.memref_slice %arg2[%select_n3A, %dma_start3A_58] : memref<8x12288xf32, #tpu.memory_space<hbm>> -> memref<1x12288xf32, #tpu.memory_space<hbm>>
      %dma_start3A_60 = tpu.memref_squeeze %dma_start3A_59 : memref<1x12288xf32, #tpu.memory_space<hbm>> -> memref<12288xf32, #tpu.memory_space<hbm>>
      tpu.enqueue_dma source(%dma_start3A_60 : memref<12288xf32, #tpu.memory_space<hbm>>) target(%arg6 : memref<12288xf32, #tpu.memory_space<vmem>>) target_semaphore(%run_scoped3A : memref<!tpu.dma_semaphore, #tpu.memory_space<semaphore_mem>>)
      %dma_wait3A_61 = arith.constant 0 : i32
      %dma_wait3A_62 = tpu.memref_slice %arg2[%select_n3A, %dma_wait3A_61] : memref<8x12288xf32, #tpu.memory_space<hbm>> -> memref<1x12288xf32, #tpu.memory_space<hbm>>
      %dma_wait3A_63 = tpu.memref_squeeze %dma_wait3A_62 : memref<1x12288xf32, #tpu.memory_space<hbm>> -> memref<12288xf32, #tpu.memory_space<hbm>>
      %dma_wait3A_64 = arith.constant 0 : i32
      %dma_wait3A_65 = tpu.memref_slice %arg2[%select_n3A, %dma_wait3A_64] : memref<8x12288xf32, #tpu.memory_space<hbm>> -> memref<1x12288xf32, #tpu.memory_space<hbm>>
      %dma_wait3A_66 = tpu.memref_squeeze %dma_wait3A_65 : memref<1x12288xf32, #tpu.memory_space<hbm>> -> memref<12288xf32, #tpu.memory_space<hbm>>
      tpu.wait_dma2 semaphore(%run_scoped3A : memref<!tpu.dma_semaphore, #tpu.memory_space<semaphore_mem>>) src(%dma_wait3A_66 : memref<12288xf32, #tpu.memory_space<hbm>>) dst(%arg6 : memref<12288xf32, #tpu.memory_space<vmem>>)
      tpu.yield
    }) : () -> ()
    %add3A_33 = arith.constant 0 : i32
    %add3A_34 = arith.addi %add3A_33, %mul3A_32 : i32
    "tpu.region"() ({
      %run_scoped3A = tpu.sem_alloc : memref<!tpu.dma_semaphore, #tpu.memory_space<semaphore_mem>>
      %dma_start3A = arith.constant 0 : i32
      %dma_start3A_56 = tpu.memref_slice %arg9[%dma_start3A] : memref<768xf32, #tpu.memory_space<vmem>> -> memref<256xf32, #tpu.memory_space<vmem>>
      %dma_start3A_57 = tpu.memref_slice %arg3[%select_n3A, %add3A_34] : memref<8x3072xf32, #tpu.memory_space<hbm>> -> memref<1x256xf32, #tpu.memory_space<hbm>>
      %dma_start3A_58 = tpu.memref_squeeze %dma_start3A_57 : memref<1x256xf32, #tpu.memory_space<hbm>> -> memref<256xf32, #tpu.memory_space<hbm>>
      %dma_start3A_59 = arith.constant 0 : i32
      %dma_start3A_60 = tpu.memref_slice %arg9[%dma_start3A_59] : memref<768xf32, #tpu.memory_space<vmem>> -> memref<256xf32, #tpu.memory_space<vmem>>
      %dma_start3A_61 = tpu.memref_slice %arg3[%select_n3A, %add3A_34] : memref<8x3072xf32, #tpu.memory_space<hbm>> -> memref<1x256xf32, #tpu.memory_space<hbm>>
      %dma_start3A_62 = tpu.memref_squeeze %dma_start3A_61 : memref<1x256xf32, #tpu.memory_space<hbm>> -> memref<256xf32, #tpu.memory_space<hbm>>
      tpu.enqueue_dma source(%dma_start3A_62 : memref<256xf32, #tpu.memory_space<hbm>>) target(%dma_start3A_60 : memref<256xf32, #tpu.memory_space<vmem>>) target_semaphore(%run_scoped3A : memref<!tpu.dma_semaphore, #tpu.memory_space<semaphore_mem>>)
      %dma_wait3A_63 = arith.constant 0 : i32
      %dma_wait3A_64 = tpu.memref_slice %arg9[%dma_wait3A_63] : memref<768xf32, #tpu.memory_space<vmem>> -> memref<256xf32, #tpu.memory_space<vmem>>
      %dma_wait3A_65 = tpu.memref_slice %arg3[%select_n3A, %add3A_34] : memref<8x3072xf32, #tpu.memory_space<hbm>> -> memref<1x256xf32, #tpu.memory_space<hbm>>
      %dma_wait3A_66 = tpu.memref_squeeze %dma_wait3A_65 : memref<1x256xf32, #tpu.memory_space<hbm>> -> memref<256xf32, #tpu.memory_space<hbm>>
      %dma_wait3A_67 = arith.constant 0 : i32
      %dma_wait3A_68 = tpu.memref_slice %arg9[%dma_wait3A_67] : memref<768xf32, #tpu.memory_space<vmem>> -> memref<256xf32, #tpu.memory_space<vmem>>
      %dma_wait3A_69 = tpu.memref_slice %arg3[%select_n3A, %add3A_34] : memref<8x3072xf32, #tpu.memory_space<hbm>> -> memref<1x256xf32, #tpu.memory_space<hbm>>
      %dma_wait3A_70 = tpu.memref_squeeze %dma_wait3A_69 : memref<1x256xf32, #tpu.memory_space<hbm>> -> memref<256xf32, #tpu.memory_space<hbm>>
      tpu.wait_dma2 semaphore(%run_scoped3A : memref<!tpu.dma_semaphore, #tpu.memory_space<semaphore_mem>>) src(%dma_wait3A_70 : memref<256xf32, #tpu.memory_space<hbm>>) dst(%dma_wait3A_68 : memref<256xf32, #tpu.memory_space<vmem>>)
      tpu.yield
    }) : () -> ()
    %add3A_35 = arith.constant 1024 : i32
    %add3A_36 = arith.addi %add3A_35, %mul3A_32 : i32
    "tpu.region"() ({
      %run_scoped3A = tpu.sem_alloc : memref<!tpu.dma_semaphore, #tpu.memory_space<semaphore_mem>>
      %dma_start3A = arith.constant 256 : i32
      %dma_start3A_56 = tpu.memref_slice %arg9[%dma_start3A] : memref<768xf32, #tpu.memory_space<vmem>> -> memref<256xf32, #tpu.memory_space<vmem>>
      %dma_start3A_57 = tpu.memref_slice %arg3[%select_n3A, %add3A_36] : memref<8x3072xf32, #tpu.memory_space<hbm>> -> memref<1x256xf32, #tpu.memory_space<hbm>>
      %dma_start3A_58 = tpu.memref_squeeze %dma_start3A_57 : memref<1x256xf32, #tpu.memory_space<hbm>> -> memref<256xf32, #tpu.memory_space<hbm>>
      %dma_start3A_59 = arith.constant 256 : i32
      %dma_start3A_60 = tpu.memref_slice %arg9[%dma_start3A_59] : memref<768xf32, #tpu.memory_space<vmem>> -> memref<256xf32, #tpu.memory_space<vmem>>
      %dma_start3A_61 = tpu.memref_slice %arg3[%select_n3A, %add3A_36] : memref<8x3072xf32, #tpu.memory_space<hbm>> -> memref<1x256xf32, #tpu.memory_space<hbm>>
      %dma_start3A_62 = tpu.memref_squeeze %dma_start3A_61 : memref<1x256xf32, #tpu.memory_space<hbm>> -> memref<256xf32, #tpu.memory_space<hbm>>
      tpu.enqueue_dma source(%dma_start3A_62 : memref<256xf32, #tpu.memory_space<hbm>>) target(%dma_start3A_60 : memref<256xf32, #tpu.memory_space<vmem>>) target_semaphore(%run_scoped3A : memref<!tpu.dma_semaphore, #tpu.memory_space<semaphore_mem>>)
      %dma_wait3A_63 = arith.constant 256 : i32
      %dma_wait3A_64 = tpu.memref_slice %arg9[%dma_wait3A_63] : memref<768xf32, #tpu.memory_space<vmem>> -> memref<256xf32, #tpu.memory_space<vmem>>
      %dma_wait3A_65 = tpu.memref_slice %arg3[%select_n3A, %add3A_36] : memref<8x3072xf32, #tpu.memory_space<hbm>> -> memref<1x256xf32, #tpu.memory_space<hbm>>
      %dma_wait3A_66 = tpu.memref_squeeze %dma_wait3A_65 : memref<1x256xf32, #tpu.memory_space<hbm>> -> memref<256xf32, #tpu.memory_space<hbm>>
      %dma_wait3A_67 = arith.constant 256 : i32
      %dma_wait3A_68 = tpu.memref_slice %arg9[%dma_wait3A_67] : memref<768xf32, #tpu.memory_space<vmem>> -> memref<256xf32, #tpu.memory_space<vmem>>
      %dma_wait3A_69 = tpu.memref_slice %arg3[%select_n3A, %add3A_36] : memref<8x3072xf32, #tpu.memory_space<hbm>> -> memref<1x256xf32, #tpu.memory_space<hbm>>
      %dma_wait3A_70 = tpu.memref_squeeze %dma_wait3A_69 : memref<1x256xf32, #tpu.memory_space<hbm>> -> memref<256xf32, #tpu.memory_space<hbm>>
      tpu.wait_dma2 semaphore(%run_scoped3A : memref<!tpu.dma_semaphore, #tpu.memory_space<semaphore_mem>>) src(%dma_wait3A_70 : memref<256xf32, #tpu.memory_space<hbm>>) dst(%dma_wait3A_68 : memref<256xf32, #tpu.memory_space<vmem>>)
      tpu.yield
    }) : () -> ()
    %add3A_37 = arith.constant 2048 : i32
    %add3A_38 = arith.addi %add3A_37, %mul3A_32 : i32
    "tpu.region"() ({
      %run_scoped3A = tpu.sem_alloc : memref<!tpu.dma_semaphore, #tpu.memory_space<semaphore_mem>>
      %dma_start3A = arith.constant 512 : i32
      %dma_start3A_56 = tpu.memref_slice %arg9[%dma_start3A] : memref<768xf32, #tpu.memory_space<vmem>> -> memref<256xf32, #tpu.memory_space<vmem>>
      %dma_start3A_57 = tpu.memref_slice %arg3[%select_n3A, %add3A_38] : memref<8x3072xf32, #tpu.memory_space<hbm>> -> memref<1x256xf32, #tpu.memory_space<hbm>>
      %dma_start3A_58 = tpu.memref_squeeze %dma_start3A_57 : memref<1x256xf32, #tpu.memory_space<hbm>> -> memref<256xf32, #tpu.memory_space<hbm>>
      %dma_start3A_59 = arith.constant 512 : i32
      %dma_start3A_60 = tpu.memref_slice %arg9[%dma_start3A_59] : memref<768xf32, #tpu.memory_space<vmem>> -> memref<256xf32, #tpu.memory_space<vmem>>
      %dma_start3A_61 = tpu.memref_slice %arg3[%select_n3A, %add3A_38] : memref<8x3072xf32, #tpu.memory_space<hbm>> -> memref<1x256xf32, #tpu.memory_space<hbm>>
      %dma_start3A_62 = tpu.memref_squeeze %dma_start3A_61 : memref<1x256xf32, #tpu.memory_space<hbm>> -> memref<256xf32, #tpu.memory_space<hbm>>
      tpu.enqueue_dma source(%dma_start3A_62 : memref<256xf32, #tpu.memory_space<hbm>>) target(%dma_start3A_60 : memref<256xf32, #tpu.memory_space<vmem>>) target_semaphore(%run_scoped3A : memref<!tpu.dma_semaphore, #tpu.memory_space<semaphore_mem>>)
      %dma_wait3A_63 = arith.constant 512 : i32
      %dma_wait3A_64 = tpu.memref_slice %arg9[%dma_wait3A_63] : memref<768xf32, #tpu.memory_space<vmem>> -> memref<256xf32, #tpu.memory_space<vmem>>
      %dma_wait3A_65 = tpu.memref_slice %arg3[%select_n3A, %add3A_38] : memref<8x3072xf32, #tpu.memory_space<hbm>> -> memref<1x256xf32, #tpu.memory_space<hbm>>
      %dma_wait3A_66 = tpu.memref_squeeze %dma_wait3A_65 : memref<1x256xf32, #tpu.memory_space<hbm>> -> memref<256xf32, #tpu.memory_space<hbm>>
      %dma_wait3A_67 = arith.constant 512 : i32
      %dma_wait3A_68 = tpu.memref_slice %arg9[%dma_wait3A_67] : memref<768xf32, #tpu.memory_space<vmem>> -> memref<256xf32, #tpu.memory_space<vmem>>
      %dma_wait3A_69 = tpu.memref_slice %arg3[%select_n3A, %add3A_38] : memref<8x3072xf32, #tpu.memory_space<hbm>> -> memref<1x256xf32, #tpu.memory_space<hbm>>
      %dma_wait3A_70 = tpu.memref_squeeze %dma_wait3A_69 : memref<1x256xf32, #tpu.memory_space<hbm>> -> memref<256xf32, #tpu.memory_space<hbm>>
      tpu.wait_dma2 semaphore(%run_scoped3A : memref<!tpu.dma_semaphore, #tpu.memory_space<semaphore_mem>>) src(%dma_wait3A_70 : memref<256xf32, #tpu.memory_space<hbm>>) dst(%dma_wait3A_68 : memref<256xf32, #tpu.memory_space<vmem>>)
      tpu.yield
    }) : () -> ()
    %scan3A = arith.constant 0 : i32
    %scan3A_39 = arith.constant 0 : i32
    %scan3A_40 = arith.constant 256 : i32
    %scan3A_41 = arith.addi %scan3A_39, %scan3A_40 : i32
    %scan3A_42 = arith.constant 1 : i32
    scf.for %scan3A_56 = %scan3A_39 to %scan3A_41 step %scan3A_42  : i32 {
      %mul3A_57 = arith.constant 16 : i32
      %mul3A_58 = arith.muli %scan3A_56, %mul3A_57 : i32
      %get3A = arith.index_cast %mul3A_58 : i32 to index
      %get3A_59 = tpu.vector_load %arg6[%get3A] {strides = array<i32>} : memref<12288xf32, #tpu.memory_space<vmem>>, vector<16xf32>,
      %mul3A_60 = arith.constant 16 : i32
      %mul3A_61 = arith.muli %scan3A_56, %mul3A_60 : i32
      %add3A_62 = arith.constant 4096 : i32
      %add3A_63 = arith.addi %add3A_62, %mul3A_61 : i32
      %get3A_64 = arith.index_cast %add3A_63 : i32 to index
      %get3A_65 = tpu.vector_load %arg6[%get3A_64] {strides = array<i32>} : memref<12288xf32, #tpu.memory_space<vmem>>, vector<16xf32>,
      %mul3A_66 = arith.constant 16 : i32
      %mul3A_67 = arith.muli %scan3A_56, %mul3A_66 : i32
      %add3A_68 = arith.constant 8192 : i32
      %add3A_69 = arith.addi %add3A_68, %mul3A_67 : i32
      %get3A_70 = arith.index_cast %add3A_69 : i32 to index
      %get3A_71 = tpu.vector_load %arg6[%get3A_70] {strides = array<i32>} : memref<12288xf32, #tpu.memory_space<vmem>>, vector<16xf32>,
      %bitcast3A = vector.bitcast %get3A_59 : vector<16xf32> to vector<16xi32>
      %add3A_72 = arith.constant 32767 : i32
      %add3A_73 = vector.broadcast %add3A_72 : i32 to vector<16xi32>
      %add3A_74 = arith.addi %bitcast3A, %add3A_73 : vector<16xi32>
      %shift_right_logical3A = arith.constant 16 : i32
      %shift_right_logical3A_75 = vector.broadcast %shift_right_logical3A : i32 to vector<16xi32>
      %shift_right_logical3A_76 = arith.shrui %bitcast3A, %shift_right_logical3A_75 : vector<16xi32>
      %and3A_77 = arith.constant 1 : i32
      %and3A_78 = vector.broadcast %and3A_77 : i32 to vector<16xi32>
      %and3A_79 = arith.andi %shift_right_logical3A_76, %and3A_78 : vector<16xi32>
      %add3A_80 = arith.addi %add3A_74, %and3A_79 : vector<16xi32>
      %and3A_81 = arith.constant -65536 : i32
      %and3A_82 = vector.broadcast %and3A_81 : i32 to vector<16xi32>
      %and3A_83 = arith.andi %add3A_80, %and3A_82 : vector<16xi32>
      %bitcast3A_84 = vector.bitcast %and3A_83 : vector<16xi32> to vector<16xf32>
      %mul3A_85 = arith.constant 16 : i32
      %mul3A_86 = arith.muli %scan3A_56, %mul3A_85 : i32
      %swap3A = arith.index_cast %mul3A_86 : i32 to index
      %swap3A_87 = tpu.vector_load %arg7[%swap3A] {strides = array<i32>} : memref<12288xf32, #tpu.memory_space<vmem>>, vector<16xf32>,
      tpu.vector_store %arg7[%swap3A], %bitcast3A_84 {strides = array<i32>} : memref<12288xf32, #tpu.memory_space<vmem>>, vector<16xf32>,
      %bitcast3A_88 = vector.bitcast %get3A_65 : vector<16xf32> to vector<16xi32>
      %add3A_89 = arith.constant 32767 : i32
      %add3A_90 = vector.broadcast %add3A_89 : i32 to vector<16xi32>
      %add3A_91 = arith.addi %bitcast3A_88, %add3A_90 : vector<16xi32>
      %shift_right_logical3A_92 = arith.constant 16 : i32
      %shift_right_logical3A_93 = vector.broadcast %shift_right_logical3A_92 : i32 to vector<16xi32>
      %shift_right_logical3A_94 = arith.shrui %bitcast3A_88, %shift_right_logical3A_93 : vector<16xi32>
      %and3A_95 = arith.constant 1 : i32
      %and3A_96 = vector.broadcast %and3A_95 : i32 to vector<16xi32>
      %and3A_97 = arith.andi %shift_right_logical3A_94, %and3A_96 : vector<16xi32>
      %add3A_98 = arith.addi %add3A_91, %and3A_97 : vector<16xi32>
      %and3A_99 = arith.constant -65536 : i32
      %and3A_100 = vector.broadcast %and3A_99 : i32 to vector<16xi32>
      %and3A_101 = arith.andi %add3A_98, %and3A_100 : vector<16xi32>
      %bitcast3A_102 = vector.bitcast %and3A_101 : vector<16xi32> to vector<16xf32>
      %mul3A_103 = arith.constant 16 : i32
      %mul3A_104 = arith.muli %scan3A_56, %mul3A_103 : i32
      %add3A_105 = arith.constant 4096 : i32
      %add3A_106 = arith.addi %add3A_105, %mul3A_104 : i32
      %swap3A_107 = arith.index_cast %add3A_106 : i32 to index
      %swap3A_108 = tpu.vector_load %arg7[%swap3A_107] {strides = array<i32>} : memref<12288xf32, #tpu.memory_space<vmem>>, vector<16xf32>,
      tpu.vector_store %arg7[%swap3A_107], %bitcast3A_102 {strides = array<i32>} : memref<12288xf32, #tpu.memory_space<vmem>>, vector<16xf32>,
      %bitcast3A_109 = vector.bitcast %get3A_71 : vector<16xf32> to vector<16xi32>
      %add3A_110 = arith.constant 32767 : i32
      %add3A_111 = vector.broadcast %add3A_110 : i32 to vector<16xi32>
      %add3A_112 = arith.addi %bitcast3A_109, %add3A_111 : vector<16xi32>
      %shift_right_logical3A_113 = arith.constant 16 : i32
      %shift_right_logical3A_114 = vector.broadcast %shift_right_logical3A_113 : i32 to vector<16xi32>
      %shift_right_logical3A_115 = arith.shrui %bitcast3A_109, %shift_right_logical3A_114 : vector<16xi32>
      %and3A_116 = arith.constant 1 : i32
      %and3A_117 = vector.broadcast %and3A_116 : i32 to vector<16xi32>
      %and3A_118 = arith.andi %shift_right_logical3A_115, %and3A_117 : vector<16xi32>
      %add3A_119 = arith.addi %add3A_112, %and3A_118 : vector<16xi32>
      %and3A_120 = arith.constant -65536 : i32
      %and3A_121 = vector.broadcast %and3A_120 : i32 to vector<16xi32>
      %and3A_122 = arith.andi %add3A_119, %and3A_121 : vector<16xi32>
      %bitcast3A_123 = vector.bitcast %and3A_122 : vector<16xi32> to vector<16xf32>
      %mul3A_124 = arith.constant 16 : i32
      %mul3A_125 = arith.muli %scan3A_56, %mul3A_124 : i32
      %add3A_126 = arith.constant 8192 : i32
      %add3A_127 = arith.addi %add3A_126, %mul3A_125 : i32
      %swap3A_128 = arith.index_cast %add3A_127 : i32 to index
      %swap3A_129 = tpu.vector_load %arg7[%swap3A_128] {strides = array<i32>} : memref<12288xf32, #tpu.memory_space<vmem>>, vector<16xf32>,
      tpu.vector_store %arg7[%swap3A_128], %bitcast3A_123 {strides = array<i32>} : memref<12288xf32, #tpu.memory_space<vmem>>, vector<16xf32>,
      %mul3A_130 = arith.mulf %get3A_59, %get3A_59 : vector<16xf32>
      %mul3A_131 = arith.mulf %get3A_65, %get3A_65 : vector<16xf32>
      %add3A_132 = arith.addf %mul3A_130, %mul3A_131 : vector<16xf32>
      %mul3A_133 = arith.mulf %get3A_71, %get3A_71 : vector<16xf32>
      %add3A_134 = arith.addf %add3A_132, %mul3A_133 : vector<16xf32>
      %mul3A_135 = arith.constant 16 : i32
      %mul3A_136 = arith.muli %scan3A_56, %mul3A_135 : i32
      %swap3A_137 = arith.index_cast %mul3A_136 : i32 to index
      %swap3A_138 = tpu.vector_load %arg8[%swap3A_137] {strides = array<i32>} : memref<4096xf32, #tpu.memory_space<vmem>>, vector<16xf32>,
      tpu.vector_store %arg8[%swap3A_137], %add3A_134 {strides = array<i32>} : memref<4096xf32, #tpu.memory_space<vmem>>, vector<16xf32>,
    }
    %scan3A_43 = arith.constant 256 : i32
    %iota3A = tpu.iota {dimensions = array<i32: 0>} : vector<16xi32>
    %broadcast_in_dim3A = arith.constant 4095 : i32
    %broadcast_in_dim3A_44 = vector.broadcast %broadcast_in_dim3A : i32 to vector<16xi32>
    %scan3A_45 = arith.constant 0 : i32
    %scan3A_46 = arith.constant 0 : i32
    %scan3A_47 = arith.constant 256 : i32
    %scan3A_48 = arith.addi %scan3A_46, %scan3A_47 : i32
    %scan3A_49 = arith.constant 1 : i32
    scf.for %scan3A_56 = %scan3A_46 to %scan3A_48 step %scan3A_49  : i32 {
      %broadcast_in_dim3A_57 = vector.broadcast %scan3A_56 : i32 to vector<16xi32>
      %gather3A = tpu.vector_load_idx %arg9[%broadcast_in_dim3A_57] : memref<768xf32, #tpu.memory_space<vmem>>[vector<16xi32>], vector<16xf32>,
      %add3A_58 = arith.constant 256 : i32
      %add3A_59 = vector.broadcast %add3A_58 : i32 to vector<16xi32>
      %add3A_60 = arith.addi %broadcast_in_dim3A_57, %add3A_59 : vector<16xi32>
      %gather3A_61 = tpu.vector_load_idx %arg9[%add3A_60] : memref<768xf32, #tpu.memory_space<vmem>>[vector<16xi32>], vector<16xf32>,
      %add3A_62 = arith.constant 512 : i32
      %add3A_63 = vector.broadcast %add3A_62 : i32 to vector<16xi32>
      %add3A_64 = arith.addi %broadcast_in_dim3A_57, %add3A_63 : vector<16xi32>
      %gather3A_65 = tpu.vector_load_idx %arg9[%add3A_64] : memref<768xf32, #tpu.memory_space<vmem>>[vector<16xi32>], vector<16xf32>,
      %bitcast3A = vector.bitcast %gather3A : vector<16xf32> to vector<16xi32>
      %add3A_66 = arith.constant 32767 : i32
      %add3A_67 = vector.broadcast %add3A_66 : i32 to vector<16xi32>
      %add3A_68 = arith.addi %bitcast3A, %add3A_67 : vector<16xi32>
      %shift_right_logical3A = arith.constant 16 : i32
      %shift_right_logical3A_69 = vector.broadcast %shift_right_logical3A : i32 to vector<16xi32>
      %shift_right_logical3A_70 = arith.shrui %bitcast3A, %shift_right_logical3A_69 : vector<16xi32>
      %and3A_71 = arith.constant 1 : i32
      %and3A_72 = vector.broadcast %and3A_71 : i32 to vector<16xi32>
      %and3A_73 = arith.andi %shift_right_logical3A_70, %and3A_72 : vector<16xi32>
      %add3A_74 = arith.addi %add3A_68, %and3A_73 : vector<16xi32>
      %and3A_75 = arith.constant -65536 : i32
      %and3A_76 = vector.broadcast %and3A_75 : i32 to vector<16xi32>
      %and3A_77 = arith.andi %add3A_74, %and3A_76 : vector<16xi32>
      %bitcast3A_78 = vector.bitcast %and3A_77 : vector<16xi32> to vector<16xf32>
      %bitcast3A_79 = vector.bitcast %gather3A_61 : vector<16xf32> to vector<16xi32>
      %add3A_80 = arith.constant 32767 : i32
      %add3A_81 = vector.broadcast %add3A_80 : i32 to vector<16xi32>
      %add3A_82 = arith.addi %bitcast3A_79, %add3A_81 : vector<16xi32>
      %shift_right_logical3A_83 = arith.constant 16 : i32
      %shift_right_logical3A_84 = vector.broadcast %shift_right_logical3A_83 : i32 to vector<16xi32>
      %shift_right_logical3A_85 = arith.shrui %bitcast3A_79, %shift_right_logical3A_84 : vector<16xi32>
      %and3A_86 = arith.constant 1 : i32
      %and3A_87 = vector.broadcast %and3A_86 : i32 to vector<16xi32>
      %and3A_88 = arith.andi %shift_right_logical3A_85, %and3A_87 : vector<16xi32>
      %add3A_89 = arith.addi %add3A_82, %and3A_88 : vector<16xi32>
      %and3A_90 = arith.constant -65536 : i32
      %and3A_91 = vector.broadcast %and3A_90 : i32 to vector<16xi32>
      %and3A_92 = arith.andi %add3A_89, %and3A_91 : vector<16xi32>
      %bitcast3A_93 = vector.bitcast %and3A_92 : vector<16xi32> to vector<16xf32>
      %bitcast3A_94 = vector.bitcast %gather3A_65 : vector<16xf32> to vector<16xi32>
      %add3A_95 = arith.constant 32767 : i32
      %add3A_96 = vector.broadcast %add3A_95 : i32 to vector<16xi32>
      %add3A_97 = arith.addi %bitcast3A_94, %add3A_96 : vector<16xi32>
      %shift_right_logical3A_98 = arith.constant 16 : i32
      %shift_right_logical3A_99 = vector.broadcast %shift_right_logical3A_98 : i32 to vector<16xi32>
      %shift_right_logical3A_100 = arith.shrui %bitcast3A_94, %shift_right_logical3A_99 : vector<16xi32>
      %and3A_101 = arith.constant 1 : i32
      %and3A_102 = vector.broadcast %and3A_101 : i32 to vector<16xi32>
      %and3A_103 = arith.andi %shift_right_logical3A_100, %and3A_102 : vector<16xi32>
      %add3A_104 = arith.addi %add3A_97, %and3A_103 : vector<16xi32>
      %and3A_105 = arith.constant -65536 : i32
      %and3A_106 = vector.broadcast %and3A_105 : i32 to vector<16xi32>
      %and3A_107 = arith.andi %add3A_104, %and3A_106 : vector<16xi32>
      %bitcast3A_108 = vector.bitcast %and3A_107 : vector<16xi32> to vector<16xf32>
      %mul3A_109 = arith.mulf %gather3A, %gather3A : vector<16xf32>
      %mul3A_110 = arith.mulf %gather3A_61, %gather3A_61 : vector<16xf32>
      %add3A_111 = arith.addf %mul3A_109, %mul3A_110 : vector<16xf32>
      %mul3A_112 = arith.mulf %gather3A_65, %gather3A_65 : vector<16xf32>
      %add3A_113 = arith.addf %add3A_111, %mul3A_112 : vector<16xf32>
      %swap3A = arith.constant 0 : index
      %swap3A_114 = tpu.vector_load %arg10[%swap3A] {strides = array<i32>} : memref<160xi32, #tpu.memory_space<vmem>>, vector<16xi32>,
      tpu.vector_store %arg10[%swap3A], %broadcast_in_dim3A_44 {strides = array<i32>} : memref<160xi32, #tpu.memory_space<vmem>>, vector<16xi32>,
      %swap3A_115 = arith.constant 16 : index
      %swap3A_116 = tpu.vector_load %arg10[%swap3A_115] {strides = array<i32>} : memref<160xi32, #tpu.memory_space<vmem>>, vector<16xi32>,
      tpu.vector_store %arg10[%swap3A_115], %broadcast_in_dim3A_44 {strides = array<i32>} : memref<160xi32, #tpu.memory_space<vmem>>, vector<16xi32>,
      %while3A = arith.constant 0 : i32
      %while3A_117 = arith.constant 0 : i32
      %while3A_118:2 = scf.while (%while3A_993 = %while3A, %while3A_994 = %while3A_117) : (i32, i32) -> (i32, i32) {
        %lt3A_995 = arith.constant 32 : i32
        %lt3A_996 = arith.cmpi slt, %while3A_994, %lt3A_995 : i32
        %lt3A_997 = arith.constant 32 : i32
        %lt3A_998 = arith.cmpi slt, %while3A_993, %lt3A_997 : i32
        %and3A_999 = arith.andi %lt3A_996, %lt3A_998 : i1
        scf.condition(%and3A_999) %while3A_993, %while3A_994 : i32, i32
      } do {
      ^bb0(%while3A_993: i32, %while3A_994: i32):
        %broadcast_in_dim3A_995 = vector.broadcast %while3A_994 : i32 to vector<16xi32>
        %mul3A_996 = arith.constant 8 : i32
        %mul3A_997 = arith.muli %while3A_993, %mul3A_996 : i32
        %add3A_998 = arith.constant 0 : i32
        %add3A_999 = arith.addi %mul3A_997, %add3A_998 : i32
        %mul3A_1000 = arith.constant 16 : i32
        %mul3A_1001 = arith.muli %add3A_999, %mul3A_1000 : i32
        %get3A_1002 = arith.index_cast %mul3A_1001 : i32 to index
        %get3A_1003 = tpu.vector_load %arg7[%get3A_1002] {strides = array<i32>} : memref<12288xf32, #tpu.memory_space<vmem>>, vector<16xf32>,
        %mul3A_1004 = arith.constant 16 : i32
        %mul3A_1005 = arith.muli %add3A_999, %mul3A_1004 : i32
        %add3A_1006 = arith.constant 4096 : i32
        %add3A_1007 = arith.addi %add3A_1006, %mul3A_1005 : i32
        %get3A_1008 = arith.index_cast %add3A_1007 : i32 to index
        %get3A_1009 = tpu.vector_load %arg7[%get3A_1008] {strides = array<i32>} : memref<12288xf32, #tpu.memory_space<vmem>>, vector<16xf32>,
        %mul3A_1010 = arith.constant 16 : i32
        %mul3A_1011 = arith.muli %add3A_999, %mul3A_1010 : i32
        %add3A_1012 = arith.constant 8192 : i32
        %add3A_1013 = arith.addi %add3A_1012, %mul3A_1011 : i32
        %get3A_1014 = arith.index_cast %add3A_1013 : i32 to index
        %get3A_1015 = tpu.vector_load %arg7[%get3A_1014] {strides = array<i32>} : memref<12288xf32, #tpu.memory_space<vmem>>, vector<16xf32>,
        %mul3A_1016 = arith.constant 16 : i32
        %mul3A_1017 = arith.muli %add3A_999, %mul3A_1016 : i32
        %get3A_1018 = arith.index_cast %mul3A_1017 : i32 to index
        %get3A_1019 = tpu.vector_load %arg8[%get3A_1018] {strides = array<i32>} : memref<4096xf32, #tpu.memory_space<vmem>>, vector<16xf32>,
        %mul3A_1020 = arith.mulf %get3A_1003, %bitcast3A_78 : vector<16xf32>
        %mul3A_1021 = arith.mulf %get3A_1009, %bitcast3A_93 : vector<16xf32>
        %add3A_1022 = arith.addf %mul3A_1020, %mul3A_1021 : vector<16xf32>
        %mul3A_1023 = arith.mulf %get3A_1015, %bitcast3A_108 : vector<16xf32>
        %add3A_1024 = arith.addf %add3A_1022, %mul3A_1023 : vector<16xf32>
        %mul3A_1025 = arith.constant -2.000000e+00 : f32
        %mul3A_1026 = vector.broadcast %mul3A_1025 : f32 to vector<16xf32>
        %mul3A_1027 = arith.mulf %mul3A_1026, %add3A_1024 : vector<16xf32>
        %add3A_1028 = arith.addf %mul3A_1027, %add3A_113 : vector<16xf32>
        %add3A_1029 = arith.addf %add3A_1028, %get3A_1019 : vector<16xf32>
        %le3A = arith.constant 6.250000e-02 : f32
        %le3A_1030 = vector.broadcast %le3A : f32 to vector<16xf32>
        %le3A_1031 = arith.cmpf ole, %add3A_1029, %le3A_1030 : vector<16xf32>
        %mul3A_1032 = arith.constant 8 : i32
        %mul3A_1033 = arith.muli %while3A_993, %mul3A_1032 : i32
        %add3A_1034 = arith.constant 1 : i32
        %add3A_1035 = arith.addi %mul3A_1033, %add3A_1034 : i32
        %mul3A_1036 = arith.constant 16 : i32
        %mul3A_1037 = arith.muli %add3A_1035, %mul3A_1036 : i32
        %get3A_1038 = arith.index_cast %mul3A_1037 : i32 to index
        %get3A_1039 = tpu.vector_load %arg7[%get3A_1038] {strides = array<i32>} : memref<12288xf32, #tpu.memory_space<vmem>>, vector<16xf32>,
        %mul3A_1040 = arith.constant 16 : i32
        %mul3A_1041 = arith.muli %add3A_1035, %mul3A_1040 : i32
        %add3A_1042 = arith.constant 4096 : i32
        %add3A_1043 = arith.addi %add3A_1042, %mul3A_1041 : i32
        %get3A_1044 = arith.index_cast %add3A_1043 : i32 to index
        %get3A_1045 = tpu.vector_load %arg7[%get3A_1044] {strides = array<i32>} : memref<12288xf32, #tpu.memory_space<vmem>>, vector<16xf32>,
        %mul3A_1046 = arith.constant 16 : i32
        %mul3A_1047 = arith.muli %add3A_1035, %mul3A_1046 : i32
        %add3A_1048 = arith.constant 8192 : i32
        %add3A_1049 = arith.addi %add3A_1048, %mul3A_1047 : i32
        %get3A_1050 = arith.index_cast %add3A_1049 : i32 to index
        %get3A_1051 = tpu.vector_load %arg7[%get3A_1050] {strides = array<i32>} : memref<12288xf32, #tpu.memory_space<vmem>>, vector<16xf32>,
        %mul3A_1052 = arith.constant 16 : i32
        %mul3A_1053 = arith.muli %add3A_1035, %mul3A_1052 : i32
        %get3A_1054 = arith.index_cast %mul3A_1053 : i32 to index
        %get3A_1055 = tpu.vector_load %arg8[%get3A_1054] {strides = array<i32>} : memref<4096xf32, #tpu.memory_space<vmem>>, vector<16xf32>,
        %mul3A_1056 = arith.mulf %get3A_1039, %bitcast3A_78 : vector<16xf32>
        %mul3A_1057 = arith.mulf %get3A_1045, %bitcast3A_93 : vector<16xf32>
        %add3A_1058 = arith.addf %mul3A_1056, %mul3A_1057 : vector<16xf32>
        %mul3A_1059 = arith.mulf %get3A_1051, %bitcast3A_108 : vector<16xf32>
        %add3A_1060 = arith.addf %add3A_1058, %mul3A_1059 : vector<16xf32>
        %mul3A_1061 = arith.constant -2.000000e+00 : f32
        %mul3A_1062 = vector.broadcast %mul3A_1061 : f32 to vector<16xf32>
        %mul3A_1063 = arith.mulf %mul3A_1062, %add3A_1060 : vector<16xf32>
        %add3A_1064 = arith.addf %mul3A_1063, %add3A_113 : vector<16xf32>
        %add3A_1065 = arith.addf %add3A_1064, %get3A_1055 : vector<16xf32>
        %le3A_1066 = arith.constant 6.250000e-02 : f32
        %le3A_1067 = vector.broadcast %le3A_1066 : f32 to vector<16xf32>
        %le3A_1068 = arith.cmpf ole, %add3A_1065, %le3A_1067 : vector<16xf32>
        %mul3A_1069 = arith.constant 8 : i32
        %mul3A_1070 = arith.muli %while3A_993, %mul3A_1069 : i32
        %add3A_1071 = arith.constant 2 : i32
        %add3A_1072 = arith.addi %mul3A_1070, %add3A_1071 : i32
        %mul3A_1073 = arith.constant 16 : i32
        %mul3A_1074 = arith.muli %add3A_1072, %mul3A_1073 : i32
        %get3A_1075 = arith.index_cast %mul3A_1074 : i32 to index
        %get3A_1076 = tpu.vector_load %arg7[%get3A_1075] {strides = array<i32>} : memref<12288xf32, #tpu.memory_space<vmem>>, vector<16xf32>,
        %mul3A_1077 = arith.constant 16 : i32
        %mul3A_1078 = arith.muli %add3A_1072, %mul3A_1077 : i32
        %add3A_1079 = arith.constant 4096 : i32
        %add3A_1080 = arith.addi %add3A_1079, %mul3A_1078 : i32
        %get3A_1081 = arith.index_cast %add3A_1080 : i32 to index
        %get3A_1082 = tpu.vector_load %arg7[%get3A_1081] {strides = array<i32>} : memref<12288xf32, #tpu.memory_space<vmem>>, vector<16xf32>,
        %mul3A_1083 = arith.constant 16 : i32
        %mul3A_1084 = arith.muli %add3A_1072, %mul3A_1083 : i32
        %add3A_1085 = arith.constant 8192 : i32
        %add3A_1086 = arith.addi %add3A_1085, %mul3A_1084 : i32
        %get3A_1087 = arith.index_cast %add3A_1086 : i32 to index
        %get3A_1088 = tpu.vector_load %arg7[%get3A_1087] {strides = array<i32>} : memref<12288xf32, #tpu.memory_space<vmem>>, vector<16xf32>,
        %mul3A_1089 = arith.constant 16 : i32
        %mul3A_1090 = arith.muli %add3A_1072, %mul3A_1089 : i32
        %get3A_1091 = arith.index_cast %mul3A_1090 : i32 to index
        %get3A_1092 = tpu.vector_load %arg8[%get3A_1091] {strides = array<i32>} : memref<4096xf32, #tpu.memory_space<vmem>>, vector<16xf32>,
        %mul3A_1093 = arith.mulf %get3A_1076, %bitcast3A_78 : vector<16xf32>
        %mul3A_1094 = arith.mulf %get3A_1082, %bitcast3A_93 : vector<16xf32>
        %add3A_1095 = arith.addf %mul3A_1093, %mul3A_1094 : vector<16xf32>
        %mul3A_1096 = arith.mulf %get3A_1088, %bitcast3A_108 : vector<16xf32>
        %add3A_1097 = arith.addf %add3A_1095, %mul3A_1096 : vector<16xf32>
        %mul3A_1098 = arith.constant -2.000000e+00 : f32
        %mul3A_1099 = vector.broadcast %mul3A_1098 : f32 to vector<16xf32>
        %mul3A_1100 = arith.mulf %mul3A_1099, %add3A_1097 : vector<16xf32>
        %add3A_1101 = arith.addf %mul3A_1100, %add3A_113 : vector<16xf32>
        %add3A_1102 = arith.addf %add3A_1101, %get3A_1092 : vector<16xf32>
        %le3A_1103 = arith.constant 6.250000e-02 : f32
        %le3A_1104 = vector.broadcast %le3A_1103 : f32 to vector<16xf32>
        %le3A_1105 = arith.cmpf ole, %add3A_1102, %le3A_1104 : vector<16xf32>
        %mul3A_1106 = arith.constant 8 : i32
        %mul3A_1107 = arith.muli %while3A_993, %mul3A_1106 : i32
        %add3A_1108 = arith.constant 3 : i32
        %add3A_1109 = arith.addi %mul3A_1107, %add3A_1108 : i32
        %mul3A_1110 = arith.constant 16 : i32
        %mul3A_1111 = arith.muli %add3A_1109, %mul3A_1110 : i32
        %get3A_1112 = arith.index_cast %mul3A_1111 : i32 to index
        %get3A_1113 = tpu.vector_load %arg7[%get3A_1112] {strides = array<i32>} : memref<12288xf32, #tpu.memory_space<vmem>>, vector<16xf32>,
        %mul3A_1114 = arith.constant 16 : i32
        %mul3A_1115 = arith.muli %add3A_1109, %mul3A_1114 : i32
        %add3A_1116 = arith.constant 4096 : i32
        %add3A_1117 = arith.addi %add3A_1116, %mul3A_1115 : i32
        %get3A_1118 = arith.index_cast %add3A_1117 : i32 to index
        %get3A_1119 = tpu.vector_load %arg7[%get3A_1118] {strides = array<i32>} : memref<12288xf32, #tpu.memory_space<vmem>>, vector<16xf32>,
        %mul3A_1120 = arith.constant 16 : i32
        %mul3A_1121 = arith.muli %add3A_1109, %mul3A_1120 : i32
        %add3A_1122 = arith.constant 8192 : i32
        %add3A_1123 = arith.addi %add3A_1122, %mul3A_1121 : i32
        %get3A_1124 = arith.index_cast %add3A_1123 : i32 to index
        %get3A_1125 = tpu.vector_load %arg7[%get3A_1124] {strides = array<i32>} : memref<12288xf32, #tpu.memory_space<vmem>>, vector<16xf32>,
        %mul3A_1126 = arith.constant 16 : i32
        %mul3A_1127 = arith.muli %add3A_1109, %mul3A_1126 : i32
        %get3A_1128 = arith.index_cast %mul3A_1127 : i32 to index
        %get3A_1129 = tpu.vector_load %arg8[%get3A_1128] {strides = array<i32>} : memref<4096xf32, #tpu.memory_space<vmem>>, vector<16xf32>,
        %mul3A_1130 = arith.mulf %get3A_1113, %bitcast3A_78 : vector<16xf32>
        %mul3A_1131 = arith.mulf %get3A_1119, %bitcast3A_93 : vector<16xf32>
        %add3A_1132 = arith.addf %mul3A_1130, %mul3A_1131 : vector<16xf32>
        %mul3A_1133 = arith.mulf %get3A_1125, %bitcast3A_108 : vector<16xf32>
        %add3A_1134 = arith.addf %add3A_1132, %mul3A_1133 : vector<16xf32>
        %mul3A_1135 = arith.constant -2.000000e+00 : f32
        %mul3A_1136 = vector.broadcast %mul3A_1135 : f32 to vector<16xf32>
        %mul3A_1137 = arith.mulf %mul3A_1136, %add3A_1134 : vector<16xf32>
        %add3A_1138 = arith.addf %mul3A_1137, %add3A_113 : vector<16xf32>
        %add3A_1139 = arith.addf %add3A_1138, %get3A_1129 : vector<16xf32>
        %le3A_1140 = arith.constant 6.250000e-02 : f32
        %le3A_1141 = vector.broadcast %le3A_1140 : f32 to vector<16xf32>
        %le3A_1142 = arith.cmpf ole, %add3A_1139, %le3A_1141 : vector<16xf32>
        %mul3A_1143 = arith.constant 8 : i32
        %mul3A_1144 = arith.muli %while3A_993, %mul3A_1143 : i32
        %add3A_1145 = arith.constant 4 : i32
        %add3A_1146 = arith.addi %mul3A_1144, %add3A_1145 : i32
        %mul3A_1147 = arith.constant 16 : i32
        %mul3A_1148 = arith.muli %add3A_1146, %mul3A_1147 : i32
        %get3A_1149 = arith.index_cast %mul3A_1148 : i32 to index
        %get3A_1150 = tpu.vector_load %arg7[%get3A_1149] {strides = array<i32>} : memref<12288xf32, #tpu.memory_space<vmem>>, vector<16xf32>,
        %mul3A_1151 = arith.constant 16 : i32
        %mul3A_1152 = arith.muli %add3A_1146, %mul3A_1151 : i32
        %add3A_1153 = arith.constant 4096 : i32
        %add3A_1154 = arith.addi %add3A_1153, %mul3A_1152 : i32
        %get3A_1155 = arith.index_cast %add3A_1154 : i32 to index
        %get3A_1156 = tpu.vector_load %arg7[%get3A_1155] {strides = array<i32>} : memref<12288xf32, #tpu.memory_space<vmem>>, vector<16xf32>,
        %mul3A_1157 = arith.constant 16 : i32
        %mul3A_1158 = arith.muli %add3A_1146, %mul3A_1157 : i32
        %add3A_1159 = arith.constant 8192 : i32
        %add3A_1160 = arith.addi %add3A_1159, %mul3A_1158 : i32
        %get3A_1161 = arith.index_cast %add3A_1160 : i32 to index
        %get3A_1162 = tpu.vector_load %arg7[%get3A_1161] {strides = array<i32>} : memref<12288xf32, #tpu.memory_space<vmem>>, vector<16xf32>,
        %mul3A_1163 = arith.constant 16 : i32
        %mul3A_1164 = arith.muli %add3A_1146, %mul3A_1163 : i32
        %get3A_1165 = arith.index_cast %mul3A_1164 : i32 to index
        %get3A_1166 = tpu.vector_load %arg8[%get3A_1165] {strides = array<i32>} : memref<4096xf32, #tpu.memory_space<vmem>>, vector<16xf32>,
        %mul3A_1167 = arith.mulf %get3A_1150, %bitcast3A_78 : vector<16xf32>
        %mul3A_1168 = arith.mulf %get3A_1156, %bitcast3A_93 : vector<16xf32>
        %add3A_1169 = arith.addf %mul3A_1167, %mul3A_1168 : vector<16xf32>
        %mul3A_1170 = arith.mulf %get3A_1162, %bitcast3A_108 : vector<16xf32>
        %add3A_1171 = arith.addf %add3A_1169, %mul3A_1170 : vector<16xf32>
        %mul3A_1172 = arith.constant -2.000000e+00 : f32
        %mul3A_1173 = vector.broadcast %mul3A_1172 : f32 to vector<16xf32>
        %mul3A_1174 = arith.mulf %mul3A_1173, %add3A_1171 : vector<16xf32>
        %add3A_1175 = arith.addf %mul3A_1174, %add3A_113 : vector<16xf32>
        %add3A_1176 = arith.addf %add3A_1175, %get3A_1166 : vector<16xf32>
        %le3A_1177 = arith.constant 6.250000e-02 : f32
        %le3A_1178 = vector.broadcast %le3A_1177 : f32 to vector<16xf32>
        %le3A_1179 = arith.cmpf ole, %add3A_1176, %le3A_1178 : vector<16xf32>
        %mul3A_1180 = arith.constant 8 : i32
        %mul3A_1181 = arith.muli %while3A_993, %mul3A_1180 : i32
        %add3A_1182 = arith.constant 5 : i32
        %add3A_1183 = arith.addi %mul3A_1181, %add3A_1182 : i32
        %mul3A_1184 = arith.constant 16 : i32
        %mul3A_1185 = arith.muli %add3A_1183, %mul3A_1184 : i32
        %get3A_1186 = arith.index_cast %mul3A_1185 : i32 to index
        %get3A_1187 = tpu.vector_load %arg7[%get3A_1186] {strides = array<i32>} : memref<12288xf32, #tpu.memory_space<vmem>>, vector<16xf32>,
        %mul3A_1188 = arith.constant 16 : i32
        %mul3A_1189 = arith.muli %add3A_1183, %mul3A_1188 : i32
        %add3A_1190 = arith.constant 4096 : i32
        %add3A_1191 = arith.addi %add3A_1190, %mul3A_1189 : i32
        %get3A_1192 = arith.index_cast %add3A_1191 : i32 to index
        %get3A_1193 = tpu.vector_load %arg7[%get3A_1192] {strides = array<i32>} : memref<12288xf32, #tpu.memory_space<vmem>>, vector<16xf32>,
        %mul3A_1194 = arith.constant 16 : i32
        %mul3A_1195 = arith.muli %add3A_1183, %mul3A_1194 : i32
        %add3A_1196 = arith.constant 8192 : i32
        %add3A_1197 = arith.addi %add3A_1196, %mul3A_1195 : i32
        %get3A_1198 = arith.index_cast %add3A_1197 : i32 to index
        %get3A_1199 = tpu.vector_load %arg7[%get3A_1198] {strides = array<i32>} : memref<12288xf32, #tpu.memory_space<vmem>>, vector<16xf32>,
        %mul3A_1200 = arith.constant 16 : i32
        %mul3A_1201 = arith.muli %add3A_1183, %mul3A_1200 : i32
        %get3A_1202 = arith.index_cast %mul3A_1201 : i32 to index
        %get3A_1203 = tpu.vector_load %arg8[%get3A_1202] {strides = array<i32>} : memref<4096xf32, #tpu.memory_space<vmem>>, vector<16xf32>,
        %mul3A_1204 = arith.mulf %get3A_1187, %bitcast3A_78 : vector<16xf32>
        %mul3A_1205 = arith.mulf %get3A_1193, %bitcast3A_93 : vector<16xf32>
        %add3A_1206 = arith.addf %mul3A_1204, %mul3A_1205 : vector<16xf32>
        %mul3A_1207 = arith.mulf %get3A_1199, %bitcast3A_108 : vector<16xf32>
        %add3A_1208 = arith.addf %add3A_1206, %mul3A_1207 : vector<16xf32>
        %mul3A_1209 = arith.constant -2.000000e+00 : f32
        %mul3A_1210 = vector.broadcast %mul3A_1209 : f32 to vector<16xf32>
        %mul3A_1211 = arith.mulf %mul3A_1210, %add3A_1208 : vector<16xf32>
        %add3A_1212 = arith.addf %mul3A_1211, %add3A_113 : vector<16xf32>
        %add3A_1213 = arith.addf %add3A_1212, %get3A_1203 : vector<16xf32>
        %le3A_1214 = arith.constant 6.250000e-02 : f32
        %le3A_1215 = vector.broadcast %le3A_1214 : f32 to vector<16xf32>
        %le3A_1216 = arith.cmpf ole, %add3A_1213, %le3A_1215 : vector<16xf32>
        %mul3A_1217 = arith.constant 8 : i32
        %mul3A_1218 = arith.muli %while3A_993, %mul3A_1217 : i32
        %add3A_1219 = arith.constant 6 : i32
        %add3A_1220 = arith.addi %mul3A_1218, %add3A_1219 : i32
        %mul3A_1221 = arith.constant 16 : i32
        %mul3A_1222 = arith.muli %add3A_1220, %mul3A_1221 : i32
        %get3A_1223 = arith.index_cast %mul3A_1222 : i32 to index
        %get3A_1224 = tpu.vector_load %arg7[%get3A_1223] {strides = array<i32>} : memref<12288xf32, #tpu.memory_space<vmem>>, vector<16xf32>,
        %mul3A_1225 = arith.constant 16 : i32
        %mul3A_1226 = arith.muli %add3A_1220, %mul3A_1225 : i32
        %add3A_1227 = arith.constant 4096 : i32
        %add3A_1228 = arith.addi %add3A_1227, %mul3A_1226 : i32
        %get3A_1229 = arith.index_cast %add3A_1228 : i32 to index
        %get3A_1230 = tpu.vector_load %arg7[%get3A_1229] {strides = array<i32>} : memref<12288xf32, #tpu.memory_space<vmem>>, vector<16xf32>,
        %mul3A_1231 = arith.constant 16 : i32
        %mul3A_1232 = arith.muli %add3A_1220, %mul3A_1231 : i32
        %add3A_1233 = arith.constant 8192 : i32
        %add3A_1234 = arith.addi %add3A_1233, %mul3A_1232 : i32
        %get3A_1235 = arith.index_cast %add3A_1234 : i32 to index
        %get3A_1236 = tpu.vector_load %arg7[%get3A_1235] {strides = array<i32>} : memref<12288xf32, #tpu.memory_space<vmem>>, vector<16xf32>,
        %mul3A_1237 = arith.constant 16 : i32
        %mul3A_1238 = arith.muli %add3A_1220, %mul3A_1237 : i32
        %get3A_1239 = arith.index_cast %mul3A_1238 : i32 to index
        %get3A_1240 = tpu.vector_load %arg8[%get3A_1239] {strides = array<i32>} : memref<4096xf32, #tpu.memory_space<vmem>>, vector<16xf32>,
        %mul3A_1241 = arith.mulf %get3A_1224, %bitcast3A_78 : vector<16xf32>
        %mul3A_1242 = arith.mulf %get3A_1230, %bitcast3A_93 : vector<16xf32>
        %add3A_1243 = arith.addf %mul3A_1241, %mul3A_1242 : vector<16xf32>
        %mul3A_1244 = arith.mulf %get3A_1236, %bitcast3A_108 : vector<16xf32>
        %add3A_1245 = arith.addf %add3A_1243, %mul3A_1244 : vector<16xf32>
        %mul3A_1246 = arith.constant -2.000000e+00 : f32
        %mul3A_1247 = vector.broadcast %mul3A_1246 : f32 to vector<16xf32>
        %mul3A_1248 = arith.mulf %mul3A_1247, %add3A_1245 : vector<16xf32>
        %add3A_1249 = arith.addf %mul3A_1248, %add3A_113 : vector<16xf32>
        %add3A_1250 = arith.addf %add3A_1249, %get3A_1240 : vector<16xf32>
        %le3A_1251 = arith.constant 6.250000e-02 : f32
        %le3A_1252 = vector.broadcast %le3A_1251 : f32 to vector<16xf32>
        %le3A_1253 = arith.cmpf ole, %add3A_1250, %le3A_1252 : vector<16xf32>
        %mul3A_1254 = arith.constant 8 : i32
        %mul3A_1255 = arith.muli %while3A_993, %mul3A_1254 : i32
        %add3A_1256 = arith.constant 7 : i32
        %add3A_1257 = arith.addi %mul3A_1255, %add3A_1256 : i32
        %mul3A_1258 = arith.constant 16 : i32
        %mul3A_1259 = arith.muli %add3A_1257, %mul3A_1258 : i32
        %get3A_1260 = arith.index_cast %mul3A_1259 : i32 to index
        %get3A_1261 = tpu.vector_load %arg7[%get3A_1260] {strides = array<i32>} : memref<12288xf32, #tpu.memory_space<vmem>>, vector<16xf32>,
        %mul3A_1262 = arith.constant 16 : i32
        %mul3A_1263 = arith.muli %add3A_1257, %mul3A_1262 : i32
        %add3A_1264 = arith.constant 4096 : i32
        %add3A_1265 = arith.addi %add3A_1264, %mul3A_1263 : i32
        %get3A_1266 = arith.index_cast %add3A_1265 : i32 to index
        %get3A_1267 = tpu.vector_load %arg7[%get3A_1266] {strides = array<i32>} : memref<12288xf32, #tpu.memory_space<vmem>>, vector<16xf32>,
        %mul3A_1268 = arith.constant 16 : i32
        %mul3A_1269 = arith.muli %add3A_1257, %mul3A_1268 : i32
        %add3A_1270 = arith.constant 8192 : i32
        %add3A_1271 = arith.addi %add3A_1270, %mul3A_1269 : i32
        %get3A_1272 = arith.index_cast %add3A_1271 : i32 to index
        %get3A_1273 = tpu.vector_load %arg7[%get3A_1272] {strides = array<i32>} : memref<12288xf32, #tpu.memory_space<vmem>>, vector<16xf32>,
        %mul3A_1274 = arith.constant 16 : i32
        %mul3A_1275 = arith.muli %add3A_1257, %mul3A_1274 : i32
        %get3A_1276 = arith.index_cast %mul3A_1275 : i32 to index
        %get3A_1277 = tpu.vector_load %arg8[%get3A_1276] {strides = array<i32>} : memref<4096xf32, #tpu.memory_space<vmem>>, vector<16xf32>,
        %mul3A_1278 = arith.mulf %get3A_1261, %bitcast3A_78 : vector<16xf32>
        %mul3A_1279 = arith.mulf %get3A_1267, %bitcast3A_93 : vector<16xf32>
        %add3A_1280 = arith.addf %mul3A_1278, %mul3A_1279 : vector<16xf32>
        %mul3A_1281 = arith.mulf %get3A_1273, %bitcast3A_108 : vector<16xf32>
        %add3A_1282 = arith.addf %add3A_1280, %mul3A_1281 : vector<16xf32>
        %mul3A_1283 = arith.constant -2.000000e+00 : f32
        %mul3A_1284 = vector.broadcast %mul3A_1283 : f32 to vector<16xf32>
        %mul3A_1285 = arith.mulf %mul3A_1284, %add3A_1282 : vector<16xf32>
        %add3A_1286 = arith.addf %mul3A_1285, %add3A_113 : vector<16xf32>
        %add3A_1287 = arith.addf %add3A_1286, %get3A_1277 : vector<16xf32>
        %le3A_1288 = arith.constant 6.250000e-02 : f32
        %le3A_1289 = vector.broadcast %le3A_1288 : f32 to vector<16xf32>
        %le3A_1290 = arith.cmpf ole, %add3A_1287, %le3A_1289 : vector<16xf32>
        %mul3A_1291 = arith.constant 8 : i32
        %mul3A_1292 = arith.muli %while3A_993, %mul3A_1291 : i32
        %add3A_1293 = arith.constant 0 : i32
        %add3A_1294 = arith.addi %mul3A_1292, %add3A_1293 : i32
        %convert_element_type3A_1295 = arith.extui %le3A_1031 : vector<16xi1> to vector<16xi32>
        %broadcast_in_dim3A_1296 = arith.constant true
        %broadcast_in_dim3A_1297 = vector.broadcast %broadcast_in_dim3A_1296 : i1 to vector<16xi1>
        %masked_cumsum3A = tpu.scan <sum>, %convert_element_type3A_1295 masked %broadcast_in_dim3A_1297 : vector<16xi32>, vector<16xi1> -> vector<16xi32>
        %add3A_1298 = arith.addi %broadcast_in_dim3A_995, %masked_cumsum3A : vector<16xi32>
        %sub3A_1299 = arith.constant 1 : i32
        %sub3A_1300 = vector.broadcast %sub3A_1299 : i32 to vector<16xi32>
        %sub3A_1301 = arith.subi %add3A_1298, %sub3A_1300 : vector<16xi32>
        %mul3A_1302 = arith.constant 16 : i32
        %mul3A_1303 = arith.muli %add3A_1294, %mul3A_1302 : i32
        %add3A_1304 = vector.broadcast %mul3A_1303 : i32 to vector<16xi32>
        %add3A_1305 = arith.addi %iota3A, %add3A_1304 : vector<16xi32>
        tpu.vector_store_idx %arg10[%sub3A_1301], %add3A_1305 masked %le3A_1031 : memref<160xi32, #tpu.memory_space<vmem>>[vector<16xi32>], vector<16xi32>, vector<16xi1>
        %all_reduce_population_count3A = tpu.all_reduce %le3A_1031 {dim = 0 : i64, kind = #tpu.reduction_kind<sum>} : vector<16xi1> -> vector<16xi32>
        %add3A_1306 = arith.addi %broadcast_in_dim3A_995, %all_reduce_population_count3A : vector<16xi32>
        %mul3A_1307 = arith.constant 8 : i32
        %mul3A_1308 = arith.muli %while3A_993, %mul3A_1307 : i32
        %add3A_1309 = arith.constant 1 : i32
        %add3A_1310 = arith.addi %mul3A_1308, %add3A_1309 : i32
        %convert_element_type3A_1311 = arith.extui %le3A_1068 : vector<16xi1> to vector<16xi32>
        %broadcast_in_dim3A_1312 = arith.constant true
        %broadcast_in_dim3A_1313 = vector.broadcast %broadcast_in_dim3A_1312 : i1 to vector<16xi1>
        %masked_cumsum3A_1314 = tpu.scan <sum>, %convert_element_type3A_1311 masked %broadcast_in_dim3A_1313 : vector<16xi32>, vector<16xi1> -> vector<16xi32>
        %add3A_1315 = arith.addi %add3A_1306, %masked_cumsum3A_1314 : vector<16xi32>
        %sub3A_1316 = arith.constant 1 : i32
        %sub3A_1317 = vector.broadcast %sub3A_1316 : i32 to vector<16xi32>
        %sub3A_1318 = arith.subi %add3A_1315, %sub3A_1317 : vector<16xi32>
        %mul3A_1319 = arith.constant 16 : i32
        %mul3A_1320 = arith.muli %add3A_1310, %mul3A_1319 : i32
        %add3A_1321 = vector.broadcast %mul3A_1320 : i32 to vector<16xi32>
        %add3A_1322 = arith.addi %iota3A, %add3A_1321 : vector<16xi32>
        tpu.vector_store_idx %arg10[%sub3A_1318], %add3A_1322 masked %le3A_1068 : memref<160xi32, #tpu.memory_space<vmem>>[vector<16xi32>], vector<16xi32>, vector<16xi1>
        %all_reduce_population_count3A_1323 = tpu.all_reduce %le3A_1068 {dim = 0 : i64, kind = #tpu.reduction_kind<sum>} : vector<16xi1> -> vector<16xi32>
        %add3A_1324 = arith.addi %add3A_1306, %all_reduce_population_count3A_1323 : vector<16xi32>
        %mul3A_1325 = arith.constant 8 : i32
        %mul3A_1326 = arith.muli %while3A_993, %mul3A_1325 : i32
        %add3A_1327 = arith.constant 2 : i32
        %add3A_1328 = arith.addi %mul3A_1326, %add3A_1327 : i32
        %convert_element_type3A_1329 = arith.extui %le3A_1105 : vector<16xi1> to vector<16xi32>
        %broadcast_in_dim3A_1330 = arith.constant true
        %broadcast_in_dim3A_1331 = vector.broadcast %broadcast_in_dim3A_1330 : i1 to vector<16xi1>
        %masked_cumsum3A_1332 = tpu.scan <sum>, %convert_element_type3A_1329 masked %broadcast_in_dim3A_1331 : vector<16xi32>, vector<16xi1> -> vector<16xi32>
        %add3A_1333 = arith.addi %add3A_1324, %masked_cumsum3A_1332 : vector<16xi32>
        %sub3A_1334 = arith.constant 1 : i32
        %sub3A_1335 = vector.broadcast %sub3A_1334 : i32 to vector<16xi32>
        %sub3A_1336 = arith.subi %add3A_1333, %sub3A_1335 : vector<16xi32>
        %mul3A_1337 = arith.constant 16 : i32
        %mul3A_1338 = arith.muli %add3A_1328, %mul3A_1337 : i32
        %add3A_1339 = vector.broadcast %mul3A_1338 : i32 to vector<16xi32>
        %add3A_1340 = arith.addi %iota3A, %add3A_1339 : vector<16xi32>
        tpu.vector_store_idx %arg10[%sub3A_1336], %add3A_1340 masked %le3A_1105 : memref<160xi32, #tpu.memory_space<vmem>>[vector<16xi32>], vector<16xi32>, vector<16xi1>
        %all_reduce_population_count3A_1341 = tpu.all_reduce %le3A_1105 {dim = 0 : i64, kind = #tpu.reduction_kind<sum>} : vector<16xi1> -> vector<16xi32>
        %add3A_1342 = arith.addi %add3A_1324, %all_reduce_population_count3A_1341 : vector<16xi32>
        %mul3A_1343 = arith.constant 8 : i32
        %mul3A_1344 = arith.muli %while3A_993, %mul3A_1343 : i32
        %add3A_1345 = arith.constant 3 : i32
        %add3A_1346 = arith.addi %mul3A_1344, %add3A_1345 : i32
        %convert_element_type3A_1347 = arith.extui %le3A_1142 : vector<16xi1> to vector<16xi32>
        %broadcast_in_dim3A_1348 = arith.constant true
        %broadcast_in_dim3A_1349 = vector.broadcast %broadcast_in_dim3A_1348 : i1 to vector<16xi1>
        %masked_cumsum3A_1350 = tpu.scan <sum>, %convert_element_type3A_1347 masked %broadcast_in_dim3A_1349 : vector<16xi32>, vector<16xi1> -> vector<16xi32>
        %add3A_1351 = arith.addi %add3A_1342, %masked_cumsum3A_1350 : vector<16xi32>
        %sub3A_1352 = arith.constant 1 : i32
        %sub3A_1353 = vector.broadcast %sub3A_1352 : i32 to vector<16xi32>
        %sub3A_1354 = arith.subi %add3A_1351, %sub3A_1353 : vector<16xi32>
        %mul3A_1355 = arith.constant 16 : i32
        %mul3A_1356 = arith.muli %add3A_1346, %mul3A_1355 : i32
        %add3A_1357 = vector.broadcast %mul3A_1356 : i32 to vector<16xi32>
        %add3A_1358 = arith.addi %iota3A, %add3A_1357 : vector<16xi32>
        tpu.vector_store_idx %arg10[%sub3A_1354], %add3A_1358 masked %le3A_1142 : memref<160xi32, #tpu.memory_space<vmem>>[vector<16xi32>], vector<16xi32>, vector<16xi1>
        %all_reduce_population_count3A_1359 = tpu.all_reduce %le3A_1142 {dim = 0 : i64, kind = #tpu.reduction_kind<sum>} : vector<16xi1> -> vector<16xi32>
        %add3A_1360 = arith.addi %add3A_1342, %all_reduce_population_count3A_1359 : vector<16xi32>
        %mul3A_1361 = arith.constant 8 : i32
        %mul3A_1362 = arith.muli %while3A_993, %mul3A_1361 : i32
        %add3A_1363 = arith.constant 4 : i32
        %add3A_1364 = arith.addi %mul3A_1362, %add3A_1363 : i32
        %convert_element_type3A_1365 = arith.extui %le3A_1179 : vector<16xi1> to vector<16xi32>
        %broadcast_in_dim3A_1366 = arith.constant true
        %broadcast_in_dim3A_1367 = vector.broadcast %broadcast_in_dim3A_1366 : i1 to vector<16xi1>
        %masked_cumsum3A_1368 = tpu.scan <sum>, %convert_element_type3A_1365 masked %broadcast_in_dim3A_1367 : vector<16xi32>, vector<16xi1> -> vector<16xi32>
        %add3A_1369 = arith.addi %add3A_1360, %masked_cumsum3A_1368 : vector<16xi32>
        %sub3A_1370 = arith.constant 1 : i32
        %sub3A_1371 = vector.broadcast %sub3A_1370 : i32 to vector<16xi32>
        %sub3A_1372 = arith.subi %add3A_1369, %sub3A_1371 : vector<16xi32>
        %mul3A_1373 = arith.constant 16 : i32
        %mul3A_1374 = arith.muli %add3A_1364, %mul3A_1373 : i32
        %add3A_1375 = vector.broadcast %mul3A_1374 : i32 to vector<16xi32>
        %add3A_1376 = arith.addi %iota3A, %add3A_1375 : vector<16xi32>
        tpu.vector_store_idx %arg10[%sub3A_1372], %add3A_1376 masked %le3A_1179 : memref<160xi32, #tpu.memory_space<vmem>>[vector<16xi32>], vector<16xi32>, vector<16xi1>
        %all_reduce_population_count3A_1377 = tpu.all_reduce %le3A_1179 {dim = 0 : i64, kind = #tpu.reduction_kind<sum>} : vector<16xi1> -> vector<16xi32>
        %add3A_1378 = arith.addi %add3A_1360, %all_reduce_population_count3A_1377 : vector<16xi32>
        %mul3A_1379 = arith.constant 8 : i32
        %mul3A_1380 = arith.muli %while3A_993, %mul3A_1379 : i32
        %add3A_1381 = arith.constant 5 : i32
        %add3A_1382 = arith.addi %mul3A_1380, %add3A_1381 : i32
        %convert_element_type3A_1383 = arith.extui %le3A_1216 : vector<16xi1> to vector<16xi32>
        %broadcast_in_dim3A_1384 = arith.constant true
        %broadcast_in_dim3A_1385 = vector.broadcast %broadcast_in_dim3A_1384 : i1 to vector<16xi1>
        %masked_cumsum3A_1386 = tpu.scan <sum>, %convert_element_type3A_1383 masked %broadcast_in_dim3A_1385 : vector<16xi32>, vector<16xi1> -> vector<16xi32>
        %add3A_1387 = arith.addi %add3A_1378, %masked_cumsum3A_1386 : vector<16xi32>
        %sub3A_1388 = arith.constant 1 : i32
        %sub3A_1389 = vector.broadcast %sub3A_1388 : i32 to vector<16xi32>
        %sub3A_1390 = arith.subi %add3A_1387, %sub3A_1389 : vector<16xi32>
        %mul3A_1391 = arith.constant 16 : i32
        %mul3A_1392 = arith.muli %add3A_1382, %mul3A_1391 : i32
        %add3A_1393 = vector.broadcast %mul3A_1392 : i32 to vector<16xi32>
        %add3A_1394 = arith.addi %iota3A, %add3A_1393 : vector<16xi32>
        tpu.vector_store_idx %arg10[%sub3A_1390], %add3A_1394 masked %le3A_1216 : memref<160xi32, #tpu.memory_space<vmem>>[vector<16xi32>], vector<16xi32>, vector<16xi1>
        %all_reduce_population_count3A_1395 = tpu.all_reduce %le3A_1216 {dim = 0 : i64, kind = #tpu.reduction_kind<sum>} : vector<16xi1> -> vector<16xi32>
        %add3A_1396 = arith.addi %add3A_1378, %all_reduce_population_count3A_1395 : vector<16xi32>
        %mul3A_1397 = arith.constant 8 : i32
        %mul3A_1398 = arith.muli %while3A_993, %mul3A_1397 : i32
        %add3A_1399 = arith.constant 6 : i32
        %add3A_1400 = arith.addi %mul3A_1398, %add3A_1399 : i32
        %convert_element_type3A_1401 = arith.extui %le3A_1253 : vector<16xi1> to vector<16xi32>
        %broadcast_in_dim3A_1402 = arith.constant true
        %broadcast_in_dim3A_1403 = vector.broadcast %broadcast_in_dim3A_1402 : i1 to vector<16xi1>
        %masked_cumsum3A_1404 = tpu.scan <sum>, %convert_element_type3A_1401 masked %broadcast_in_dim3A_1403 : vector<16xi32>, vector<16xi1> -> vector<16xi32>
        %add3A_1405 = arith.addi %add3A_1396, %masked_cumsum3A_1404 : vector<16xi32>
        %sub3A_1406 = arith.constant 1 : i32
        %sub3A_1407 = vector.broadcast %sub3A_1406 : i32 to vector<16xi32>
        %sub3A_1408 = arith.subi %add3A_1405, %sub3A_1407 : vector<16xi32>
        %mul3A_1409 = arith.constant 16 : i32
        %mul3A_1410 = arith.muli %add3A_1400, %mul3A_1409 : i32
        %add3A_1411 = vector.broadcast %mul3A_1410 : i32 to vector<16xi32>
        %add3A_1412 = arith.addi %iota3A, %add3A_1411 : vector<16xi32>
        tpu.vector_store_idx %arg10[%sub3A_1408], %add3A_1412 masked %le3A_1253 : memref<160xi32, #tpu.memory_space<vmem>>[vector<16xi32>], vector<16xi32>, vector<16xi1>
        %all_reduce_population_count3A_1413 = tpu.all_reduce %le3A_1253 {dim = 0 : i64, kind = #tpu.reduction_kind<sum>} : vector<16xi1> -> vector<16xi32>
        %add3A_1414 = arith.addi %add3A_1396, %all_reduce_population_count3A_1413 : vector<16xi32>
        %mul3A_1415 = arith.constant 8 : i32
        %mul3A_1416 = arith.muli %while3A_993, %mul3A_1415 : i32
        %add3A_1417 = arith.constant 7 : i32
        %add3A_1418 = arith.addi %mul3A_1416, %add3A_1417 : i32
        %convert_element_type3A_1419 = arith.extui %le3A_1290 : vector<16xi1> to vector<16xi32>
        %broadcast_in_dim3A_1420 = arith.constant true
        %broadcast_in_dim3A_1421 = vector.broadcast %broadcast_in_dim3A_1420 : i1 to vector<16xi1>
        %masked_cumsum3A_1422 = tpu.scan <sum>, %convert_element_type3A_1419 masked %broadcast_in_dim3A_1421 : vector<16xi32>, vector<16xi1> -> vector<16xi32>
        %add3A_1423 = arith.addi %add3A_1414, %masked_cumsum3A_1422 : vector<16xi32>
        %sub3A_1424 = arith.constant 1 : i32
        %sub3A_1425 = vector.broadcast %sub3A_1424 : i32 to vector<16xi32>
        %sub3A_1426 = arith.subi %add3A_1423, %sub3A_1425 : vector<16xi32>
        %mul3A_1427 = arith.constant 16 : i32
        %mul3A_1428 = arith.muli %add3A_1418, %mul3A_1427 : i32
        %add3A_1429 = vector.broadcast %mul3A_1428 : i32 to vector<16xi32>
        %add3A_1430 = arith.addi %iota3A, %add3A_1429 : vector<16xi32>
        tpu.vector_store_idx %arg10[%sub3A_1426], %add3A_1430 masked %le3A_1290 : memref<160xi32, #tpu.memory_space<vmem>>[vector<16xi32>], vector<16xi32>, vector<16xi1>
        %all_reduce_population_count3A_1431 = tpu.all_reduce %le3A_1290 {dim = 0 : i64, kind = #tpu.reduction_kind<sum>} : vector<16xi1> -> vector<16xi32>
        %add3A_1432 = arith.addi %add3A_1414, %all_reduce_population_count3A_1431 : vector<16xi32>
        %add3A_1433 = arith.constant 1 : i32
        %add3A_1434 = arith.addi %while3A_993, %add3A_1433 : i32
        %reduce_max3A = arith.constant true
        %reduce_max3A_1435 = vector.broadcast %reduce_max3A : i1 to vector<16xi1>
        %reduce_max3A_1436 = arith.constant -2147483648 : i32
        %reduce_max3A_1437 = vector.broadcast %reduce_max3A_1436 : i32 to vector<16xi32>
        %reduce_max3A_1438 = arith.xori %add3A_1432, %reduce_max3A_1437 : vector<16xi32>
        %reduce_max3A_1439 = tpu.scan <max>, %reduce_max3A_1438 masked %reduce_max3A_1435 : vector<16xi32>, vector<16xi1> -> vector<16xi32>
        %reduce_max3A_1440 = arith.xori %reduce_max3A_1439, %reduce_max3A_1437 : vector<16xi32>
        %reduce_max3A_1441 = vector.extract %reduce_max3A_1440[15] : i32 from vector<16xi32>
        scf.yield %add3A_1434, %reduce_max3A_1441 : i32, i32
      }
      %get3A = arith.constant 0 : index
      %get3A_119 = tpu.vector_load %arg10[%get3A] {strides = array<i32>} : memref<160xi32, #tpu.memory_space<vmem>>, vector<16xi32>,
      %get3A_120 = arith.constant 16 : index
      %get3A_121 = tpu.vector_load %arg10[%get3A_120] {strides = array<i32>} : memref<160xi32, #tpu.memory_space<vmem>>, vector<16xi32>,
      %reduce_min3A = arith.constant true
      %reduce_min3A_122 = vector.broadcast %reduce_min3A : i1 to vector<16xi1>
      %reduce_min3A_123 = arith.constant -2147483648 : i32
      %reduce_min3A_124 = vector.broadcast %reduce_min3A_123 : i32 to vector<16xi32>
      %reduce_min3A_125 = arith.xori %get3A_119, %reduce_min3A_124 : vector<16xi32>
      %reduce_min3A_126 = tpu.scan <min>, %reduce_min3A_125 masked %reduce_min3A_122 : vector<16xi32>, vector<16xi1> -> vector<16xi32>
      %reduce_min3A_127 = arith.xori %reduce_min3A_126, %reduce_min3A_124 : vector<16xi32>
      %reduce_min3A_128 = vector.extract %reduce_min3A_127[15] : i32 from vector<16xi32>
      %broadcast_in_dim3A_129 = vector.broadcast %reduce_min3A_128 : i32 to vector<16xi32>
      %lt3A_130 = vector.broadcast %while3A_118#1 : i32 to vector<16xi32>
      %lt3A_131 = arith.cmpi slt, %iota3A, %lt3A_130 : vector<16xi32>
      %select_n3A_132 = arith.select %lt3A_131, %get3A_119, %broadcast_in_dim3A_129 : vector<16xi1>, vector<16xi32>
      %add3A_133 = arith.constant 16 : i32
      %add3A_134 = vector.broadcast %add3A_133 : i32 to vector<16xi32>
      %add3A_135 = arith.addi %iota3A, %add3A_134 : vector<16xi32>
      %lt3A_136 = vector.broadcast %while3A_118#1 : i32 to vector<16xi32>
      %lt3A_137 = arith.cmpi slt, %add3A_135, %lt3A_136 : vector<16xi32>
      %select_n3A_138 = arith.select %lt3A_137, %get3A_121, %broadcast_in_dim3A_129 : vector<16xi1>, vector<16xi32>
      %mul3A_139 = arith.constant 4096 : i32
      %mul3A_140 = arith.muli %select_n3A, %mul3A_139 : i32
      %add3A_141 = vector.broadcast %mul3A_140 : i32 to vector<16xi32>
      %add3A_142 = arith.addi %select_n3A_132, %add3A_141 : vector<16xi32>
      %swap3A_143 = arith.constant 0 : index
      %swap3A_144 = tpu.vector_load %arg11[%swap3A_143] {strides = array<i32>} : memref<32xi32, #tpu.memory_space<vmem>>, vector<16xi32>,
      tpu.vector_store %arg11[%swap3A_143], %add3A_142 {strides = array<i32>} : memref<32xi32, #tpu.memory_space<vmem>>, vector<16xi32>,
      %mul3A_145 = arith.constant 4096 : i32
      %mul3A_146 = arith.muli %select_n3A, %mul3A_145 : i32
      %add3A_147 = vector.broadcast %mul3A_146 : i32 to vector<16xi32>
      %add3A_148 = arith.addi %select_n3A_138, %add3A_147 : vector<16xi32>
      %swap3A_149 = arith.constant 16 : index
      %swap3A_150 = tpu.vector_load %arg11[%swap3A_149] {strides = array<i32>} : memref<32xi32, #tpu.memory_space<vmem>>, vector<16xi32>,
      tpu.vector_store %arg11[%swap3A_149], %add3A_148 {strides = array<i32>} : memref<32xi32, #tpu.memory_space<vmem>>, vector<16xi32>,
      %dma_start3A = arith.constant 0 : i32
      %dma_start3A_151 = arith.constant 0 : i32
      %dma_start3A_152 = tpu.memref_slice %arg4[%dma_start3A, %dma_start3A_151] : memref<32768x64xf32, #tpu.memory_space<hbm>> -> memref<32768x64xf32, #tpu.memory_space<hbm>>
      tpu.enqueue_indirect_dma source(%dma_start3A_152 : memref<32768x64xf32, #tpu.memory_space<hbm>>) target(%arg12 : memref<32x64xf32, #tpu.memory_space<vmem>>) offsets(%arg11 : memref<32xi32, #tpu.memory_space<vmem>>) semaphore(%arg14 : memref<!tpu.dma_semaphore, #tpu.memory_space<semaphore_mem>>)
      %gt3A = arith.constant 0 : i32
      %gt3A_153 = arith.cmpi sgt, %scan3A_56, %gt3A : i32
      %convert_element_type3A = arith.extui %gt3A_153 : i1 to i32
      %cond3A = arith.constant 0 : i32
      %cond3A_154 = arith.cmpi ne, %convert_element_type3A, %cond3A : i32
      scf.if %cond3A_154 {
        %dma_wait3A_993 = arith.constant 0 : i32
        %dma_wait3A_994 = tpu.memref_slice %arg5[%select_n3A, %mul3A_32, %dma_wait3A_993] : memref<8x1024x2144xf32, #tpu.memory_space<hbm>> -> memref<1x1x2144xf32, #tpu.memory_space<hbm>>
        %dma_wait3A_995 = tpu.memref_squeeze %dma_wait3A_994 : memref<1x1x2144xf32, #tpu.memory_space<hbm>> -> memref<2144xf32, #tpu.memory_space<hbm>>
        %dma_wait3A_996 = arith.constant 0 : i32
        %dma_wait3A_997 = tpu.memref_slice %arg5[%select_n3A, %mul3A_32, %dma_wait3A_996] : memref<8x1024x2144xf32, #tpu.memory_space<hbm>> -> memref<1x1x2144xf32, #tpu.memory_space<hbm>>
        %dma_wait3A_998 = tpu.memref_squeeze %dma_wait3A_997 : memref<1x1x2144xf32, #tpu.memory_space<hbm>> -> memref<2144xf32, #tpu.memory_space<hbm>>
        tpu.wait_dma2 semaphore(%arg15 : memref<!tpu.dma_semaphore, #tpu.memory_space<semaphore_mem>>) src(%dma_wait3A_998 : memref<2144xf32, #tpu.memory_space<hbm>>) dst(%arg13 : memref<2144xf32, #tpu.memory_space<vmem>>)
      } else {
      }
      %add3A_155 = arith.constant 0 : i32
      %add3A_156 = vector.broadcast %add3A_155 : i32 to vector<16xi32>
      %add3A_157 = arith.addi %iota3A, %add3A_156 : vector<16xi32>
      %mul3A_158 = arith.constant 67 : i32
      %mul3A_159 = vector.broadcast %mul3A_158 : i32 to vector<16xi32>
      %mul3A_160 = arith.muli %add3A_157, %mul3A_159 : vector<16xi32>
      %add3A_161 = arith.constant 0 : i32
      %add3A_162 = vector.broadcast %add3A_161 : i32 to vector<16xi32>
      %add3A_163 = arith.addi %select_n3A_132, %add3A_162 : vector<16xi32>
      %gather3A_164 = tpu.vector_load_idx %arg6[%add3A_163] : memref<12288xf32, #tpu.memory_space<vmem>>[vector<16xi32>], vector<16xf32>,
      %add3A_165 = arith.constant 0 : i32
      %add3A_166 = vector.broadcast %add3A_165 : i32 to vector<16xi32>
      %add3A_167 = arith.addi %mul3A_160, %add3A_166 : vector<16xi32>
      %sub3A_168 = arith.subf %gather3A_164, %gather3A : vector<16xf32>
      tpu.vector_store_idx %arg13[%add3A_167], %sub3A_168 : memref<2144xf32, #tpu.memory_space<vmem>>[vector<16xi32>], vector<16xf32>,
      %add3A_169 = arith.constant 4096 : i32
      %add3A_170 = vector.broadcast %add3A_169 : i32 to vector<16xi32>
      %add3A_171 = arith.addi %select_n3A_132, %add3A_170 : vector<16xi32>
      %gather3A_172 = tpu.vector_load_idx %arg6[%add3A_171] : memref<12288xf32, #tpu.memory_space<vmem>>[vector<16xi32>], vector<16xf32>,
      %add3A_173 = arith.constant 1 : i32
      %add3A_174 = vector.broadcast %add3A_173 : i32 to vector<16xi32>
      %add3A_175 = arith.addi %mul3A_160, %add3A_174 : vector<16xi32>
      %sub3A_176 = arith.subf %gather3A_172, %gather3A_61 : vector<16xf32>
      tpu.vector_store_idx %arg13[%add3A_175], %sub3A_176 : memref<2144xf32, #tpu.memory_space<vmem>>[vector<16xi32>], vector<16xf32>,
      %add3A_177 = arith.constant 8192 : i32
      %add3A_178 = vector.broadcast %add3A_177 : i32 to vector<16xi32>
      %add3A_179 = arith.addi %select_n3A_132, %add3A_178 : vector<16xi32>
      %gather3A_180 = tpu.vector_load_idx %arg6[%add3A_179] : memref<12288xf32, #tpu.memory_space<vmem>>[vector<16xi32>], vector<16xf32>,
      %add3A_181 = arith.constant 2 : i32
      %add3A_182 = vector.broadcast %add3A_181 : i32 to vector<16xi32>
      %add3A_183 = arith.addi %mul3A_160, %add3A_182 : vector<16xi32>
      %sub3A_184 = arith.subf %gather3A_180, %gather3A_65 : vector<16xf32>
      tpu.vector_store_idx %arg13[%add3A_183], %sub3A_184 : memref<2144xf32, #tpu.memory_space<vmem>>[vector<16xi32>], vector<16xf32>,
      %add3A_185 = arith.constant 16 : i32
      %add3A_186 = vector.broadcast %add3A_185 : i32 to vector<16xi32>
      %add3A_187 = arith.addi %iota3A, %add3A_186 : vector<16xi32>
      %mul3A_188 = arith.constant 67 : i32
      %mul3A_189 = vector.broadcast %mul3A_188 : i32 to vector<16xi32>
      %mul3A_190 = arith.muli %add3A_187, %mul3A_189 : vector<16xi32>
      %add3A_191 = arith.constant 0 : i32
      %add3A_192 = vector.broadcast %add3A_191 : i32 to vector<16xi32>
      %add3A_193 = arith.addi %select_n3A_138, %add3A_192 : vector<16xi32>
      %gather3A_194 = tpu.vector_load_idx %arg6[%add3A_193] : memref<12288xf32, #tpu.memory_space<vmem>>[vector<16xi32>], vector<16xf32>,
      %add3A_195 = arith.constant 0 : i32
      %add3A_196 = vector.broadcast %add3A_195 : i32 to vector<16xi32>
      %add3A_197 = arith.addi %mul3A_190, %add3A_196 : vector<16xi32>
      %sub3A_198 = arith.subf %gather3A_194, %gather3A : vector<16xf32>
      tpu.vector_store_idx %arg13[%add3A_197], %sub3A_198 : memref<2144xf32, #tpu.memory_space<vmem>>[vector<16xi32>], vector<16xf32>,
      %add3A_199 = arith.constant 4096 : i32
      %add3A_200 = vector.broadcast %add3A_199 : i32 to vector<16xi32>
      %add3A_201 = arith.addi %select_n3A_138, %add3A_200 : vector<16xi32>
      %gather3A_202 = tpu.vector_load_idx %arg6[%add3A_201] : memref<12288xf32, #tpu.memory_space<vmem>>[vector<16xi32>], vector<16xf32>,
      %add3A_203 = arith.constant 1 : i32
      %add3A_204 = vector.broadcast %add3A_203 : i32 to vector<16xi32>
      %add3A_205 = arith.addi %mul3A_190, %add3A_204 : vector<16xi32>
      %sub3A_206 = arith.subf %gather3A_202, %gather3A_61 : vector<16xf32>
      tpu.vector_store_idx %arg13[%add3A_205], %sub3A_206 : memref<2144xf32, #tpu.memory_space<vmem>>[vector<16xi32>], vector<16xf32>,
      %add3A_207 = arith.constant 8192 : i32
      %add3A_208 = vector.broadcast %add3A_207 : i32 to vector<16xi32>
      %add3A_209 = arith.addi %select_n3A_138, %add3A_208 : vector<16xi32>
      %gather3A_210 = tpu.vector_load_idx %arg6[%add3A_209] : memref<12288xf32, #tpu.memory_space<vmem>>[vector<16xi32>], vector<16xf32>,
      %add3A_211 = arith.constant 2 : i32
      %add3A_212 = vector.broadcast %add3A_211 : i32 to vector<16xi32>
      %add3A_213 = arith.addi %mul3A_190, %add3A_212 : vector<16xi32>
      %sub3A_214 = arith.subf %gather3A_210, %gather3A_65 : vector<16xf32>
      tpu.vector_store_idx %arg13[%add3A_213], %sub3A_214 : memref<2144xf32, #tpu.memory_space<vmem>>[vector<16xi32>], vector<16xf32>,
      %dma_wait3A_215 = arith.constant 0 : i32
      %dma_wait3A_216 = arith.constant 0 : i32
      %dma_wait3A_217 = tpu.memref_slice %arg4[%dma_wait3A_215, %dma_wait3A_216] : memref<32768x64xf32, #tpu.memory_space<hbm>> -> memref<32768x64xf32, #tpu.memory_space<hbm>>
      tpu.wait_indirect_dma semaphore(%arg14 : memref<!tpu.dma_semaphore, #tpu.memory_space<semaphore_mem>>) src(%dma_wait3A_217 : memref<32768x64xf32, #tpu.memory_space<hbm>>) dst(%arg12 : memref<32x64xf32, #tpu.memory_space<vmem>>)
      %get3A_218 = arith.constant 0 : i32
      %get3A_219 = arith.index_cast %get3A_218 : i32 to index
      %get3A_220 = arith.constant 0 : index
      %get3A_221 = tpu.vector_load %arg12[%get3A_219, %get3A_220] {strides = array<i32>} : memref<32x64xf32, #tpu.memory_space<vmem>>, vector<16xf32>,
      %swap3A_222 = arith.constant 3 : index
      %swap3A_223 = tpu.vector_load %arg13[%swap3A_222] {strides = array<i32>} : memref<2144xf32, #tpu.memory_space<vmem>>, vector<16xf32>,
      tpu.vector_store %arg13[%swap3A_222], %get3A_221 {strides = array<i32>} : memref<2144xf32, #tpu.memory_space<vmem>>, vector<16xf32>,
      %get3A_224 = arith.constant 0 : i32
      %get3A_225 = arith.index_cast %get3A_224 : i32 to index
      %get3A_226 = arith.constant 16 : index
      %get3A_227 = tpu.vector_load %arg12[%get3A_225, %get3A_226] {strides = array<i32>} : memref<32x64xf32, #tpu.memory_space<vmem>>, vector<16xf32>,
      %swap3A_228 = arith.constant 19 : index
      %swap3A_229 = tpu.vector_load %arg13[%swap3A_228] {strides = array<i32>} : memref<2144xf32, #tpu.memory_space<vmem>>, vector<16xf32>,
      tpu.vector_store %arg13[%swap3A_228], %get3A_227 {strides = array<i32>} : memref<2144xf32, #tpu.memory_space<vmem>>, vector<16xf32>,
      %get3A_230 = arith.constant 0 : i32
      %get3A_231 = arith.index_cast %get3A_230 : i32 to index
      %get3A_232 = arith.constant 32 : index
      %get3A_233 = tpu.vector_load %arg12[%get3A_231, %get3A_232] {strides = array<i32>} : memref<32x64xf32, #tpu.memory_space<vmem>>, vector<16xf32>,
      %swap3A_234 = arith.constant 35 : index
      %swap3A_235 = tpu.vector_load %arg13[%swap3A_234] {strides = array<i32>} : memref<2144xf32, #tpu.memory_space<vmem>>, vector<16xf32>,
      tpu.vector_store %arg13[%swap3A_234], %get3A_233 {strides = array<i32>} : memref<2144xf32, #tpu.memory_space<vmem>>, vector<16xf32>,
      %get3A_236 = arith.constant 0 : i32
      %get3A_237 = arith.index_cast %get3A_236 : i32 to index
      %get3A_238 = arith.constant 48 : index
      %get3A_239 = tpu.vector_load %arg12[%get3A_237, %get3A_238] {strides = array<i32>} : memref<32x64xf32, #tpu.memory_space<vmem>>, vector<16xf32>,
      %swap3A_240 = arith.constant 51 : index
      %swap3A_241 = tpu.vector_load %arg13[%swap3A_240] {strides = array<i32>} : memref<2144xf32, #tpu.memory_space<vmem>>, vector<16xf32>,
      tpu.vector_store %arg13[%swap3A_240], %get3A_239 {strides = array<i32>} : memref<2144xf32, #tpu.memory_space<vmem>>, vector<16xf32>,
      %get3A_242 = arith.constant 1 : i32
      %get3A_243 = arith.index_cast %get3A_242 : i32 to index
      %get3A_244 = arith.constant 0 : index
      %get3A_245 = tpu.vector_load %arg12[%get3A_243, %get3A_244] {strides = array<i32>} : memref<32x64xf32, #tpu.memory_space<vmem>>, vector<16xf32>,
      %swap3A_246 = arith.constant 70 : index
      %swap3A_247 = tpu.vector_load %arg13[%swap3A_246] {strides = array<i32>} : memref<2144xf32, #tpu.memory_space<vmem>>, vector<16xf32>,
      tpu.vector_store %arg13[%swap3A_246], %get3A_245 {strides = array<i32>} : memref<2144xf32, #tpu.memory_space<vmem>>, vector<16xf32>,
      %get3A_248 = arith.constant 1 : i32
      %get3A_249 = arith.index_cast %get3A_248 : i32 to index
      %get3A_250 = arith.constant 16 : index
      %get3A_251 = tpu.vector_load %arg12[%get3A_249, %get3A_250] {strides = array<i32>} : memref<32x64xf32, #tpu.memory_space<vmem>>, vector<16xf32>,
      %swap3A_252 = arith.constant 86 : index
      %swap3A_253 = tpu.vector_load %arg13[%swap3A_252] {strides = array<i32>} : memref<2144xf32, #tpu.memory_space<vmem>>, vector<16xf32>,
      tpu.vector_store %arg13[%swap3A_252], %get3A_251 {strides = array<i32>} : memref<2144xf32, #tpu.memory_space<vmem>>, vector<16xf32>,
      %get3A_254 = arith.constant 1 : i32
      %get3A_255 = arith.index_cast %get3A_254 : i32 to index
      %get3A_256 = arith.constant 32 : index
      %get3A_257 = tpu.vector_load %arg12[%get3A_255, %get3A_256] {strides = array<i32>} : memref<32x64xf32, #tpu.memory_space<vmem>>, vector<16xf32>,
      %swap3A_258 = arith.constant 102 : index
      %swap3A_259 = tpu.vector_load %arg13[%swap3A_258] {strides = array<i32>} : memref<2144xf32, #tpu.memory_space<vmem>>, vector<16xf32>,
      tpu.vector_store %arg13[%swap3A_258], %get3A_257 {strides = array<i32>} : memref<2144xf32, #tpu.memory_space<vmem>>, vector<16xf32>,
      %get3A_260 = arith.constant 1 : i32
      %get3A_261 = arith.index_cast %get3A_260 : i32 to index
      %get3A_262 = arith.constant 48 : index
      %get3A_263 = tpu.vector_load %arg12[%get3A_261, %get3A_262] {strides = array<i32>} : memref<32x64xf32, #tpu.memory_space<vmem>>, vector<16xf32>,
      %swap3A_264 = arith.constant 118 : index
      %swap3A_265 = tpu.vector_load %arg13[%swap3A_264] {strides = array<i32>} : memref<2144xf32, #tpu.memory_space<vmem>>, vector<16xf32>,
      tpu.vector_store %arg13[%swap3A_264], %get3A_263 {strides = array<i32>} : memref<2144xf32, #tpu.memory_space<vmem>>, vector<16xf32>,
      %get3A_266 = arith.constant 2 : i32
      %get3A_267 = arith.index_cast %get3A_266 : i32 to index
      %get3A_268 = arith.constant 0 : index
      %get3A_269 = tpu.vector_load %arg12[%get3A_267, %get3A_268] {strides = array<i32>} : memref<32x64xf32, #tpu.memory_space<vmem>>, vector<16xf32>,
      %swap3A_270 = arith.constant 137 : index
      %swap3A_271 = tpu.vector_load %arg13[%swap3A_270] {strides = array<i32>} : memref<2144xf32, #tpu.memory_space<vmem>>, vector<16xf32>,
      tpu.vector_store %arg13[%swap3A_270], %get3A_269 {strides = array<i32>} : memref<2144xf32, #tpu.memory_space<vmem>>, vector<16xf32>,
      %get3A_272 = arith.constant 2 : i32
      %get3A_273 = arith.index_cast %get3A_272 : i32 to index
      %get3A_274 = arith.constant 16 : index
      %get3A_275 = tpu.vector_load %arg12[%get3A_273, %get3A_274] {strides = array<i32>} : memref<32x64xf32, #tpu.memory_space<vmem>>, vector<16xf32>,
      %swap3A_276 = arith.constant 153 : index
      %swap3A_277 = tpu.vector_load %arg13[%swap3A_276] {strides = array<i32>} : memref<2144xf32, #tpu.memory_space<vmem>>, vector<16xf32>,
      tpu.vector_store %arg13[%swap3A_276], %get3A_275 {strides = array<i32>} : memref<2144xf32, #tpu.memory_space<vmem>>, vector<16xf32>,
      %get3A_278 = arith.constant 2 : i32
      %get3A_279 = arith.index_cast %get3A_278 : i32 to index
      %get3A_280 = arith.constant 32 : index
      %get3A_281 = tpu.vector_load %arg12[%get3A_279, %get3A_280] {strides = array<i32>} : memref<32x64xf32, #tpu.memory_space<vmem>>, vector<16xf32>,
      %swap3A_282 = arith.constant 169 : index
      %swap3A_283 = tpu.vector_load %arg13[%swap3A_282] {strides = array<i32>} : memref<2144xf32, #tpu.memory_space<vmem>>, vector<16xf32>,
      tpu.vector_store %arg13[%swap3A_282], %get3A_281 {strides = array<i32>} : memref<2144xf32, #tpu.memory_space<vmem>>, vector<16xf32>,
      %get3A_284 = arith.constant 2 : i32
      %get3A_285 = arith.index_cast %get3A_284 : i32 to index
      %get3A_286 = arith.constant 48 : index
      %get3A_287 = tpu.vector_load %arg12[%get3A_285, %get3A_286] {strides = array<i32>} : memref<32x64xf32, #tpu.memory_space<vmem>>, vector<16xf32>,
      %swap3A_288 = arith.constant 185 : index
      %swap3A_289 = tpu.vector_load %arg13[%swap3A_288] {strides = array<i32>} : memref<2144xf32, #tpu.memory_space<vmem>>, vector<16xf32>,
      tpu.vector_store %arg13[%swap3A_288], %get3A_287 {strides = array<i32>} : memref<2144xf32, #tpu.memory_space<vmem>>, vector<16xf32>,
      %get3A_290 = arith.constant 3 : i32
      %get3A_291 = arith.index_cast %get3A_290 : i32 to index
      %get3A_292 = arith.constant 0 : index
      %get3A_293 = tpu.vector_load %arg12[%get3A_291, %get3A_292] {strides = array<i32>} : memref<32x64xf32, #tpu.memory_space<vmem>>, vector<16xf32>,
      %swap3A_294 = arith.constant 204 : index
      %swap3A_295 = tpu.vector_load %arg13[%swap3A_294] {strides = array<i32>} : memref<2144xf32, #tpu.memory_space<vmem>>, vector<16xf32>,
      tpu.vector_store %arg13[%swap3A_294], %get3A_293 {strides = array<i32>} : memref<2144xf32, #tpu.memory_space<vmem>>, vector<16xf32>,
      %get3A_296 = arith.constant 3 : i32
      %get3A_297 = arith.index_cast %get3A_296 : i32 to index
      %get3A_298 = arith.constant 16 : index
      %get3A_299 = tpu.vector_load %arg12[%get3A_297, %get3A_298] {strides = array<i32>} : memref<32x64xf32, #tpu.memory_space<vmem>>, vector<16xf32>,
      %swap3A_300 = arith.constant 220 : index
      %swap3A_301 = tpu.vector_load %arg13[%swap3A_300] {strides = array<i32>} : memref<2144xf32, #tpu.memory_space<vmem>>, vector<16xf32>,
      tpu.vector_store %arg13[%swap3A_300], %get3A_299 {strides = array<i32>} : memref<2144xf32, #tpu.memory_space<vmem>>, vector<16xf32>,
      %get3A_302 = arith.constant 3 : i32
      %get3A_303 = arith.index_cast %get3A_302 : i32 to index
      %get3A_304 = arith.constant 32 : index
      %get3A_305 = tpu.vector_load %arg12[%get3A_303, %get3A_304] {strides = array<i32>} : memref<32x64xf32, #tpu.memory_space<vmem>>, vector<16xf32>,
      %swap3A_306 = arith.constant 236 : index
      %swap3A_307 = tpu.vector_load %arg13[%swap3A_306] {strides = array<i32>} : memref<2144xf32, #tpu.memory_space<vmem>>, vector<16xf32>,
      tpu.vector_store %arg13[%swap3A_306], %get3A_305 {strides = array<i32>} : memref<2144xf32, #tpu.memory_space<vmem>>, vector<16xf32>,
      %get3A_308 = arith.constant 3 : i32
      %get3A_309 = arith.index_cast %get3A_308 : i32 to index
      %get3A_310 = arith.constant 48 : index
      %get3A_311 = tpu.vector_load %arg12[%get3A_309, %get3A_310] {strides = array<i32>} : memref<32x64xf32, #tpu.memory_space<vmem>>, vector<16xf32>,
      %swap3A_312 = arith.constant 252 : index
      %swap3A_313 = tpu.vector_load %arg13[%swap3A_312] {strides = array<i32>} : memref<2144xf32, #tpu.memory_space<vmem>>, vector<16xf32>,
      tpu.vector_store %arg13[%swap3A_312], %get3A_311 {strides = array<i32>} : memref<2144xf32, #tpu.memory_space<vmem>>, vector<16xf32>,
      %get3A_314 = arith.constant 4 : i32
      %get3A_315 = arith.index_cast %get3A_314 : i32 to index
      %get3A_316 = arith.constant 0 : index
      %get3A_317 = tpu.vector_load %arg12[%get3A_315, %get3A_316] {strides = array<i32>} : memref<32x64xf32, #tpu.memory_space<vmem>>, vector<16xf32>,
      %swap3A_318 = arith.constant 271 : index
      %swap3A_319 = tpu.vector_load %arg13[%swap3A_318] {strides = array<i32>} : memref<2144xf32, #tpu.memory_space<vmem>>, vector<16xf32>,
      tpu.vector_store %arg13[%swap3A_318], %get3A_317 {strides = array<i32>} : memref<2144xf32, #tpu.memory_space<vmem>>, vector<16xf32>,
      %get3A_320 = arith.constant 4 : i32
      %get3A_321 = arith.index_cast %get3A_320 : i32 to index
      %get3A_322 = arith.constant 16 : index
      %get3A_323 = tpu.vector_load %arg12[%get3A_321, %get3A_322] {strides = array<i32>} : memref<32x64xf32, #tpu.memory_space<vmem>>, vector<16xf32>,
      %swap3A_324 = arith.constant 287 : index
      %swap3A_325 = tpu.vector_load %arg13[%swap3A_324] {strides = array<i32>} : memref<2144xf32, #tpu.memory_space<vmem>>, vector<16xf32>,
      tpu.vector_store %arg13[%swap3A_324], %get3A_323 {strides = array<i32>} : memref<2144xf32, #tpu.memory_space<vmem>>, vector<16xf32>,
      %get3A_326 = arith.constant 4 : i32
      %get3A_327 = arith.index_cast %get3A_326 : i32 to index
      %get3A_328 = arith.constant 32 : index
      %get3A_329 = tpu.vector_load %arg12[%get3A_327, %get3A_328] {strides = array<i32>} : memref<32x64xf32, #tpu.memory_space<vmem>>, vector<16xf32>,
      %swap3A_330 = arith.constant 303 : index
      %swap3A_331 = tpu.vector_load %arg13[%swap3A_330] {strides = array<i32>} : memref<2144xf32, #tpu.memory_space<vmem>>, vector<16xf32>,
      tpu.vector_store %arg13[%swap3A_330], %get3A_329 {strides = array<i32>} : memref<2144xf32, #tpu.memory_space<vmem>>, vector<16xf32>,
      %get3A_332 = arith.constant 4 : i32
      %get3A_333 = arith.index_cast %get3A_332 : i32 to index
      %get3A_334 = arith.constant 48 : index
      %get3A_335 = tpu.vector_load %arg12[%get3A_333, %get3A_334] {strides = array<i32>} : memref<32x64xf32, #tpu.memory_space<vmem>>, vector<16xf32>,
      %swap3A_336 = arith.constant 319 : index
      %swap3A_337 = tpu.vector_load %arg13[%swap3A_336] {strides = array<i32>} : memref<2144xf32, #tpu.memory_space<vmem>>, vector<16xf32>,
      tpu.vector_store %arg13[%swap3A_336], %get3A_335 {strides = array<i32>} : memref<2144xf32, #tpu.memory_space<vmem>>, vector<16xf32>,
      %get3A_338 = arith.constant 5 : i32
      %get3A_339 = arith.index_cast %get3A_338 : i32 to index
      %get3A_340 = arith.constant 0 : index
      %get3A_341 = tpu.vector_load %arg12[%get3A_339, %get3A_340] {strides = array<i32>} : memref<32x64xf32, #tpu.memory_space<vmem>>, vector<16xf32>,
      %swap3A_342 = arith.constant 338 : index
      %swap3A_343 = tpu.vector_load %arg13[%swap3A_342] {strides = array<i32>} : memref<2144xf32, #tpu.memory_space<vmem>>, vector<16xf32>,
      tpu.vector_store %arg13[%swap3A_342], %get3A_341 {strides = array<i32>} : memref<2144xf32, #tpu.memory_space<vmem>>, vector<16xf32>,
      %get3A_344 = arith.constant 5 : i32
      %get3A_345 = arith.index_cast %get3A_344 : i32 to index
      %get3A_346 = arith.constant 16 : index
      %get3A_347 = tpu.vector_load %arg12[%get3A_345, %get3A_346] {strides = array<i32>} : memref<32x64xf32, #tpu.memory_space<vmem>>, vector<16xf32>,
      %swap3A_348 = arith.constant 354 : index
      %swap3A_349 = tpu.vector_load %arg13[%swap3A_348] {strides = array<i32>} : memref<2144xf32, #tpu.memory_space<vmem>>, vector<16xf32>,
      tpu.vector_store %arg13[%swap3A_348], %get3A_347 {strides = array<i32>} : memref<2144xf32, #tpu.memory_space<vmem>>, vector<16xf32>,
      %get3A_350 = arith.constant 5 : i32
      %get3A_351 = arith.index_cast %get3A_350 : i32 to index
      %get3A_352 = arith.constant 32 : index
      %get3A_353 = tpu.vector_load %arg12[%get3A_351, %get3A_352] {strides = array<i32>} : memref<32x64xf32, #tpu.memory_space<vmem>>, vector<16xf32>,
      %swap3A_354 = arith.constant 370 : index
      %swap3A_355 = tpu.vector_load %arg13[%swap3A_354] {strides = array<i32>} : memref<2144xf32, #tpu.memory_space<vmem>>, vector<16xf32>,
      tpu.vector_store %arg13[%swap3A_354], %get3A_353 {strides = array<i32>} : memref<2144xf32, #tpu.memory_space<vmem>>, vector<16xf32>,
      %get3A_356 = arith.constant 5 : i32
      %get3A_357 = arith.index_cast %get3A_356 : i32 to index
      %get3A_358 = arith.constant 48 : index
      %get3A_359 = tpu.vector_load %arg12[%get3A_357, %get3A_358] {strides = array<i32>} : memref<32x64xf32, #tpu.memory_space<vmem>>, vector<16xf32>,
      %swap3A_360 = arith.constant 386 : index
      %swap3A_361 = tpu.vector_load %arg13[%swap3A_360] {strides = array<i32>} : memref<2144xf32, #tpu.memory_space<vmem>>, vector<16xf32>,
      tpu.vector_store %arg13[%swap3A_360], %get3A_359 {strides = array<i32>} : memref<2144xf32, #tpu.memory_space<vmem>>, vector<16xf32>,
      %get3A_362 = arith.constant 6 : i32
      %get3A_363 = arith.index_cast %get3A_362 : i32 to index
      %get3A_364 = arith.constant 0 : index
      %get3A_365 = tpu.vector_load %arg12[%get3A_363, %get3A_364] {strides = array<i32>} : memref<32x64xf32, #tpu.memory_space<vmem>>, vector<16xf32>,
      %swap3A_366 = arith.constant 405 : index
      %swap3A_367 = tpu.vector_load %arg13[%swap3A_366] {strides = array<i32>} : memref<2144xf32, #tpu.memory_space<vmem>>, vector<16xf32>,
      tpu.vector_store %arg13[%swap3A_366], %get3A_365 {strides = array<i32>} : memref<2144xf32, #tpu.memory_space<vmem>>, vector<16xf32>,
      %get3A_368 = arith.constant 6 : i32
      %get3A_369 = arith.index_cast %get3A_368 : i32 to index
      %get3A_370 = arith.constant 16 : index
      %get3A_371 = tpu.vector_load %arg12[%get3A_369, %get3A_370] {strides = array<i32>} : memref<32x64xf32, #tpu.memory_space<vmem>>, vector<16xf32>,
      %swap3A_372 = arith.constant 421 : index
      %swap3A_373 = tpu.vector_load %arg13[%swap3A_372] {strides = array<i32>} : memref<2144xf32, #tpu.memory_space<vmem>>, vector<16xf32>,
      tpu.vector_store %arg13[%swap3A_372], %get3A_371 {strides = array<i32>} : memref<2144xf32, #tpu.memory_space<vmem>>, vector<16xf32>,
      %get3A_374 = arith.constant 6 : i32
      %get3A_375 = arith.index_cast %get3A_374 : i32 to index
      %get3A_376 = arith.constant 32 : index
      %get3A_377 = tpu.vector_load %arg12[%get3A_375, %get3A_376] {strides = array<i32>} : memref<32x64xf32, #tpu.memory_space<vmem>>, vector<16xf32>,
      %swap3A_378 = arith.constant 437 : index
      %swap3A_379 = tpu.vector_load %arg13[%swap3A_378] {strides = array<i32>} : memref<2144xf32, #tpu.memory_space<vmem>>, vector<16xf32>,
      tpu.vector_store %arg13[%swap3A_378], %get3A_377 {strides = array<i32>} : memref<2144xf32, #tpu.memory_space<vmem>>, vector<16xf32>,
      %get3A_380 = arith.constant 6 : i32
      %get3A_381 = arith.index_cast %get3A_380 : i32 to index
      %get3A_382 = arith.constant 48 : index
      %get3A_383 = tpu.vector_load %arg12[%get3A_381, %get3A_382] {strides = array<i32>} : memref<32x64xf32, #tpu.memory_space<vmem>>, vector<16xf32>,
      %swap3A_384 = arith.constant 453 : index
      %swap3A_385 = tpu.vector_load %arg13[%swap3A_384] {strides = array<i32>} : memref<2144xf32, #tpu.memory_space<vmem>>, vector<16xf32>,
      tpu.vector_store %arg13[%swap3A_384], %get3A_383 {strides = array<i32>} : memref<2144xf32, #tpu.memory_space<vmem>>, vector<16xf32>,
      %get3A_386 = arith.constant 7 : i32
      %get3A_387 = arith.index_cast %get3A_386 : i32 to index
      %get3A_388 = arith.constant 0 : index
      %get3A_389 = tpu.vector_load %arg12[%get3A_387, %get3A_388] {strides = array<i32>} : memref<32x64xf32, #tpu.memory_space<vmem>>, vector<16xf32>,
      %swap3A_390 = arith.constant 472 : index
      %swap3A_391 = tpu.vector_load %arg13[%swap3A_390] {strides = array<i32>} : memref<2144xf32, #tpu.memory_space<vmem>>, vector<16xf32>,
      tpu.vector_store %arg13[%swap3A_390], %get3A_389 {strides = array<i32>} : memref<2144xf32, #tpu.memory_space<vmem>>, vector<16xf32>,
      %get3A_392 = arith.constant 7 : i32
      %get3A_393 = arith.index_cast %get3A_392 : i32 to index
      %get3A_394 = arith.constant 16 : index
      %get3A_395 = tpu.vector_load %arg12[%get3A_393, %get3A_394] {strides = array<i32>} : memref<32x64xf32, #tpu.memory_space<vmem>>, vector<16xf32>,
      %swap3A_396 = arith.constant 488 : index
      %swap3A_397 = tpu.vector_load %arg13[%swap3A_396] {strides = array<i32>} : memref<2144xf32, #tpu.memory_space<vmem>>, vector<16xf32>,
      tpu.vector_store %arg13[%swap3A_396], %get3A_395 {strides = array<i32>} : memref<2144xf32, #tpu.memory_space<vmem>>, vector<16xf32>,
      %get3A_398 = arith.constant 7 : i32
      %get3A_399 = arith.index_cast %get3A_398 : i32 to index
      %get3A_400 = arith.constant 32 : index
      %get3A_401 = tpu.vector_load %arg12[%get3A_399, %get3A_400] {strides = array<i32>} : memref<32x64xf32, #tpu.memory_space<vmem>>, vector<16xf32>,
      %swap3A_402 = arith.constant 504 : index
      %swap3A_403 = tpu.vector_load %arg13[%swap3A_402] {strides = array<i32>} : memref<2144xf32, #tpu.memory_space<vmem>>, vector<16xf32>,
      tpu.vector_store %arg13[%swap3A_402], %get3A_401 {strides = array<i32>} : memref<2144xf32, #tpu.memory_space<vmem>>, vector<16xf32>,
      %get3A_404 = arith.constant 7 : i32
      %get3A_405 = arith.index_cast %get3A_404 : i32 to index
      %get3A_406 = arith.constant 48 : index
      %get3A_407 = tpu.vector_load %arg12[%get3A_405, %get3A_406] {strides = array<i32>} : memref<32x64xf32, #tpu.memory_space<vmem>>, vector<16xf32>,
      %swap3A_408 = arith.constant 520 : index
      %swap3A_409 = tpu.vector_load %arg13[%swap3A_408] {strides = array<i32>} : memref<2144xf32, #tpu.memory_space<vmem>>, vector<16xf32>,
      tpu.vector_store %arg13[%swap3A_408], %get3A_407 {strides = array<i32>} : memref<2144xf32, #tpu.memory_space<vmem>>, vector<16xf32>,
      %get3A_410 = arith.constant 8 : i32
      %get3A_411 = arith.index_cast %get3A_410 : i32 to index
      %get3A_412 = arith.constant 0 : index
      %get3A_413 = tpu.vector_load %arg12[%get3A_411, %get3A_412] {strides = array<i32>} : memref<32x64xf32, #tpu.memory_space<vmem>>, vector<16xf32>,
      %swap3A_414 = arith.constant 539 : index
      %swap3A_415 = tpu.vector_load %arg13[%swap3A_414] {strides = array<i32>} : memref<2144xf32, #tpu.memory_space<vmem>>, vector<16xf32>,
      tpu.vector_store %arg13[%swap3A_414], %get3A_413 {strides = array<i32>} : memref<2144xf32, #tpu.memory_space<vmem>>, vector<16xf32>,
      %get3A_416 = arith.constant 8 : i32
      %get3A_417 = arith.index_cast %get3A_416 : i32 to index
      %get3A_418 = arith.constant 16 : index
      %get3A_419 = tpu.vector_load %arg12[%get3A_417, %get3A_418] {strides = array<i32>} : memref<32x64xf32, #tpu.memory_space<vmem>>, vector<16xf32>,
      %swap3A_420 = arith.constant 555 : index
      %swap3A_421 = tpu.vector_load %arg13[%swap3A_420] {strides = array<i32>} : memref<2144xf32, #tpu.memory_space<vmem>>, vector<16xf32>,
      tpu.vector_store %arg13[%swap3A_420], %get3A_419 {strides = array<i32>} : memref<2144xf32, #tpu.memory_space<vmem>>, vector<16xf32>,
      %get3A_422 = arith.constant 8 : i32
      %get3A_423 = arith.index_cast %get3A_422 : i32 to index
      %get3A_424 = arith.constant 32 : index
      %get3A_425 = tpu.vector_load %arg12[%get3A_423, %get3A_424] {strides = array<i32>} : memref<32x64xf32, #tpu.memory_space<vmem>>, vector<16xf32>,
      %swap3A_426 = arith.constant 571 : index
      %swap3A_427 = tpu.vector_load %arg13[%swap3A_426] {strides = array<i32>} : memref<2144xf32, #tpu.memory_space<vmem>>, vector<16xf32>,
      tpu.vector_store %arg13[%swap3A_426], %get3A_425 {strides = array<i32>} : memref<2144xf32, #tpu.memory_space<vmem>>, vector<16xf32>,
      %get3A_428 = arith.constant 8 : i32
      %get3A_429 = arith.index_cast %get3A_428 : i32 to index
      %get3A_430 = arith.constant 48 : index
      %get3A_431 = tpu.vector_load %arg12[%get3A_429, %get3A_430] {strides = array<i32>} : memref<32x64xf32, #tpu.memory_space<vmem>>, vector<16xf32>,
      %swap3A_432 = arith.constant 587 : index
      %swap3A_433 = tpu.vector_load %arg13[%swap3A_432] {strides = array<i32>} : memref<2144xf32, #tpu.memory_space<vmem>>, vector<16xf32>,
      tpu.vector_store %arg13[%swap3A_432], %get3A_431 {strides = array<i32>} : memref<2144xf32, #tpu.memory_space<vmem>>, vector<16xf32>,
      %get3A_434 = arith.constant 9 : i32
      %get3A_435 = arith.index_cast %get3A_434 : i32 to index
      %get3A_436 = arith.constant 0 : index
      %get3A_437 = tpu.vector_load %arg12[%get3A_435, %get3A_436] {strides = array<i32>} : memref<32x64xf32, #tpu.memory_space<vmem>>, vector<16xf32>,
      %swap3A_438 = arith.constant 606 : index
      %swap3A_439 = tpu.vector_load %arg13[%swap3A_438] {strides = array<i32>} : memref<2144xf32, #tpu.memory_space<vmem>>, vector<16xf32>,
      tpu.vector_store %arg13[%swap3A_438], %get3A_437 {strides = array<i32>} : memref<2144xf32, #tpu.memory_space<vmem>>, vector<16xf32>,
      %get3A_440 = arith.constant 9 : i32
      %get3A_441 = arith.index_cast %get3A_440 : i32 to index
      %get3A_442 = arith.constant 16 : index
      %get3A_443 = tpu.vector_load %arg12[%get3A_441, %get3A_442] {strides = array<i32>} : memref<32x64xf32, #tpu.memory_space<vmem>>, vector<16xf32>,
      %swap3A_444 = arith.constant 622 : index
      %swap3A_445 = tpu.vector_load %arg13[%swap3A_444] {strides = array<i32>} : memref<2144xf32, #tpu.memory_space<vmem>>, vector<16xf32>,
      tpu.vector_store %arg13[%swap3A_444], %get3A_443 {strides = array<i32>} : memref<2144xf32, #tpu.memory_space<vmem>>, vector<16xf32>,
      %get3A_446 = arith.constant 9 : i32
      %get3A_447 = arith.index_cast %get3A_446 : i32 to index
      %get3A_448 = arith.constant 32 : index
      %get3A_449 = tpu.vector_load %arg12[%get3A_447, %get3A_448] {strides = array<i32>} : memref<32x64xf32, #tpu.memory_space<vmem>>, vector<16xf32>,
      %swap3A_450 = arith.constant 638 : index
      %swap3A_451 = tpu.vector_load %arg13[%swap3A_450] {strides = array<i32>} : memref<2144xf32, #tpu.memory_space<vmem>>, vector<16xf32>,
      tpu.vector_store %arg13[%swap3A_450], %get3A_449 {strides = array<i32>} : memref<2144xf32, #tpu.memory_space<vmem>>, vector<16xf32>,
      %get3A_452 = arith.constant 9 : i32
      %get3A_453 = arith.index_cast %get3A_452 : i32 to index
      %get3A_454 = arith.constant 48 : index
      %get3A_455 = tpu.vector_load %arg12[%get3A_453, %get3A_454] {strides = array<i32>} : memref<32x64xf32, #tpu.memory_space<vmem>>, vector<16xf32>,
      %swap3A_456 = arith.constant 654 : index
      %swap3A_457 = tpu.vector_load %arg13[%swap3A_456] {strides = array<i32>} : memref<2144xf32, #tpu.memory_space<vmem>>, vector<16xf32>,
      tpu.vector_store %arg13[%swap3A_456], %get3A_455 {strides = array<i32>} : memref<2144xf32, #tpu.memory_space<vmem>>, vector<16xf32>,
      %get3A_458 = arith.constant 10 : i32
      %get3A_459 = arith.index_cast %get3A_458 : i32 to index
      %get3A_460 = arith.constant 0 : index
      %get3A_461 = tpu.vector_load %arg12[%get3A_459, %get3A_460] {strides = array<i32>} : memref<32x64xf32, #tpu.memory_space<vmem>>, vector<16xf32>,
      %swap3A_462 = arith.constant 673 : index
      %swap3A_463 = tpu.vector_load %arg13[%swap3A_462] {strides = array<i32>} : memref<2144xf32, #tpu.memory_space<vmem>>, vector<16xf32>,
      tpu.vector_store %arg13[%swap3A_462], %get3A_461 {strides = array<i32>} : memref<2144xf32, #tpu.memory_space<vmem>>, vector<16xf32>,
      %get3A_464 = arith.constant 10 : i32
      %get3A_465 = arith.index_cast %get3A_464 : i32 to index
      %get3A_466 = arith.constant 16 : index
      %get3A_467 = tpu.vector_load %arg12[%get3A_465, %get3A_466] {strides = array<i32>} : memref<32x64xf32, #tpu.memory_space<vmem>>, vector<16xf32>,
      %swap3A_468 = arith.constant 689 : index
      %swap3A_469 = tpu.vector_load %arg13[%swap3A_468] {strides = array<i32>} : memref<2144xf32, #tpu.memory_space<vmem>>, vector<16xf32>,
      tpu.vector_store %arg13[%swap3A_468], %get3A_467 {strides = array<i32>} : memref<2144xf32, #tpu.memory_space<vmem>>, vector<16xf32>,
      %get3A_470 = arith.constant 10 : i32
      %get3A_471 = arith.index_cast %get3A_470 : i32 to index
      %get3A_472 = arith.constant 32 : index
      %get3A_473 = tpu.vector_load %arg12[%get3A_471, %get3A_472] {strides = array<i32>} : memref<32x64xf32, #tpu.memory_space<vmem>>, vector<16xf32>,
      %swap3A_474 = arith.constant 705 : index
      %swap3A_475 = tpu.vector_load %arg13[%swap3A_474] {strides = array<i32>} : memref<2144xf32, #tpu.memory_space<vmem>>, vector<16xf32>,
      tpu.vector_store %arg13[%swap3A_474], %get3A_473 {strides = array<i32>} : memref<2144xf32, #tpu.memory_space<vmem>>, vector<16xf32>,
      %get3A_476 = arith.constant 10 : i32
      %get3A_477 = arith.index_cast %get3A_476 : i32 to index
      %get3A_478 = arith.constant 48 : index
      %get3A_479 = tpu.vector_load %arg12[%get3A_477, %get3A_478] {strides = array<i32>} : memref<32x64xf32, #tpu.memory_space<vmem>>, vector<16xf32>,
      %swap3A_480 = arith.constant 721 : index
      %swap3A_481 = tpu.vector_load %arg13[%swap3A_480] {strides = array<i32>} : memref<2144xf32, #tpu.memory_space<vmem>>, vector<16xf32>,
      tpu.vector_store %arg13[%swap3A_480], %get3A_479 {strides = array<i32>} : memref<2144xf32, #tpu.memory_space<vmem>>, vector<16xf32>,
      %get3A_482 = arith.constant 11 : i32
      %get3A_483 = arith.index_cast %get3A_482 : i32 to index
      %get3A_484 = arith.constant 0 : index
      %get3A_485 = tpu.vector_load %arg12[%get3A_483, %get3A_484] {strides = array<i32>} : memref<32x64xf32, #tpu.memory_space<vmem>>, vector<16xf32>,
      %swap3A_486 = arith.constant 740 : index
      %swap3A_487 = tpu.vector_load %arg13[%swap3A_486] {strides = array<i32>} : memref<2144xf32, #tpu.memory_space<vmem>>, vector<16xf32>,
      tpu.vector_store %arg13[%swap3A_486], %get3A_485 {strides = array<i32>} : memref<2144xf32, #tpu.memory_space<vmem>>, vector<16xf32>,
      %get3A_488 = arith.constant 11 : i32
      %get3A_489 = arith.index_cast %get3A_488 : i32 to index
      %get3A_490 = arith.constant 16 : index
      %get3A_491 = tpu.vector_load %arg12[%get3A_489, %get3A_490] {strides = array<i32>} : memref<32x64xf32, #tpu.memory_space<vmem>>, vector<16xf32>,
      %swap3A_492 = arith.constant 756 : index
      %swap3A_493 = tpu.vector_load %arg13[%swap3A_492] {strides = array<i32>} : memref<2144xf32, #tpu.memory_space<vmem>>, vector<16xf32>,
      tpu.vector_store %arg13[%swap3A_492], %get3A_491 {strides = array<i32>} : memref<2144xf32, #tpu.memory_space<vmem>>, vector<16xf32>,
      %get3A_494 = arith.constant 11 : i32
      %get3A_495 = arith.index_cast %get3A_494 : i32 to index
      %get3A_496 = arith.constant 32 : index
      %get3A_497 = tpu.vector_load %arg12[%get3A_495, %get3A_496] {strides = array<i32>} : memref<32x64xf32, #tpu.memory_space<vmem>>, vector<16xf32>,
      %swap3A_498 = arith.constant 772 : index
      %swap3A_499 = tpu.vector_load %arg13[%swap3A_498] {strides = array<i32>} : memref<2144xf32, #tpu.memory_space<vmem>>, vector<16xf32>,
      tpu.vector_store %arg13[%swap3A_498], %get3A_497 {strides = array<i32>} : memref<2144xf32, #tpu.memory_space<vmem>>, vector<16xf32>,
      %get3A_500 = arith.constant 11 : i32
      %get3A_501 = arith.index_cast %get3A_500 : i32 to index
      %get3A_502 = arith.constant 48 : index
      %get3A_503 = tpu.vector_load %arg12[%get3A_501, %get3A_502] {strides = array<i32>} : memref<32x64xf32, #tpu.memory_space<vmem>>, vector<16xf32>,
      %swap3A_504 = arith.constant 788 : index
      %swap3A_505 = tpu.vector_load %arg13[%swap3A_504] {strides = array<i32>} : memref<2144xf32, #tpu.memory_space<vmem>>, vector<16xf32>,
      tpu.vector_store %arg13[%swap3A_504], %get3A_503 {strides = array<i32>} : memref<2144xf32, #tpu.memory_space<vmem>>, vector<16xf32>,
      %get3A_506 = arith.constant 12 : i32
      %get3A_507 = arith.index_cast %get3A_506 : i32 to index
      %get3A_508 = arith.constant 0 : index
      %get3A_509 = tpu.vector_load %arg12[%get3A_507, %get3A_508] {strides = array<i32>} : memref<32x64xf32, #tpu.memory_space<vmem>>, vector<16xf32>,
      %swap3A_510 = arith.constant 807 : index
      %swap3A_511 = tpu.vector_load %arg13[%swap3A_510] {strides = array<i32>} : memref<2144xf32, #tpu.memory_space<vmem>>, vector<16xf32>,
      tpu.vector_store %arg13[%swap3A_510], %get3A_509 {strides = array<i32>} : memref<2144xf32, #tpu.memory_space<vmem>>, vector<16xf32>,
      %get3A_512 = arith.constant 12 : i32
      %get3A_513 = arith.index_cast %get3A_512 : i32 to index
      %get3A_514 = arith.constant 16 : index
      %get3A_515 = tpu.vector_load %arg12[%get3A_513, %get3A_514] {strides = array<i32>} : memref<32x64xf32, #tpu.memory_space<vmem>>, vector<16xf32>,
      %swap3A_516 = arith.constant 823 : index
      %swap3A_517 = tpu.vector_load %arg13[%swap3A_516] {strides = array<i32>} : memref<2144xf32, #tpu.memory_space<vmem>>, vector<16xf32>,
      tpu.vector_store %arg13[%swap3A_516], %get3A_515 {strides = array<i32>} : memref<2144xf32, #tpu.memory_space<vmem>>, vector<16xf32>,
      %get3A_518 = arith.constant 12 : i32
      %get3A_519 = arith.index_cast %get3A_518 : i32 to index
      %get3A_520 = arith.constant 32 : index
      %get3A_521 = tpu.vector_load %arg12[%get3A_519, %get3A_520] {strides = array<i32>} : memref<32x64xf32, #tpu.memory_space<vmem>>, vector<16xf32>,
      %swap3A_522 = arith.constant 839 : index
      %swap3A_523 = tpu.vector_load %arg13[%swap3A_522] {strides = array<i32>} : memref<2144xf32, #tpu.memory_space<vmem>>, vector<16xf32>,
      tpu.vector_store %arg13[%swap3A_522], %get3A_521 {strides = array<i32>} : memref<2144xf32, #tpu.memory_space<vmem>>, vector<16xf32>,
      %get3A_524 = arith.constant 12 : i32
      %get3A_525 = arith.index_cast %get3A_524 : i32 to index
      %get3A_526 = arith.constant 48 : index
      %get3A_527 = tpu.vector_load %arg12[%get3A_525, %get3A_526] {strides = array<i32>} : memref<32x64xf32, #tpu.memory_space<vmem>>, vector<16xf32>,
      %swap3A_528 = arith.constant 855 : index
      %swap3A_529 = tpu.vector_load %arg13[%swap3A_528] {strides = array<i32>} : memref<2144xf32, #tpu.memory_space<vmem>>, vector<16xf32>,
      tpu.vector_store %arg13[%swap3A_528], %get3A_527 {strides = array<i32>} : memref<2144xf32, #tpu.memory_space<vmem>>, vector<16xf32>,
      %get3A_530 = arith.constant 13 : i32
      %get3A_531 = arith.index_cast %get3A_530 : i32 to index
      %get3A_532 = arith.constant 0 : index
      %get3A_533 = tpu.vector_load %arg12[%get3A_531, %get3A_532] {strides = array<i32>} : memref<32x64xf32, #tpu.memory_space<vmem>>, vector<16xf32>,
      %swap3A_534 = arith.constant 874 : index
      %swap3A_535 = tpu.vector_load %arg13[%swap3A_534] {strides = array<i32>} : memref<2144xf32, #tpu.memory_space<vmem>>, vector<16xf32>,
      tpu.vector_store %arg13[%swap3A_534], %get3A_533 {strides = array<i32>} : memref<2144xf32, #tpu.memory_space<vmem>>, vector<16xf32>,
      %get3A_536 = arith.constant 13 : i32
      %get3A_537 = arith.index_cast %get3A_536 : i32 to index
      %get3A_538 = arith.constant 16 : index
      %get3A_539 = tpu.vector_load %arg12[%get3A_537, %get3A_538] {strides = array<i32>} : memref<32x64xf32, #tpu.memory_space<vmem>>, vector<16xf32>,
      %swap3A_540 = arith.constant 890 : index
      %swap3A_541 = tpu.vector_load %arg13[%swap3A_540] {strides = array<i32>} : memref<2144xf32, #tpu.memory_space<vmem>>, vector<16xf32>,
      tpu.vector_store %arg13[%swap3A_540], %get3A_539 {strides = array<i32>} : memref<2144xf32, #tpu.memory_space<vmem>>, vector<16xf32>,
      %get3A_542 = arith.constant 13 : i32
      %get3A_543 = arith.index_cast %get3A_542 : i32 to index
      %get3A_544 = arith.constant 32 : index
      %get3A_545 = tpu.vector_load %arg12[%get3A_543, %get3A_544] {strides = array<i32>} : memref<32x64xf32, #tpu.memory_space<vmem>>, vector<16xf32>,
      %swap3A_546 = arith.constant 906 : index
      %swap3A_547 = tpu.vector_load %arg13[%swap3A_546] {strides = array<i32>} : memref<2144xf32, #tpu.memory_space<vmem>>, vector<16xf32>,
      tpu.vector_store %arg13[%swap3A_546], %get3A_545 {strides = array<i32>} : memref<2144xf32, #tpu.memory_space<vmem>>, vector<16xf32>,
      %get3A_548 = arith.constant 13 : i32
      %get3A_549 = arith.index_cast %get3A_548 : i32 to index
      %get3A_550 = arith.constant 48 : index
      %get3A_551 = tpu.vector_load %arg12[%get3A_549, %get3A_550] {strides = array<i32>} : memref<32x64xf32, #tpu.memory_space<vmem>>, vector<16xf32>,
      %swap3A_552 = arith.constant 922 : index
      %swap3A_553 = tpu.vector_load %arg13[%swap3A_552] {strides = array<i32>} : memref<2144xf32, #tpu.memory_space<vmem>>, vector<16xf32>,
      tpu.vector_store %arg13[%swap3A_552], %get3A_551 {strides = array<i32>} : memref<2144xf32, #tpu.memory_space<vmem>>, vector<16xf32>,
      %get3A_554 = arith.constant 14 : i32
      %get3A_555 = arith.index_cast %get3A_554 : i32 to index
      %get3A_556 = arith.constant 0 : index
      %get3A_557 = tpu.vector_load %arg12[%get3A_555, %get3A_556] {strides = array<i32>} : memref<32x64xf32, #tpu.memory_space<vmem>>, vector<16xf32>,
      %swap3A_558 = arith.constant 941 : index
      %swap3A_559 = tpu.vector_load %arg13[%swap3A_558] {strides = array<i32>} : memref<2144xf32, #tpu.memory_space<vmem>>, vector<16xf32>,
      tpu.vector_store %arg13[%swap3A_558], %get3A_557 {strides = array<i32>} : memref<2144xf32, #tpu.memory_space<vmem>>, vector<16xf32>,
      %get3A_560 = arith.constant 14 : i32
      %get3A_561 = arith.index_cast %get3A_560 : i32 to index
      %get3A_562 = arith.constant 16 : index
      %get3A_563 = tpu.vector_load %arg12[%get3A_561, %get3A_562] {strides = array<i32>} : memref<32x64xf32, #tpu.memory_space<vmem>>, vector<16xf32>,
      %swap3A_564 = arith.constant 957 : index
      %swap3A_565 = tpu.vector_load %arg13[%swap3A_564] {strides = array<i32>} : memref<2144xf32, #tpu.memory_space<vmem>>, vector<16xf32>,
      tpu.vector_store %arg13[%swap3A_564], %get3A_563 {strides = array<i32>} : memref<2144xf32, #tpu.memory_space<vmem>>, vector<16xf32>,
      %get3A_566 = arith.constant 14 : i32
      %get3A_567 = arith.index_cast %get3A_566 : i32 to index
      %get3A_568 = arith.constant 32 : index
      %get3A_569 = tpu.vector_load %arg12[%get3A_567, %get3A_568] {strides = array<i32>} : memref<32x64xf32, #tpu.memory_space<vmem>>, vector<16xf32>,
      %swap3A_570 = arith.constant 973 : index
      %swap3A_571 = tpu.vector_load %arg13[%swap3A_570] {strides = array<i32>} : memref<2144xf32, #tpu.memory_space<vmem>>, vector<16xf32>,
      tpu.vector_store %arg13[%swap3A_570], %get3A_569 {strides = array<i32>} : memref<2144xf32, #tpu.memory_space<vmem>>, vector<16xf32>,
      %get3A_572 = arith.constant 14 : i32
      %get3A_573 = arith.index_cast %get3A_572 : i32 to index
      %get3A_574 = arith.constant 48 : index
      %get3A_575 = tpu.vector_load %arg12[%get3A_573, %get3A_574] {strides = array<i32>} : memref<32x64xf32, #tpu.memory_space<vmem>>, vector<16xf32>,
      %swap3A_576 = arith.constant 989 : index
      %swap3A_577 = tpu.vector_load %arg13[%swap3A_576] {strides = array<i32>} : memref<2144xf32, #tpu.memory_space<vmem>>, vector<16xf32>,
      tpu.vector_store %arg13[%swap3A_576], %get3A_575 {strides = array<i32>} : memref<2144xf32, #tpu.memory_space<vmem>>, vector<16xf32>,
      %get3A_578 = arith.constant 15 : i32
      %get3A_579 = arith.index_cast %get3A_578 : i32 to index
      %get3A_580 = arith.constant 0 : index
      %get3A_581 = tpu.vector_load %arg12[%get3A_579, %get3A_580] {strides = array<i32>} : memref<32x64xf32, #tpu.memory_space<vmem>>, vector<16xf32>,
      %swap3A_582 = arith.constant 1008 : index
      %swap3A_583 = tpu.vector_load %arg13[%swap3A_582] {strides = array<i32>} : memref<2144xf32, #tpu.memory_space<vmem>>, vector<16xf32>,
      tpu.vector_store %arg13[%swap3A_582], %get3A_581 {strides = array<i32>} : memref<2144xf32, #tpu.memory_space<vmem>>, vector<16xf32>,
      %get3A_584 = arith.constant 15 : i32
      %get3A_585 = arith.index_cast %get3A_584 : i32 to index
      %get3A_586 = arith.constant 16 : index
      %get3A_587 = tpu.vector_load %arg12[%get3A_585, %get3A_586] {strides = array<i32>} : memref<32x64xf32, #tpu.memory_space<vmem>>, vector<16xf32>,
      %swap3A_588 = arith.constant 1024 : index
      %swap3A_589 = tpu.vector_load %arg13[%swap3A_588] {strides = array<i32>} : memref<2144xf32, #tpu.memory_space<vmem>>, vector<16xf32>,
      tpu.vector_store %arg13[%swap3A_588], %get3A_587 {strides = array<i32>} : memref<2144xf32, #tpu.memory_space<vmem>>, vector<16xf32>,
      %get3A_590 = arith.constant 15 : i32
      %get3A_591 = arith.index_cast %get3A_590 : i32 to index
      %get3A_592 = arith.constant 32 : index
      %get3A_593 = tpu.vector_load %arg12[%get3A_591, %get3A_592] {strides = array<i32>} : memref<32x64xf32, #tpu.memory_space<vmem>>, vector<16xf32>,
      %swap3A_594 = arith.constant 1040 : index
      %swap3A_595 = tpu.vector_load %arg13[%swap3A_594] {strides = array<i32>} : memref<2144xf32, #tpu.memory_space<vmem>>, vector<16xf32>,
      tpu.vector_store %arg13[%swap3A_594], %get3A_593 {strides = array<i32>} : memref<2144xf32, #tpu.memory_space<vmem>>, vector<16xf32>,
      %get3A_596 = arith.constant 15 : i32
      %get3A_597 = arith.index_cast %get3A_596 : i32 to index
      %get3A_598 = arith.constant 48 : index
      %get3A_599 = tpu.vector_load %arg12[%get3A_597, %get3A_598] {strides = array<i32>} : memref<32x64xf32, #tpu.memory_space<vmem>>, vector<16xf32>,
      %swap3A_600 = arith.constant 1056 : index
      %swap3A_601 = tpu.vector_load %arg13[%swap3A_600] {strides = array<i32>} : memref<2144xf32, #tpu.memory_space<vmem>>, vector<16xf32>,
      tpu.vector_store %arg13[%swap3A_600], %get3A_599 {strides = array<i32>} : memref<2144xf32, #tpu.memory_space<vmem>>, vector<16xf32>,
      %get3A_602 = arith.constant 16 : i32
      %get3A_603 = arith.index_cast %get3A_602 : i32 to index
      %get3A_604 = arith.constant 0 : index
      %get3A_605 = tpu.vector_load %arg12[%get3A_603, %get3A_604] {strides = array<i32>} : memref<32x64xf32, #tpu.memory_space<vmem>>, vector<16xf32>,
      %swap3A_606 = arith.constant 1075 : index
      %swap3A_607 = tpu.vector_load %arg13[%swap3A_606] {strides = array<i32>} : memref<2144xf32, #tpu.memory_space<vmem>>, vector<16xf32>,
      tpu.vector_store %arg13[%swap3A_606], %get3A_605 {strides = array<i32>} : memref<2144xf32, #tpu.memory_space<vmem>>, vector<16xf32>,
      %get3A_608 = arith.constant 16 : i32
      %get3A_609 = arith.index_cast %get3A_608 : i32 to index
      %get3A_610 = arith.constant 16 : index
      %get3A_611 = tpu.vector_load %arg12[%get3A_609, %get3A_610] {strides = array<i32>} : memref<32x64xf32, #tpu.memory_space<vmem>>, vector<16xf32>,
      %swap3A_612 = arith.constant 1091 : index
      %swap3A_613 = tpu.vector_load %arg13[%swap3A_612] {strides = array<i32>} : memref<2144xf32, #tpu.memory_space<vmem>>, vector<16xf32>,
      tpu.vector_store %arg13[%swap3A_612], %get3A_611 {strides = array<i32>} : memref<2144xf32, #tpu.memory_space<vmem>>, vector<16xf32>,
      %get3A_614 = arith.constant 16 : i32
      %get3A_615 = arith.index_cast %get3A_614 : i32 to index
      %get3A_616 = arith.constant 32 : index
      %get3A_617 = tpu.vector_load %arg12[%get3A_615, %get3A_616] {strides = array<i32>} : memref<32x64xf32, #tpu.memory_space<vmem>>, vector<16xf32>,
      %swap3A_618 = arith.constant 1107 : index
      %swap3A_619 = tpu.vector_load %arg13[%swap3A_618] {strides = array<i32>} : memref<2144xf32, #tpu.memory_space<vmem>>, vector<16xf32>,
      tpu.vector_store %arg13[%swap3A_618], %get3A_617 {strides = array<i32>} : memref<2144xf32, #tpu.memory_space<vmem>>, vector<16xf32>,
      %get3A_620 = arith.constant 16 : i32
      %get3A_621 = arith.index_cast %get3A_620 : i32 to index
      %get3A_622 = arith.constant 48 : index
      %get3A_623 = tpu.vector_load %arg12[%get3A_621, %get3A_622] {strides = array<i32>} : memref<32x64xf32, #tpu.memory_space<vmem>>, vector<16xf32>,
      %swap3A_624 = arith.constant 1123 : index
      %swap3A_625 = tpu.vector_load %arg13[%swap3A_624] {strides = array<i32>} : memref<2144xf32, #tpu.memory_space<vmem>>, vector<16xf32>,
      tpu.vector_store %arg13[%swap3A_624], %get3A_623 {strides = array<i32>} : memref<2144xf32, #tpu.memory_space<vmem>>, vector<16xf32>,
      %get3A_626 = arith.constant 17 : i32
      %get3A_627 = arith.index_cast %get3A_626 : i32 to index
      %get3A_628 = arith.constant 0 : index
      %get3A_629 = tpu.vector_load %arg12[%get3A_627, %get3A_628] {strides = array<i32>} : memref<32x64xf32, #tpu.memory_space<vmem>>, vector<16xf32>,
      %swap3A_630 = arith.constant 1142 : index
      %swap3A_631 = tpu.vector_load %arg13[%swap3A_630] {strides = array<i32>} : memref<2144xf32, #tpu.memory_space<vmem>>, vector<16xf32>,
      tpu.vector_store %arg13[%swap3A_630], %get3A_629 {strides = array<i32>} : memref<2144xf32, #tpu.memory_space<vmem>>, vector<16xf32>,
      %get3A_632 = arith.constant 17 : i32
      %get3A_633 = arith.index_cast %get3A_632 : i32 to index
      %get3A_634 = arith.constant 16 : index
      %get3A_635 = tpu.vector_load %arg12[%get3A_633, %get3A_634] {strides = array<i32>} : memref<32x64xf32, #tpu.memory_space<vmem>>, vector<16xf32>,
      %swap3A_636 = arith.constant 1158 : index
      %swap3A_637 = tpu.vector_load %arg13[%swap3A_636] {strides = array<i32>} : memref<2144xf32, #tpu.memory_space<vmem>>, vector<16xf32>,
      tpu.vector_store %arg13[%swap3A_636], %get3A_635 {strides = array<i32>} : memref<2144xf32, #tpu.memory_space<vmem>>, vector<16xf32>,
      %get3A_638 = arith.constant 17 : i32
      %get3A_639 = arith.index_cast %get3A_638 : i32 to index
      %get3A_640 = arith.constant 32 : index
      %get3A_641 = tpu.vector_load %arg12[%get3A_639, %get3A_640] {strides = array<i32>} : memref<32x64xf32, #tpu.memory_space<vmem>>, vector<16xf32>,
      %swap3A_642 = arith.constant 1174 : index
      %swap3A_643 = tpu.vector_load %arg13[%swap3A_642] {strides = array<i32>} : memref<2144xf32, #tpu.memory_space<vmem>>, vector<16xf32>,
      tpu.vector_store %arg13[%swap3A_642], %get3A_641 {strides = array<i32>} : memref<2144xf32, #tpu.memory_space<vmem>>, vector<16xf32>,
      %get3A_644 = arith.constant 17 : i32
      %get3A_645 = arith.index_cast %get3A_644 : i32 to index
      %get3A_646 = arith.constant 48 : index
      %get3A_647 = tpu.vector_load %arg12[%get3A_645, %get3A_646] {strides = array<i32>} : memref<32x64xf32, #tpu.memory_space<vmem>>, vector<16xf32>,
      %swap3A_648 = arith.constant 1190 : index
      %swap3A_649 = tpu.vector_load %arg13[%swap3A_648] {strides = array<i32>} : memref<2144xf32, #tpu.memory_space<vmem>>, vector<16xf32>,
      tpu.vector_store %arg13[%swap3A_648], %get3A_647 {strides = array<i32>} : memref<2144xf32, #tpu.memory_space<vmem>>, vector<16xf32>,
      %get3A_650 = arith.constant 18 : i32
      %get3A_651 = arith.index_cast %get3A_650 : i32 to index
      %get3A_652 = arith.constant 0 : index
      %get3A_653 = tpu.vector_load %arg12[%get3A_651, %get3A_652] {strides = array<i32>} : memref<32x64xf32, #tpu.memory_space<vmem>>, vector<16xf32>,
      %swap3A_654 = arith.constant 1209 : index
      %swap3A_655 = tpu.vector_load %arg13[%swap3A_654] {strides = array<i32>} : memref<2144xf32, #tpu.memory_space<vmem>>, vector<16xf32>,
      tpu.vector_store %arg13[%swap3A_654], %get3A_653 {strides = array<i32>} : memref<2144xf32, #tpu.memory_space<vmem>>, vector<16xf32>,
      %get3A_656 = arith.constant 18 : i32
      %get3A_657 = arith.index_cast %get3A_656 : i32 to index
      %get3A_658 = arith.constant 16 : index
      %get3A_659 = tpu.vector_load %arg12[%get3A_657, %get3A_658] {strides = array<i32>} : memref<32x64xf32, #tpu.memory_space<vmem>>, vector<16xf32>,
      %swap3A_660 = arith.constant 1225 : index
      %swap3A_661 = tpu.vector_load %arg13[%swap3A_660] {strides = array<i32>} : memref<2144xf32, #tpu.memory_space<vmem>>, vector<16xf32>,
      tpu.vector_store %arg13[%swap3A_660], %get3A_659 {strides = array<i32>} : memref<2144xf32, #tpu.memory_space<vmem>>, vector<16xf32>,
      %get3A_662 = arith.constant 18 : i32
      %get3A_663 = arith.index_cast %get3A_662 : i32 to index
      %get3A_664 = arith.constant 32 : index
      %get3A_665 = tpu.vector_load %arg12[%get3A_663, %get3A_664] {strides = array<i32>} : memref<32x64xf32, #tpu.memory_space<vmem>>, vector<16xf32>,
      %swap3A_666 = arith.constant 1241 : index
      %swap3A_667 = tpu.vector_load %arg13[%swap3A_666] {strides = array<i32>} : memref<2144xf32, #tpu.memory_space<vmem>>, vector<16xf32>,
      tpu.vector_store %arg13[%swap3A_666], %get3A_665 {strides = array<i32>} : memref<2144xf32, #tpu.memory_space<vmem>>, vector<16xf32>,
      %get3A_668 = arith.constant 18 : i32
      %get3A_669 = arith.index_cast %get3A_668 : i32 to index
      %get3A_670 = arith.constant 48 : index
      %get3A_671 = tpu.vector_load %arg12[%get3A_669, %get3A_670] {strides = array<i32>} : memref<32x64xf32, #tpu.memory_space<vmem>>, vector<16xf32>,
      %swap3A_672 = arith.constant 1257 : index
      %swap3A_673 = tpu.vector_load %arg13[%swap3A_672] {strides = array<i32>} : memref<2144xf32, #tpu.memory_space<vmem>>, vector<16xf32>,
      tpu.vector_store %arg13[%swap3A_672], %get3A_671 {strides = array<i32>} : memref<2144xf32, #tpu.memory_space<vmem>>, vector<16xf32>,
      %get3A_674 = arith.constant 19 : i32
      %get3A_675 = arith.index_cast %get3A_674 : i32 to index
      %get3A_676 = arith.constant 0 : index
      %get3A_677 = tpu.vector_load %arg12[%get3A_675, %get3A_676] {strides = array<i32>} : memref<32x64xf32, #tpu.memory_space<vmem>>, vector<16xf32>,
      %swap3A_678 = arith.constant 1276 : index
      %swap3A_679 = tpu.vector_load %arg13[%swap3A_678] {strides = array<i32>} : memref<2144xf32, #tpu.memory_space<vmem>>, vector<16xf32>,
      tpu.vector_store %arg13[%swap3A_678], %get3A_677 {strides = array<i32>} : memref<2144xf32, #tpu.memory_space<vmem>>, vector<16xf32>,
      %get3A_680 = arith.constant 19 : i32
      %get3A_681 = arith.index_cast %get3A_680 : i32 to index
      %get3A_682 = arith.constant 16 : index
      %get3A_683 = tpu.vector_load %arg12[%get3A_681, %get3A_682] {strides = array<i32>} : memref<32x64xf32, #tpu.memory_space<vmem>>, vector<16xf32>,
      %swap3A_684 = arith.constant 1292 : index
      %swap3A_685 = tpu.vector_load %arg13[%swap3A_684] {strides = array<i32>} : memref<2144xf32, #tpu.memory_space<vmem>>, vector<16xf32>,
      tpu.vector_store %arg13[%swap3A_684], %get3A_683 {strides = array<i32>} : memref<2144xf32, #tpu.memory_space<vmem>>, vector<16xf32>,
      %get3A_686 = arith.constant 19 : i32
      %get3A_687 = arith.index_cast %get3A_686 : i32 to index
      %get3A_688 = arith.constant 32 : index
      %get3A_689 = tpu.vector_load %arg12[%get3A_687, %get3A_688] {strides = array<i32>} : memref<32x64xf32, #tpu.memory_space<vmem>>, vector<16xf32>,
      %swap3A_690 = arith.constant 1308 : index
      %swap3A_691 = tpu.vector_load %arg13[%swap3A_690] {strides = array<i32>} : memref<2144xf32, #tpu.memory_space<vmem>>, vector<16xf32>,
      tpu.vector_store %arg13[%swap3A_690], %get3A_689 {strides = array<i32>} : memref<2144xf32, #tpu.memory_space<vmem>>, vector<16xf32>,
      %get3A_692 = arith.constant 19 : i32
      %get3A_693 = arith.index_cast %get3A_692 : i32 to index
      %get3A_694 = arith.constant 48 : index
      %get3A_695 = tpu.vector_load %arg12[%get3A_693, %get3A_694] {strides = array<i32>} : memref<32x64xf32, #tpu.memory_space<vmem>>, vector<16xf32>,
      %swap3A_696 = arith.constant 1324 : index
      %swap3A_697 = tpu.vector_load %arg13[%swap3A_696] {strides = array<i32>} : memref<2144xf32, #tpu.memory_space<vmem>>, vector<16xf32>,
      tpu.vector_store %arg13[%swap3A_696], %get3A_695 {strides = array<i32>} : memref<2144xf32, #tpu.memory_space<vmem>>, vector<16xf32>,
      %get3A_698 = arith.constant 20 : i32
      %get3A_699 = arith.index_cast %get3A_698 : i32 to index
      %get3A_700 = arith.constant 0 : index
      %get3A_701 = tpu.vector_load %arg12[%get3A_699, %get3A_700] {strides = array<i32>} : memref<32x64xf32, #tpu.memory_space<vmem>>, vector<16xf32>,
      %swap3A_702 = arith.constant 1343 : index
      %swap3A_703 = tpu.vector_load %arg13[%swap3A_702] {strides = array<i32>} : memref<2144xf32, #tpu.memory_space<vmem>>, vector<16xf32>,
      tpu.vector_store %arg13[%swap3A_702], %get3A_701 {strides = array<i32>} : memref<2144xf32, #tpu.memory_space<vmem>>, vector<16xf32>,
      %get3A_704 = arith.constant 20 : i32
      %get3A_705 = arith.index_cast %get3A_704 : i32 to index
      %get3A_706 = arith.constant 16 : index
      %get3A_707 = tpu.vector_load %arg12[%get3A_705, %get3A_706] {strides = array<i32>} : memref<32x64xf32, #tpu.memory_space<vmem>>, vector<16xf32>,
      %swap3A_708 = arith.constant 1359 : index
      %swap3A_709 = tpu.vector_load %arg13[%swap3A_708] {strides = array<i32>} : memref<2144xf32, #tpu.memory_space<vmem>>, vector<16xf32>,
      tpu.vector_store %arg13[%swap3A_708], %get3A_707 {strides = array<i32>} : memref<2144xf32, #tpu.memory_space<vmem>>, vector<16xf32>,
      %get3A_710 = arith.constant 20 : i32
      %get3A_711 = arith.index_cast %get3A_710 : i32 to index
      %get3A_712 = arith.constant 32 : index
      %get3A_713 = tpu.vector_load %arg12[%get3A_711, %get3A_712] {strides = array<i32>} : memref<32x64xf32, #tpu.memory_space<vmem>>, vector<16xf32>,
      %swap3A_714 = arith.constant 1375 : index
      %swap3A_715 = tpu.vector_load %arg13[%swap3A_714] {strides = array<i32>} : memref<2144xf32, #tpu.memory_space<vmem>>, vector<16xf32>,
      tpu.vector_store %arg13[%swap3A_714], %get3A_713 {strides = array<i32>} : memref<2144xf32, #tpu.memory_space<vmem>>, vector<16xf32>,
      %get3A_716 = arith.constant 20 : i32
      %get3A_717 = arith.index_cast %get3A_716 : i32 to index
      %get3A_718 = arith.constant 48 : index
      %get3A_719 = tpu.vector_load %arg12[%get3A_717, %get3A_718] {strides = array<i32>} : memref<32x64xf32, #tpu.memory_space<vmem>>, vector<16xf32>,
      %swap3A_720 = arith.constant 1391 : index
      %swap3A_721 = tpu.vector_load %arg13[%swap3A_720] {strides = array<i32>} : memref<2144xf32, #tpu.memory_space<vmem>>, vector<16xf32>,
      tpu.vector_store %arg13[%swap3A_720], %get3A_719 {strides = array<i32>} : memref<2144xf32, #tpu.memory_space<vmem>>, vector<16xf32>,
      %get3A_722 = arith.constant 21 : i32
      %get3A_723 = arith.index_cast %get3A_722 : i32 to index
      %get3A_724 = arith.constant 0 : index
      %get3A_725 = tpu.vector_load %arg12[%get3A_723, %get3A_724] {strides = array<i32>} : memref<32x64xf32, #tpu.memory_space<vmem>>, vector<16xf32>,
      %swap3A_726 = arith.constant 1410 : index
      %swap3A_727 = tpu.vector_load %arg13[%swap3A_726] {strides = array<i32>} : memref<2144xf32, #tpu.memory_space<vmem>>, vector<16xf32>,
      tpu.vector_store %arg13[%swap3A_726], %get3A_725 {strides = array<i32>} : memref<2144xf32, #tpu.memory_space<vmem>>, vector<16xf32>,
      %get3A_728 = arith.constant 21 : i32
      %get3A_729 = arith.index_cast %get3A_728 : i32 to index
      %get3A_730 = arith.constant 16 : index
      %get3A_731 = tpu.vector_load %arg12[%get3A_729, %get3A_730] {strides = array<i32>} : memref<32x64xf32, #tpu.memory_space<vmem>>, vector<16xf32>,
      %swap3A_732 = arith.constant 1426 : index
      %swap3A_733 = tpu.vector_load %arg13[%swap3A_732] {strides = array<i32>} : memref<2144xf32, #tpu.memory_space<vmem>>, vector<16xf32>,
      tpu.vector_store %arg13[%swap3A_732], %get3A_731 {strides = array<i32>} : memref<2144xf32, #tpu.memory_space<vmem>>, vector<16xf32>,
      %get3A_734 = arith.constant 21 : i32
      %get3A_735 = arith.index_cast %get3A_734 : i32 to index
      %get3A_736 = arith.constant 32 : index
      %get3A_737 = tpu.vector_load %arg12[%get3A_735, %get3A_736] {strides = array<i32>} : memref<32x64xf32, #tpu.memory_space<vmem>>, vector<16xf32>,
      %swap3A_738 = arith.constant 1442 : index
      %swap3A_739 = tpu.vector_load %arg13[%swap3A_738] {strides = array<i32>} : memref<2144xf32, #tpu.memory_space<vmem>>, vector<16xf32>,
      tpu.vector_store %arg13[%swap3A_738], %get3A_737 {strides = array<i32>} : memref<2144xf32, #tpu.memory_space<vmem>>, vector<16xf32>,
      %get3A_740 = arith.constant 21 : i32
      %get3A_741 = arith.index_cast %get3A_740 : i32 to index
      %get3A_742 = arith.constant 48 : index
      %get3A_743 = tpu.vector_load %arg12[%get3A_741, %get3A_742] {strides = array<i32>} : memref<32x64xf32, #tpu.memory_space<vmem>>, vector<16xf32>,
      %swap3A_744 = arith.constant 1458 : index
      %swap3A_745 = tpu.vector_load %arg13[%swap3A_744] {strides = array<i32>} : memref<2144xf32, #tpu.memory_space<vmem>>, vector<16xf32>,
      tpu.vector_store %arg13[%swap3A_744], %get3A_743 {strides = array<i32>} : memref<2144xf32, #tpu.memory_space<vmem>>, vector<16xf32>,
      %get3A_746 = arith.constant 22 : i32
      %get3A_747 = arith.index_cast %get3A_746 : i32 to index
      %get3A_748 = arith.constant 0 : index
      %get3A_749 = tpu.vector_load %arg12[%get3A_747, %get3A_748] {strides = array<i32>} : memref<32x64xf32, #tpu.memory_space<vmem>>, vector<16xf32>,
      %swap3A_750 = arith.constant 1477 : index
      %swap3A_751 = tpu.vector_load %arg13[%swap3A_750] {strides = array<i32>} : memref<2144xf32, #tpu.memory_space<vmem>>, vector<16xf32>,
      tpu.vector_store %arg13[%swap3A_750], %get3A_749 {strides = array<i32>} : memref<2144xf32, #tpu.memory_space<vmem>>, vector<16xf32>,
      %get3A_752 = arith.constant 22 : i32
      %get3A_753 = arith.index_cast %get3A_752 : i32 to index
      %get3A_754 = arith.constant 16 : index
      %get3A_755 = tpu.vector_load %arg12[%get3A_753, %get3A_754] {strides = array<i32>} : memref<32x64xf32, #tpu.memory_space<vmem>>, vector<16xf32>,
      %swap3A_756 = arith.constant 1493 : index
      %swap3A_757 = tpu.vector_load %arg13[%swap3A_756] {strides = array<i32>} : memref<2144xf32, #tpu.memory_space<vmem>>, vector<16xf32>,
      tpu.vector_store %arg13[%swap3A_756], %get3A_755 {strides = array<i32>} : memref<2144xf32, #tpu.memory_space<vmem>>, vector<16xf32>,
      %get3A_758 = arith.constant 22 : i32
      %get3A_759 = arith.index_cast %get3A_758 : i32 to index
      %get3A_760 = arith.constant 32 : index
      %get3A_761 = tpu.vector_load %arg12[%get3A_759, %get3A_760] {strides = array<i32>} : memref<32x64xf32, #tpu.memory_space<vmem>>, vector<16xf32>,
      %swap3A_762 = arith.constant 1509 : index
      %swap3A_763 = tpu.vector_load %arg13[%swap3A_762] {strides = array<i32>} : memref<2144xf32, #tpu.memory_space<vmem>>, vector<16xf32>,
      tpu.vector_store %arg13[%swap3A_762], %get3A_761 {strides = array<i32>} : memref<2144xf32, #tpu.memory_space<vmem>>, vector<16xf32>,
      %get3A_764 = arith.constant 22 : i32
      %get3A_765 = arith.index_cast %get3A_764 : i32 to index
      %get3A_766 = arith.constant 48 : index
      %get3A_767 = tpu.vector_load %arg12[%get3A_765, %get3A_766] {strides = array<i32>} : memref<32x64xf32, #tpu.memory_space<vmem>>, vector<16xf32>,
      %swap3A_768 = arith.constant 1525 : index
      %swap3A_769 = tpu.vector_load %arg13[%swap3A_768] {strides = array<i32>} : memref<2144xf32, #tpu.memory_space<vmem>>, vector<16xf32>,
      tpu.vector_store %arg13[%swap3A_768], %get3A_767 {strides = array<i32>} : memref<2144xf32, #tpu.memory_space<vmem>>, vector<16xf32>,
      %get3A_770 = arith.constant 23 : i32
      %get3A_771 = arith.index_cast %get3A_770 : i32 to index
      %get3A_772 = arith.constant 0 : index
      %get3A_773 = tpu.vector_load %arg12[%get3A_771, %get3A_772] {strides = array<i32>} : memref<32x64xf32, #tpu.memory_space<vmem>>, vector<16xf32>,
      %swap3A_774 = arith.constant 1544 : index
      %swap3A_775 = tpu.vector_load %arg13[%swap3A_774] {strides = array<i32>} : memref<2144xf32, #tpu.memory_space<vmem>>, vector<16xf32>,
      tpu.vector_store %arg13[%swap3A_774], %get3A_773 {strides = array<i32>} : memref<2144xf32, #tpu.memory_space<vmem>>, vector<16xf32>,
      %get3A_776 = arith.constant 23 : i32
      %get3A_777 = arith.index_cast %get3A_776 : i32 to index
      %get3A_778 = arith.constant 16 : index
      %get3A_779 = tpu.vector_load %arg12[%get3A_777, %get3A_778] {strides = array<i32>} : memref<32x64xf32, #tpu.memory_space<vmem>>, vector<16xf32>,
      %swap3A_780 = arith.constant 1560 : index
      %swap3A_781 = tpu.vector_load %arg13[%swap3A_780] {strides = array<i32>} : memref<2144xf32, #tpu.memory_space<vmem>>, vector<16xf32>,
      tpu.vector_store %arg13[%swap3A_780], %get3A_779 {strides = array<i32>} : memref<2144xf32, #tpu.memory_space<vmem>>, vector<16xf32>,
      %get3A_782 = arith.constant 23 : i32
      %get3A_783 = arith.index_cast %get3A_782 : i32 to index
      %get3A_784 = arith.constant 32 : index
      %get3A_785 = tpu.vector_load %arg12[%get3A_783, %get3A_784] {strides = array<i32>} : memref<32x64xf32, #tpu.memory_space<vmem>>, vector<16xf32>,
      %swap3A_786 = arith.constant 1576 : index
      %swap3A_787 = tpu.vector_load %arg13[%swap3A_786] {strides = array<i32>} : memref<2144xf32, #tpu.memory_space<vmem>>, vector<16xf32>,
      tpu.vector_store %arg13[%swap3A_786], %get3A_785 {strides = array<i32>} : memref<2144xf32, #tpu.memory_space<vmem>>, vector<16xf32>,
      %get3A_788 = arith.constant 23 : i32
      %get3A_789 = arith.index_cast %get3A_788 : i32 to index
      %get3A_790 = arith.constant 48 : index
      %get3A_791 = tpu.vector_load %arg12[%get3A_789, %get3A_790] {strides = array<i32>} : memref<32x64xf32, #tpu.memory_space<vmem>>, vector<16xf32>,
      %swap3A_792 = arith.constant 1592 : index
      %swap3A_793 = tpu.vector_load %arg13[%swap3A_792] {strides = array<i32>} : memref<2144xf32, #tpu.memory_space<vmem>>, vector<16xf32>,
      tpu.vector_store %arg13[%swap3A_792], %get3A_791 {strides = array<i32>} : memref<2144xf32, #tpu.memory_space<vmem>>, vector<16xf32>,
      %get3A_794 = arith.constant 24 : i32
      %get3A_795 = arith.index_cast %get3A_794 : i32 to index
      %get3A_796 = arith.constant 0 : index
      %get3A_797 = tpu.vector_load %arg12[%get3A_795, %get3A_796] {strides = array<i32>} : memref<32x64xf32, #tpu.memory_space<vmem>>, vector<16xf32>,
      %swap3A_798 = arith.constant 1611 : index
      %swap3A_799 = tpu.vector_load %arg13[%swap3A_798] {strides = array<i32>} : memref<2144xf32, #tpu.memory_space<vmem>>, vector<16xf32>,
      tpu.vector_store %arg13[%swap3A_798], %get3A_797 {strides = array<i32>} : memref<2144xf32, #tpu.memory_space<vmem>>, vector<16xf32>,
      %get3A_800 = arith.constant 24 : i32
      %get3A_801 = arith.index_cast %get3A_800 : i32 to index
      %get3A_802 = arith.constant 16 : index
      %get3A_803 = tpu.vector_load %arg12[%get3A_801, %get3A_802] {strides = array<i32>} : memref<32x64xf32, #tpu.memory_space<vmem>>, vector<16xf32>,
      %swap3A_804 = arith.constant 1627 : index
      %swap3A_805 = tpu.vector_load %arg13[%swap3A_804] {strides = array<i32>} : memref<2144xf32, #tpu.memory_space<vmem>>, vector<16xf32>,
      tpu.vector_store %arg13[%swap3A_804], %get3A_803 {strides = array<i32>} : memref<2144xf32, #tpu.memory_space<vmem>>, vector<16xf32>,
      %get3A_806 = arith.constant 24 : i32
      %get3A_807 = arith.index_cast %get3A_806 : i32 to index
      %get3A_808 = arith.constant 32 : index
      %get3A_809 = tpu.vector_load %arg12[%get3A_807, %get3A_808] {strides = array<i32>} : memref<32x64xf32, #tpu.memory_space<vmem>>, vector<16xf32>,
      %swap3A_810 = arith.constant 1643 : index
      %swap3A_811 = tpu.vector_load %arg13[%swap3A_810] {strides = array<i32>} : memref<2144xf32, #tpu.memory_space<vmem>>, vector<16xf32>,
      tpu.vector_store %arg13[%swap3A_810], %get3A_809 {strides = array<i32>} : memref<2144xf32, #tpu.memory_space<vmem>>, vector<16xf32>,
      %get3A_812 = arith.constant 24 : i32
      %get3A_813 = arith.index_cast %get3A_812 : i32 to index
      %get3A_814 = arith.constant 48 : index
      %get3A_815 = tpu.vector_load %arg12[%get3A_813, %get3A_814] {strides = array<i32>} : memref<32x64xf32, #tpu.memory_space<vmem>>, vector<16xf32>,
      %swap3A_816 = arith.constant 1659 : index
      %swap3A_817 = tpu.vector_load %arg13[%swap3A_816] {strides = array<i32>} : memref<2144xf32, #tpu.memory_space<vmem>>, vector<16xf32>,
      tpu.vector_store %arg13[%swap3A_816], %get3A_815 {strides = array<i32>} : memref<2144xf32, #tpu.memory_space<vmem>>, vector<16xf32>,
      %get3A_818 = arith.constant 25 : i32
      %get3A_819 = arith.index_cast %get3A_818 : i32 to index
      %get3A_820 = arith.constant 0 : index
      %get3A_821 = tpu.vector_load %arg12[%get3A_819, %get3A_820] {strides = array<i32>} : memref<32x64xf32, #tpu.memory_space<vmem>>, vector<16xf32>,
      %swap3A_822 = arith.constant 1678 : index
      %swap3A_823 = tpu.vector_load %arg13[%swap3A_822] {strides = array<i32>} : memref<2144xf32, #tpu.memory_space<vmem>>, vector<16xf32>,
      tpu.vector_store %arg13[%swap3A_822], %get3A_821 {strides = array<i32>} : memref<2144xf32, #tpu.memory_space<vmem>>, vector<16xf32>,
      %get3A_824 = arith.constant 25 : i32
      %get3A_825 = arith.index_cast %get3A_824 : i32 to index
      %get3A_826 = arith.constant 16 : index
      %get3A_827 = tpu.vector_load %arg12[%get3A_825, %get3A_826] {strides = array<i32>} : memref<32x64xf32, #tpu.memory_space<vmem>>, vector<16xf32>,
      %swap3A_828 = arith.constant 1694 : index
      %swap3A_829 = tpu.vector_load %arg13[%swap3A_828] {strides = array<i32>} : memref<2144xf32, #tpu.memory_space<vmem>>, vector<16xf32>,
      tpu.vector_store %arg13[%swap3A_828], %get3A_827 {strides = array<i32>} : memref<2144xf32, #tpu.memory_space<vmem>>, vector<16xf32>,
      %get3A_830 = arith.constant 25 : i32
      %get3A_831 = arith.index_cast %get3A_830 : i32 to index
      %get3A_832 = arith.constant 32 : index
      %get3A_833 = tpu.vector_load %arg12[%get3A_831, %get3A_832] {strides = array<i32>} : memref<32x64xf32, #tpu.memory_space<vmem>>, vector<16xf32>,
      %swap3A_834 = arith.constant 1710 : index
      %swap3A_835 = tpu.vector_load %arg13[%swap3A_834] {strides = array<i32>} : memref<2144xf32, #tpu.memory_space<vmem>>, vector<16xf32>,
      tpu.vector_store %arg13[%swap3A_834], %get3A_833 {strides = array<i32>} : memref<2144xf32, #tpu.memory_space<vmem>>, vector<16xf32>,
      %get3A_836 = arith.constant 25 : i32
      %get3A_837 = arith.index_cast %get3A_836 : i32 to index
      %get3A_838 = arith.constant 48 : index
      %get3A_839 = tpu.vector_load %arg12[%get3A_837, %get3A_838] {strides = array<i32>} : memref<32x64xf32, #tpu.memory_space<vmem>>, vector<16xf32>,
      %swap3A_840 = arith.constant 1726 : index
      %swap3A_841 = tpu.vector_load %arg13[%swap3A_840] {strides = array<i32>} : memref<2144xf32, #tpu.memory_space<vmem>>, vector<16xf32>,
      tpu.vector_store %arg13[%swap3A_840], %get3A_839 {strides = array<i32>} : memref<2144xf32, #tpu.memory_space<vmem>>, vector<16xf32>,
      %get3A_842 = arith.constant 26 : i32
      %get3A_843 = arith.index_cast %get3A_842 : i32 to index
      %get3A_844 = arith.constant 0 : index
      %get3A_845 = tpu.vector_load %arg12[%get3A_843, %get3A_844] {strides = array<i32>} : memref<32x64xf32, #tpu.memory_space<vmem>>, vector<16xf32>,
      %swap3A_846 = arith.constant 1745 : index
      %swap3A_847 = tpu.vector_load %arg13[%swap3A_846] {strides = array<i32>} : memref<2144xf32, #tpu.memory_space<vmem>>, vector<16xf32>,
      tpu.vector_store %arg13[%swap3A_846], %get3A_845 {strides = array<i32>} : memref<2144xf32, #tpu.memory_space<vmem>>, vector<16xf32>,
      %get3A_848 = arith.constant 26 : i32
      %get3A_849 = arith.index_cast %get3A_848 : i32 to index
      %get3A_850 = arith.constant 16 : index
      %get3A_851 = tpu.vector_load %arg12[%get3A_849, %get3A_850] {strides = array<i32>} : memref<32x64xf32, #tpu.memory_space<vmem>>, vector<16xf32>,
      %swap3A_852 = arith.constant 1761 : index
      %swap3A_853 = tpu.vector_load %arg13[%swap3A_852] {strides = array<i32>} : memref<2144xf32, #tpu.memory_space<vmem>>, vector<16xf32>,
      tpu.vector_store %arg13[%swap3A_852], %get3A_851 {strides = array<i32>} : memref<2144xf32, #tpu.memory_space<vmem>>, vector<16xf32>,
      %get3A_854 = arith.constant 26 : i32
      %get3A_855 = arith.index_cast %get3A_854 : i32 to index
      %get3A_856 = arith.constant 32 : index
      %get3A_857 = tpu.vector_load %arg12[%get3A_855, %get3A_856] {strides = array<i32>} : memref<32x64xf32, #tpu.memory_space<vmem>>, vector<16xf32>,
      %swap3A_858 = arith.constant 1777 : index
      %swap3A_859 = tpu.vector_load %arg13[%swap3A_858] {strides = array<i32>} : memref<2144xf32, #tpu.memory_space<vmem>>, vector<16xf32>,
      tpu.vector_store %arg13[%swap3A_858], %get3A_857 {strides = array<i32>} : memref<2144xf32, #tpu.memory_space<vmem>>, vector<16xf32>,
      %get3A_860 = arith.constant 26 : i32
      %get3A_861 = arith.index_cast %get3A_860 : i32 to index
      %get3A_862 = arith.constant 48 : index
      %get3A_863 = tpu.vector_load %arg12[%get3A_861, %get3A_862] {strides = array<i32>} : memref<32x64xf32, #tpu.memory_space<vmem>>, vector<16xf32>,
      %swap3A_864 = arith.constant 1793 : index
      %swap3A_865 = tpu.vector_load %arg13[%swap3A_864] {strides = array<i32>} : memref<2144xf32, #tpu.memory_space<vmem>>, vector<16xf32>,
      tpu.vector_store %arg13[%swap3A_864], %get3A_863 {strides = array<i32>} : memref<2144xf32, #tpu.memory_space<vmem>>, vector<16xf32>,
      %get3A_866 = arith.constant 27 : i32
      %get3A_867 = arith.index_cast %get3A_866 : i32 to index
      %get3A_868 = arith.constant 0 : index
      %get3A_869 = tpu.vector_load %arg12[%get3A_867, %get3A_868] {strides = array<i32>} : memref<32x64xf32, #tpu.memory_space<vmem>>, vector<16xf32>,
      %swap3A_870 = arith.constant 1812 : index
      %swap3A_871 = tpu.vector_load %arg13[%swap3A_870] {strides = array<i32>} : memref<2144xf32, #tpu.memory_space<vmem>>, vector<16xf32>,
      tpu.vector_store %arg13[%swap3A_870], %get3A_869 {strides = array<i32>} : memref<2144xf32, #tpu.memory_space<vmem>>, vector<16xf32>,
      %get3A_872 = arith.constant 27 : i32
      %get3A_873 = arith.index_cast %get3A_872 : i32 to index
      %get3A_874 = arith.constant 16 : index
      %get3A_875 = tpu.vector_load %arg12[%get3A_873, %get3A_874] {strides = array<i32>} : memref<32x64xf32, #tpu.memory_space<vmem>>, vector<16xf32>,
      %swap3A_876 = arith.constant 1828 : index
      %swap3A_877 = tpu.vector_load %arg13[%swap3A_876] {strides = array<i32>} : memref<2144xf32, #tpu.memory_space<vmem>>, vector<16xf32>,
      tpu.vector_store %arg13[%swap3A_876], %get3A_875 {strides = array<i32>} : memref<2144xf32, #tpu.memory_space<vmem>>, vector<16xf32>,
      %get3A_878 = arith.constant 27 : i32
      %get3A_879 = arith.index_cast %get3A_878 : i32 to index
      %get3A_880 = arith.constant 32 : index
      %get3A_881 = tpu.vector_load %arg12[%get3A_879, %get3A_880] {strides = array<i32>} : memref<32x64xf32, #tpu.memory_space<vmem>>, vector<16xf32>,
      %swap3A_882 = arith.constant 1844 : index
      %swap3A_883 = tpu.vector_load %arg13[%swap3A_882] {strides = array<i32>} : memref<2144xf32, #tpu.memory_space<vmem>>, vector<16xf32>,
      tpu.vector_store %arg13[%swap3A_882], %get3A_881 {strides = array<i32>} : memref<2144xf32, #tpu.memory_space<vmem>>, vector<16xf32>,
      %get3A_884 = arith.constant 27 : i32
      %get3A_885 = arith.index_cast %get3A_884 : i32 to index
      %get3A_886 = arith.constant 48 : index
      %get3A_887 = tpu.vector_load %arg12[%get3A_885, %get3A_886] {strides = array<i32>} : memref<32x64xf32, #tpu.memory_space<vmem>>, vector<16xf32>,
      %swap3A_888 = arith.constant 1860 : index
      %swap3A_889 = tpu.vector_load %arg13[%swap3A_888] {strides = array<i32>} : memref<2144xf32, #tpu.memory_space<vmem>>, vector<16xf32>,
      tpu.vector_store %arg13[%swap3A_888], %get3A_887 {strides = array<i32>} : memref<2144xf32, #tpu.memory_space<vmem>>, vector<16xf32>,
      %get3A_890 = arith.constant 28 : i32
      %get3A_891 = arith.index_cast %get3A_890 : i32 to index
      %get3A_892 = arith.constant 0 : index
      %get3A_893 = tpu.vector_load %arg12[%get3A_891, %get3A_892] {strides = array<i32>} : memref<32x64xf32, #tpu.memory_space<vmem>>, vector<16xf32>,
      %swap3A_894 = arith.constant 1879 : index
      %swap3A_895 = tpu.vector_load %arg13[%swap3A_894] {strides = array<i32>} : memref<2144xf32, #tpu.memory_space<vmem>>, vector<16xf32>,
      tpu.vector_store %arg13[%swap3A_894], %get3A_893 {strides = array<i32>} : memref<2144xf32, #tpu.memory_space<vmem>>, vector<16xf32>,
      %get3A_896 = arith.constant 28 : i32
      %get3A_897 = arith.index_cast %get3A_896 : i32 to index
      %get3A_898 = arith.constant 16 : index
      %get3A_899 = tpu.vector_load %arg12[%get3A_897, %get3A_898] {strides = array<i32>} : memref<32x64xf32, #tpu.memory_space<vmem>>, vector<16xf32>,
      %swap3A_900 = arith.constant 1895 : index
      %swap3A_901 = tpu.vector_load %arg13[%swap3A_900] {strides = array<i32>} : memref<2144xf32, #tpu.memory_space<vmem>>, vector<16xf32>,
      tpu.vector_store %arg13[%swap3A_900], %get3A_899 {strides = array<i32>} : memref<2144xf32, #tpu.memory_space<vmem>>, vector<16xf32>,
      %get3A_902 = arith.constant 28 : i32
      %get3A_903 = arith.index_cast %get3A_902 : i32 to index
      %get3A_904 = arith.constant 32 : index
      %get3A_905 = tpu.vector_load %arg12[%get3A_903, %get3A_904] {strides = array<i32>} : memref<32x64xf32, #tpu.memory_space<vmem>>, vector<16xf32>,
      %swap3A_906 = arith.constant 1911 : index
      %swap3A_907 = tpu.vector_load %arg13[%swap3A_906] {strides = array<i32>} : memref<2144xf32, #tpu.memory_space<vmem>>, vector<16xf32>,
      tpu.vector_store %arg13[%swap3A_906], %get3A_905 {strides = array<i32>} : memref<2144xf32, #tpu.memory_space<vmem>>, vector<16xf32>,
      %get3A_908 = arith.constant 28 : i32
      %get3A_909 = arith.index_cast %get3A_908 : i32 to index
      %get3A_910 = arith.constant 48 : index
      %get3A_911 = tpu.vector_load %arg12[%get3A_909, %get3A_910] {strides = array<i32>} : memref<32x64xf32, #tpu.memory_space<vmem>>, vector<16xf32>,
      %swap3A_912 = arith.constant 1927 : index
      %swap3A_913 = tpu.vector_load %arg13[%swap3A_912] {strides = array<i32>} : memref<2144xf32, #tpu.memory_space<vmem>>, vector<16xf32>,
      tpu.vector_store %arg13[%swap3A_912], %get3A_911 {strides = array<i32>} : memref<2144xf32, #tpu.memory_space<vmem>>, vector<16xf32>,
      %get3A_914 = arith.constant 29 : i32
      %get3A_915 = arith.index_cast %get3A_914 : i32 to index
      %get3A_916 = arith.constant 0 : index
      %get3A_917 = tpu.vector_load %arg12[%get3A_915, %get3A_916] {strides = array<i32>} : memref<32x64xf32, #tpu.memory_space<vmem>>, vector<16xf32>,
      %swap3A_918 = arith.constant 1946 : index
      %swap3A_919 = tpu.vector_load %arg13[%swap3A_918] {strides = array<i32>} : memref<2144xf32, #tpu.memory_space<vmem>>, vector<16xf32>,
      tpu.vector_store %arg13[%swap3A_918], %get3A_917 {strides = array<i32>} : memref<2144xf32, #tpu.memory_space<vmem>>, vector<16xf32>,
      %get3A_920 = arith.constant 29 : i32
      %get3A_921 = arith.index_cast %get3A_920 : i32 to index
      %get3A_922 = arith.constant 16 : index
      %get3A_923 = tpu.vector_load %arg12[%get3A_921, %get3A_922] {strides = array<i32>} : memref<32x64xf32, #tpu.memory_space<vmem>>, vector<16xf32>,
      %swap3A_924 = arith.constant 1962 : index
      %swap3A_925 = tpu.vector_load %arg13[%swap3A_924] {strides = array<i32>} : memref<2144xf32, #tpu.memory_space<vmem>>, vector<16xf32>,
      tpu.vector_store %arg13[%swap3A_924], %get3A_923 {strides = array<i32>} : memref<2144xf32, #tpu.memory_space<vmem>>, vector<16xf32>,
      %get3A_926 = arith.constant 29 : i32
      %get3A_927 = arith.index_cast %get3A_926 : i32 to index
      %get3A_928 = arith.constant 32 : index
      %get3A_929 = tpu.vector_load %arg12[%get3A_927, %get3A_928] {strides = array<i32>} : memref<32x64xf32, #tpu.memory_space<vmem>>, vector<16xf32>,
      %swap3A_930 = arith.constant 1978 : index
      %swap3A_931 = tpu.vector_load %arg13[%swap3A_930] {strides = array<i32>} : memref<2144xf32, #tpu.memory_space<vmem>>, vector<16xf32>,
      tpu.vector_store %arg13[%swap3A_930], %get3A_929 {strides = array<i32>} : memref<2144xf32, #tpu.memory_space<vmem>>, vector<16xf32>,
      %get3A_932 = arith.constant 29 : i32
      %get3A_933 = arith.index_cast %get3A_932 : i32 to index
      %get3A_934 = arith.constant 48 : index
      %get3A_935 = tpu.vector_load %arg12[%get3A_933, %get3A_934] {strides = array<i32>} : memref<32x64xf32, #tpu.memory_space<vmem>>, vector<16xf32>,
      %swap3A_936 = arith.constant 1994 : index
      %swap3A_937 = tpu.vector_load %arg13[%swap3A_936] {strides = array<i32>} : memref<2144xf32, #tpu.memory_space<vmem>>, vector<16xf32>,
      tpu.vector_store %arg13[%swap3A_936], %get3A_935 {strides = array<i32>} : memref<2144xf32, #tpu.memory_space<vmem>>, vector<16xf32>,
      %get3A_938 = arith.constant 30 : i32
      %get3A_939 = arith.index_cast %get3A_938 : i32 to index
      %get3A_940 = arith.constant 0 : index
      %get3A_941 = tpu.vector_load %arg12[%get3A_939, %get3A_940] {strides = array<i32>} : memref<32x64xf32, #tpu.memory_space<vmem>>, vector<16xf32>,
      %swap3A_942 = arith.constant 2013 : index
      %swap3A_943 = tpu.vector_load %arg13[%swap3A_942] {strides = array<i32>} : memref<2144xf32, #tpu.memory_space<vmem>>, vector<16xf32>,
      tpu.vector_store %arg13[%swap3A_942], %get3A_941 {strides = array<i32>} : memref<2144xf32, #tpu.memory_space<vmem>>, vector<16xf32>,
      %get3A_944 = arith.constant 30 : i32
      %get3A_945 = arith.index_cast %get3A_944 : i32 to index
      %get3A_946 = arith.constant 16 : index
      %get3A_947 = tpu.vector_load %arg12[%get3A_945, %get3A_946] {strides = array<i32>} : memref<32x64xf32, #tpu.memory_space<vmem>>, vector<16xf32>,
      %swap3A_948 = arith.constant 2029 : index
      %swap3A_949 = tpu.vector_load %arg13[%swap3A_948] {strides = array<i32>} : memref<2144xf32, #tpu.memory_space<vmem>>, vector<16xf32>,
      tpu.vector_store %arg13[%swap3A_948], %get3A_947 {strides = array<i32>} : memref<2144xf32, #tpu.memory_space<vmem>>, vector<16xf32>,
      %get3A_950 = arith.constant 30 : i32
      %get3A_951 = arith.index_cast %get3A_950 : i32 to index
      %get3A_952 = arith.constant 32 : index
      %get3A_953 = tpu.vector_load %arg12[%get3A_951, %get3A_952] {strides = array<i32>} : memref<32x64xf32, #tpu.memory_space<vmem>>, vector<16xf32>,
      %swap3A_954 = arith.constant 2045 : index
      %swap3A_955 = tpu.vector_load %arg13[%swap3A_954] {strides = array<i32>} : memref<2144xf32, #tpu.memory_space<vmem>>, vector<16xf32>,
      tpu.vector_store %arg13[%swap3A_954], %get3A_953 {strides = array<i32>} : memref<2144xf32, #tpu.memory_space<vmem>>, vector<16xf32>,
      %get3A_956 = arith.constant 30 : i32
      %get3A_957 = arith.index_cast %get3A_956 : i32 to index
      %get3A_958 = arith.constant 48 : index
      %get3A_959 = tpu.vector_load %arg12[%get3A_957, %get3A_958] {strides = array<i32>} : memref<32x64xf32, #tpu.memory_space<vmem>>, vector<16xf32>,
      %swap3A_960 = arith.constant 2061 : index
      %swap3A_961 = tpu.vector_load %arg13[%swap3A_960] {strides = array<i32>} : memref<2144xf32, #tpu.memory_space<vmem>>, vector<16xf32>,
      tpu.vector_store %arg13[%swap3A_960], %get3A_959 {strides = array<i32>} : memref<2144xf32, #tpu.memory_space<vmem>>, vector<16xf32>,
      %get3A_962 = arith.constant 31 : i32
      %get3A_963 = arith.index_cast %get3A_962 : i32 to index
      %get3A_964 = arith.constant 0 : index
      %get3A_965 = tpu.vector_load %arg12[%get3A_963, %get3A_964] {strides = array<i32>} : memref<32x64xf32, #tpu.memory_space<vmem>>, vector<16xf32>,
      %swap3A_966 = arith.constant 2080 : index
      %swap3A_967 = tpu.vector_load %arg13[%swap3A_966] {strides = array<i32>} : memref<2144xf32, #tpu.memory_space<vmem>>, vector<16xf32>,
      tpu.vector_store %arg13[%swap3A_966], %get3A_965 {strides = array<i32>} : memref<2144xf32, #tpu.memory_space<vmem>>, vector<16xf32>,
      %get3A_968 = arith.constant 31 : i32
      %get3A_969 = arith.index_cast %get3A_968 : i32 to index
      %get3A_970 = arith.constant 16 : index
      %get3A_971 = tpu.vector_load %arg12[%get3A_969, %get3A_970] {strides = array<i32>} : memref<32x64xf32, #tpu.memory_space<vmem>>, vector<16xf32>,
      %swap3A_972 = arith.constant 2096 : index
      %swap3A_973 = tpu.vector_load %arg13[%swap3A_972] {strides = array<i32>} : memref<2144xf32, #tpu.memory_space<vmem>>, vector<16xf32>,
      tpu.vector_store %arg13[%swap3A_972], %get3A_971 {strides = array<i32>} : memref<2144xf32, #tpu.memory_space<vmem>>, vector<16xf32>,
      %get3A_974 = arith.constant 31 : i32
      %get3A_975 = arith.index_cast %get3A_974 : i32 to index
      %get3A_976 = arith.constant 32 : index
      %get3A_977 = tpu.vector_load %arg12[%get3A_975, %get3A_976] {strides = array<i32>} : memref<32x64xf32, #tpu.memory_space<vmem>>, vector<16xf32>,
      %swap3A_978 = arith.constant 2112 : index
      %swap3A_979 = tpu.vector_load %arg13[%swap3A_978] {strides = array<i32>} : memref<2144xf32, #tpu.memory_space<vmem>>, vector<16xf32>,
      tpu.vector_store %arg13[%swap3A_978], %get3A_977 {strides = array<i32>} : memref<2144xf32, #tpu.memory_space<vmem>>, vector<16xf32>,
      %get3A_980 = arith.constant 31 : i32
      %get3A_981 = arith.index_cast %get3A_980 : i32 to index
      %get3A_982 = arith.constant 48 : index
      %get3A_983 = tpu.vector_load %arg12[%get3A_981, %get3A_982] {strides = array<i32>} : memref<32x64xf32, #tpu.memory_space<vmem>>, vector<16xf32>,
      %swap3A_984 = arith.constant 2128 : index
      %swap3A_985 = tpu.vector_load %arg13[%swap3A_984] {strides = array<i32>} : memref<2144xf32, #tpu.memory_space<vmem>>, vector<16xf32>,
      tpu.vector_store %arg13[%swap3A_984], %get3A_983 {strides = array<i32>} : memref<2144xf32, #tpu.memory_space<vmem>>, vector<16xf32>,
      %add3A_986 = arith.addi %mul3A_32, %scan3A_56 : i32
      %dma_start3A_987 = arith.constant 0 : i32
      %dma_start3A_988 = tpu.memref_slice %arg5[%select_n3A, %add3A_986, %dma_start3A_987] : memref<8x1024x2144xf32, #tpu.memory_space<hbm>> -> memref<1x1x2144xf32, #tpu.memory_space<hbm>>
      %dma_start3A_989 = tpu.memref_squeeze %dma_start3A_988 : memref<1x1x2144xf32, #tpu.memory_space<hbm>> -> memref<2144xf32, #tpu.memory_space<hbm>>
      %dma_start3A_990 = arith.constant 0 : i32
      %dma_start3A_991 = tpu.memref_slice %arg5[%select_n3A, %add3A_986, %dma_start3A_990] : memref<8x1024x2144xf32, #tpu.memory_space<hbm>> -> memref<1x1x2144xf32, #tpu.memory_space<hbm>>
      %dma_start3A_992 = tpu.memref_squeeze %dma_start3A_991 : memref<1x1x2144xf32, #tpu.memory_space<hbm>> -> memref<2144xf32, #tpu.memory_space<hbm>>
      tpu.enqueue_dma source(%arg13 : memref<2144xf32, #tpu.memory_space<vmem>>) target(%dma_start3A_992 : memref<2144xf32, #tpu.memory_space<hbm>>) target_semaphore(%arg15 : memref<!tpu.dma_semaphore, #tpu.memory_space<semaphore_mem>>)
    }
    %scan3A_50 = arith.constant 256 : i32
    %dma_wait3A = arith.constant 0 : i32
    %dma_wait3A_51 = tpu.memref_slice %arg5[%select_n3A, %mul3A_32, %dma_wait3A] : memref<8x1024x2144xf32, #tpu.memory_space<hbm>> -> memref<1x1x2144xf32, #tpu.memory_space<hbm>>
    %dma_wait3A_52 = tpu.memref_squeeze %dma_wait3A_51 : memref<1x1x2144xf32, #tpu.memory_space<hbm>> -> memref<2144xf32, #tpu.memory_space<hbm>>
    %dma_wait3A_53 = arith.constant 0 : i32
    %dma_wait3A_54 = tpu.memref_slice %arg5[%select_n3A, %mul3A_32, %dma_wait3A_53] : memref<8x1024x2144xf32, #tpu.memory_space<hbm>> -> memref<1x1x2144xf32, #tpu.memory_space<hbm>>
    %dma_wait3A_55 = tpu.memref_squeeze %dma_wait3A_54 : memref<1x1x2144xf32, #tpu.memory_space<hbm>> -> memref<2144xf32, #tpu.memory_space<hbm>>
    tpu.wait_dma2 semaphore(%arg15 : memref<!tpu.dma_semaphore, #tpu.memory_space<semaphore_mem>>) src(%dma_wait3A_55 : memref<2144xf32, #tpu.memory_space<hbm>>) dst(%arg13 : memref<2144xf32, #tpu.memory_space<vmem>>)
    return
  }
}

</mosaic_0001>

<sc_bundles>
// kernel: kernel.3.cloned.1.call-start
scs
__scs_entry_jumppad:
0x0: {  	(pc) =	sbr.rel $0x88, $3  }
0x1: {  	(tag) =	ssettag $0x0;
	lr =	simm.s32 $0x1  }
0x2: {  	[smem:$0x3F9E] =	sst lr;
	_ =	strace $0xD0000000  }
0x3: {  	_ = 	snop  }
0x4: {  	_ = 	snop  }
0x5: {  	_ = 	snop  }
0x6: {  	_ = 	snop  }
0x7: {  	_ = 	snop  }
__scs_overlays_trampoline_lowered:
0x8: {  	[smem:$0x3FAD] =	sst s0  }
0x9: {  	[smem:$0x3FAE] =	sst s1  }
0xa: {  	[smem:$0x3FAF] =	sst s2  }
0xb: {  	[smem:$0x3FB0] =	sst s3  }
0xc: {  	[smem:$0x3FB1] =	sst s4  }
0xd: {  	[smem:$0x3FB2] =	sst s5  }
0xe: {  	[smem:$0x3FB3] =	sst s6  }
0xf: {  	[smem:$0x3FB4] =	sst s7  }
0x10: {  	[smem:$0x3FB5] =	sst s8  }
0x11: {  	[smem:$0x3FB6] =	sst s9;
	s0 =	simm.s32 @!p0 $0x0  }
0x12: {  	s1 =	sld [smem:$0x3F9C];
	s0 =	simm.s32 @p0 $0x1  }
0x13: {  	[smem:$0x3FB7] =	sst s0;
	s0 =	simm.s32 @!p1 $0x0  }
0x14: {  	s2 =	sld [smem:$0x3F9B];
	s0 =	simm.s32 @p1 $0x1  }
0x15: {  	[smem:$0x3FB8] =	sst s0;
	s0 =	simm.s32 @!p2 $0x0  }
0x16: {  	s3 =	sld [smem:$0x3FDB];
	s0 =	simm.s32 @p2 $0x1  }
0x17: {  	s4 =	simm.s32 $0x1BF5;
	[smem:$0x3FBA] =	sst s0  }
0x18: {  	s0 =	sld [smem:$0x3F9D];
	_ =	swait.ge [sflag:s4], $0x0  }
0x19: {  	s7 =	sld [smem:$0x3F9E]  }
0x1a: {  	s8 =	sadd.s32 $0xFFFFE003, lr  }
0x1b: {  	s9 =	sadd.s32 $0xFFFFFEF7, lr;
	s5 =	simm.s32 $0xFFFFFFFF;
	p2 =	slt.u32 s8, $0xFFFFF086  }
0x1c: {  	p1 =	slt.u32 s9, $0xF7A;
	s5 =	simm.s32 @!p2 $0x0  }
0x1d: {  	s5 =	simm.s32 @p1 $0x1;
	p0 =	seq.s32 s7, s2  }
0x1e: {  	s7 =	smul.u32 @!p0 $0xF7A, s2;
	p2 =	seq.s32 @!p0 s5, $0x0  }
0x1f: {  	s9 =	smul.u32 $0xF7A, s1;
	s8 =	simm.s32 @!p0 $0x1BF5;
	p2 =	por !p2, p0  }
0x20: {  	[sflag:s8] =	ssyncset.s32 @!p0 $0xFFFFF086;
	s6 =	sadd.s32 @!p0 s3, s7;
	s7 =	simm.s32 @!p0 $0x108  }
0x21: {  	s3 =	sadd.s32 s3, s9;
	s6 =	sadd.s32 @!p0 $0x88, s6;
	s7 =	simm.s32 @p2 $0x1082  }
0x22: {  	[simem:s7], [sflag:s8] =	dma.local @!p0 [hbm:s6], $0xF7A  }
0x23: {  	s9 =	sor.u32 $0xD0000000, s2;
	s6 =	simm.s32 $0x108;
	_ =	swait.ge @!p0 [sflag:s8], $0x0  }
0x24: {  	s3 =	sadd.s32 $0x88, s3;
	s6 =	simm.s32 @!p1 $0x1082;
	[sflag:s4] =	ssyncset.s32 $0xFFFFF086  }
0x25: {  	[simem:s6], [sflag:s4] =	dma.local [hbm:s3], $0xF7A  }
0x26: {  	[smem:$0x3F9E] =	sst s1;
	(tag) =	ssettag s2;
	_ =	strace s9  }
0x27: {  	s1 =	sld [smem:$0x3FAE]  }
0x28: {  	s2 =	sld [smem:$0x3FAF]  }
0x29: {  	s4 =	sld [smem:$0x3FB1]  }
0x2a: {  	p0 =	seq.s32 s5, $0x0;
	s5 =	sld [smem:$0x3FB2]  }
0x2b: {  	s6 =	sld [smem:$0x3FB3]  }
0x2c: {  	s7 =	sld [smem:$0x3FB4]  }
0x2d: {  	s3 =	simm.s32 $0x108;
	s8 =	sld [smem:$0x3FB5]  }
0x2e: {  	s3 =	simm.s32 @!p0 $0x1082;
	s9 =	sld [smem:$0x3FB6]  }
0x2f: {  	lr =	sadd.s32 s0, s3;
	s0 =	sld [smem:$0x3FAD]  }
0x30: {  	s3 =	sld [smem:$0x3FB0]  }
0x31: {  	[smem:$0x3FB9] =	sst s10  }
0x32: {  	s10 =	sld [smem:$0x3FB7];
	_ =	sdelay $0x3  }
0x33: {  	p0 =	seq.s32 s10, $0x1;
	s10 =	sld [smem:$0x3FB9];
	_ =	sdelay $0x3  }
0x34: {  	[smem:$0x3FB9] =	sst s10  }
0x35: {  	s10 =	sld [smem:$0x3FB8];
	_ =	sdelay $0x3  }
0x36: {  	p1 =	seq.s32 s10, $0x1;
	s10 =	sld [smem:$0x3FB9];
	_ =	sdelay $0x3  }
0x37: {  	[smem:$0x3FB9] =	sst s10  }
0x38: {  	s10 =	sld [smem:$0x3FBA]  }
0x39: {  	_ = 	snop;
	(pc) =	sbr.ind lr, $3  }
0x3a: {  	_ = 	snop  }
0x3b: {  	_ = 	snop  }
0x3c: {  	p2 =	seq.s32 s10, $0x1;
	s10 =	sld [smem:$0x3FB9]  }
0x3d: {  	_ =	shalt  }
0x3e: {  	_ =	shalt  }
0x3f: {  	_ =	shalt  }
0x40: {  	_ =	shalt  }
0x41: {  	_ =	shalt  }
0x42: {  	_ =	shalt  }
0x43: {  	_ =	shalt  }
0x44: {  	_ =	shalt  }
0x45: {  	_ =	shalt  }
0x46: {  	_ =	shalt  }
0x47: {  	_ =	shalt  }
0x48: {  	_ =	shalt  }
0x49: {  	_ =	shalt  }
0x4a: {  	_ =	shalt  }
0x4b: {  	_ =	shalt  }
0x4c: {  	_ =	shalt  }
0x4d: {  	_ =	shalt  }
0x4e: {  	_ =	shalt  }
0x4f: {  	_ =	shalt  }
0x50: {  	_ =	shalt  }
0x51: {  	_ =	shalt  }
0x52: {  	_ =	shalt  }
0x53: {  	_ =	shalt  }
0x54: {  	_ =	shalt  }
0x55: {  	_ =	shalt  }
0x56: {  	_ =	shalt  }
0x57: {  	_ =	shalt  }
0x58: {  	_ =	shalt  }
0x59: {  	_ =	shalt  }
0x5a: {  	_ =	shalt  }
0x5b: {  	_ =	shalt  }
0x5c: {  	_ =	shalt  }
0x5d: {  	_ =	shalt  }
0x5e: {  	_ =	shalt  }
0x5f: {  	_ =	shalt  }
0x60: {  	_ =	shalt  }
0x61: {  	_ =	shalt  }
0x62: {  	_ =	shalt  }
0x63: {  	_ =	shalt  }
0x64: {  	_ =	shalt  }
0x65: {  	_ =	shalt  }
0x66: {  	_ =	shalt  }
0x67: {  	_ =	shalt  }
0x68: {  	_ =	shalt  }
0x69: {  	_ =	shalt  }
0x6a: {  	_ =	shalt  }
0x6b: {  	_ =	shalt  }
0x6c: {  	_ =	shalt  }
0x6d: {  	_ =	shalt  }
0x6e: {  	_ =	shalt  }
0x6f: {  	_ =	shalt  }
0x70: {  	_ =	shalt  }
0x71: {  	_ =	shalt  }
0x72: {  	_ =	shalt  }
0x73: {  	_ =	shalt  }
0x74: {  	_ =	shalt  }
0x75: {  	_ =	shalt  }
0x76: {  	_ =	shalt  }
0x77: {  	_ =	shalt  }
0x78: {  	_ =	shalt  }
0x79: {  	_ =	shalt  }
0x7a: {  	_ =	shalt  }
0x7b: {  	_ =	shalt  }
0x7c: {  	_ =	shalt  }
0x7d: {  	_ =	shalt  }
0x7e: {  	_ =	shalt  }
0x7f: {  	_ =	shalt  }
0x80: {  	_ =	shalt  }
0x81: {  	_ =	shalt  }
0x82: {  	_ =	shalt  }
0x83: {  	_ =	shalt  }
0x84: {  	_ =	shalt  }
0x85: {  	_ =	shalt  }
0x86: {  	_ =	shalt  }
0x87: {  	_ =	shalt  }
.Lfunc_end0:
.L_simem_size_0:
called_computation.2_lowered:
.L_overlay_start_0:
0x88: {  	s2 =	sld [smem:$0x3FD9]  }
0x89: {  	s3 =	sld [smem:$0x3FFE];
	_ =	sdelay $0x1  }
0x8a: {  	s1 =	srdreg.scid  }
0x8b: {  	s0 =	sand.u32 $0x1, s1  }
0x8c: {  	s17 =	sshll.u32 s0, $0xA;
	s2 =	sadd.s32 s3, s2  }
0x8d: {  	s2 =	sadd.s32 s2, s17  }
0x8e: {  	[smem:$0x3FC5] =	sst s2  }
0x8f: {  	_ = 	snop  }
0x90: {  	s2 =	sld [smem:$0x3FD0];
	(tm) =	ssettm $0x1  }
0x91: {  	s18 =	sld [smem:$0x3FFB];
	_ =	sdelay $0x3  }
0x92: {  	_ =	strace s18  }
0x93: {  	s3 =	sld [smem:$0x3FFC];
	_ =	sdelay $0x3  }
0x94: {  	_ =	strace s3  }
0x95: {  	s3 =	sld [smem:$0x3FFD];
	_ =	sdelay $0x3  }
0x96: {  	_ =	strace s3  }
0x97: {  	_ =	strace $0x8FFFFFFF  }
0x98: {  	s19 =	sld [smem:$0x3FDB];
	_ =	sdelay $0x1  }
0x99: {  	s4 =	simm.s32 $_scs_section_size  }
0x9a: {  	s5 =	simm.s32 $_size__tile_overlayer_lowered;
	s6 =	simm.s32 $_tile_overlayer_lowered  }
0x9b: {  	s22 =	simm.s32 $0x1BFF;
	s21 =	sshll.u32 s6, $0x1;
	s3 =	sadd.s32 s4, s19  }
0x9c: {  	s7 =	simm.s32 $0x0;
	s20 =	sshll.u32 s5, $0x1;
	s5 =	sadd.s32 s21, s3  }
0x9d: {  	[timem:s7], [sflag:s22] =	dma.local [hbm:s5], s20  }
0x9e: {  	_ =	swait.ge [sflag:s22], s20  }
0x9f: {  	s4 =	ssub.s32 $0x0, s20;
	[sflag:s22] =	ssyncset.done $0x0  }
0xa0: {  	[sflag:s22] =	ssyncadd.s32 s4;
	_ =	sdelay $0x1  }
0xa1: {  	s23 =	simm.s32 $0x1B8B  }
0xa2: {  	_ =	swait.ge [sflag:s23], $0x1  }
0xa3: {  	[sflag:s23] =	ssyncset.done $0x0  }
0xa4: {  	s25 =	simm.s32 $0x1B8E;
	s24 =	sld [smem:$0x3FFE];
	[sflag:s23] =	ssyncadd.s32 $0xFFFFFFFF  }
0xa5: {  	s26 =	simm.s32 $execute0_lowered;
	[smem:$0x3FD2] =	sst s25  }
0xa6: {  	s5 =	sshll.u32 s26, $0x1;
	_ =	strace $0x80000046;
	[dreg:$0x1] =	wrdreg $0xFFFFFFFF  }
0xa7: {  	s28 =	simm.s32 $_size_execute0_lowered;
	s3 =	sadd.s32 s3, s5;
	[dreg:$0x0] =	wrdreg $0x0  }
0xa8: {  	s5 =	sshll.u32 s28, $0x1;
	[dreg:$0x2] =	wrdreg s3  }
0xa9: {  	[dreg:$0x3] =	wrdreg s5  }
0xaa: {  	[dreg:$0x4] =	wrdreg $0xC0  }
0xab: {  	_ =	task [dreg:s7], $0x5FFFF  }
0xac: {  	[dreg:$0x1] =	wrdreg $0xFFFFFFFF  }
0xad: {  	[dreg:$0x0] =	wrdreg $0x60  }
0xae: {  	[dreg:$0x2] =	wrdreg s24  }
0xaf: {  	[dreg:$0x3] =	wrdreg s2  }
0xb0: {  	[dreg:$0x4] =	wrdreg $0x9  }
0xb1: {  	_ =	task.clear_ibuf [dreg:s7], $0x5FFFF;
	_ =	strace $0x90000046  }
0xb2: {  	s29 =	simm.s32 $0x9;
	_ =	strace $0x80000048  }
0xb3: {  	_ =	swait.ge [sflag:s29], $0x1  }
0xb4: {  	[sflag:s29] =	ssyncadd.s32 $0xFFFFFFFF  }
0xb5: {  	_ =	strace $0x90000048  }
0xb6: {  	_ =	sfence  }
0xb7: {  	s30 =	sld [smem:$0x0];
	_ =	sdelay $0x2  }
0xb8: {  	s31 =	sshll.u32 s1, $0xD;
	s1 =	sshrl.u32 s1, $0x2  }
0xb9: {  	s3 =	sand.u32 $0x4000, s31;
	s1 =	sadd.s32 s1, s30  }
0xba: {  	s0 =	sor.u32 s3, s0;
	s1 =	sshll.u32 s1, $0x11  }
0xbb: {  	s0 =	sor.u32 s1, s0  }
0xbc: {  	s0 =	sadd.s32 $0x8F2B, s0  }
0xbd: {  	[sflag:s0] =	ssyncadd.remote.s32 $0x1  }
0xbe: {  	_ =	sfence.sel $0xFFFF  }
0xbf: {  	[dreg:$0x0] =	wrdreg $0xFFFFFFFF;
	(pc) =	sbr.abs _section_cstart, $3  }
0xc0: {  	[dreg:$0x1] =	wrdreg $0xFFFFFFFF  }
0xc1: {  	_ =	task.clear_ibuf [dreg:s7], $0x2FFFF;
	_ =	strace $0x9FFFFFFF  }
0xc2: {  	(tm) =	ssettm $0x7FFFFFFF  }
0xc3: {  	_ =	shalt  }
tec
execute0_lowered:
.L_overlay_start_1:
0x0: {  	(tag) =	ssettag $0x1  }
0x1: {  	s5 =	rddreg [dreg:$0x0]  }
0x2: {  	s2 =	rddreg [dreg:$0x1];
	s1 =	stileid.u32;
	s3 =	simm.s32 $0x0  }
0x3: {  	s6 =	srdreg.scid;
	s13 =	simm.s32 $0x7000;
	s14 =	simm.s32 $0x7100  }
0x4: {  	s16 =	simm.s32 $0x7300;
	s17 =	simm.s32 $0x20;
	s18 =	simm.s32 $0x73A0  }
0x5: {  	s19 =	simm.s32 $0x73C0;
	s20 =	simm.s32 $0x7BC0;
	s21 =	simm.s32 $0x1  }
0x6: {  	s22 =	simm.s32 $0x2;
	s23 =	simm.s32 $0x0;
	s10 =	sshrl.u32 s1, $0x1  }
0x7: {  	[smem:$0x7FF] =	sst s3;
	s7 =	sshll.u32 s1, $0x1;
	s25 =	sand.u32 $0x1, s6  }
0x8: {  	s9 =	sadd.s32 $0xC00, s5;
	s4 =	smul.u32 $0x600, s10;
	_ =	strace $0x80000047  }
0x9: {  	s26 =	sand.u32 $0x2, s7;
	s28 =	ssub.s32 $0x2, s25;
	s29 =	smul.u32 $0xC00, s10  }
0xa: {  	s15 =	sshll.u32 s10, $0xC;
	s10 =	smul.u32 $0x218000, s10;
	s11 =	sshrl.u32 s28, $0x1  }
0xb: {  	v2 =	vmov s15;
	s15 =	simm.s32 $0x7200;
	s8 =	sadd.s32 s4, s5;
	s4 =	sor.u32 s25, s26  }
0xc: {  	v0 =	vlaneseq.u32;
	s5 =	sadd.s32 $0x4800, s5;
	s11 =	ssub.s32 s28, s11;
	s4 =	sshll.u32 s4, $0x8  }
0xd: {  	v1 =	vmul.u32 $0x43, v0;
	s6 =	sadd.s32 $0x1800, s8;
	s11 =	smax.u32 s11, $0x1;
	s30 =	sor.u32 s29, s4  }
0xe: {  	v3 =	vimm.s32 $0xFFF;
	v4 =	vimm.s32 $0x0;
	s31 =	sadd.s32 $0x400, s30;
	s12 =	sadd.s32 $0x800, s30;
	s7 =	sshrl.u32 s30, $0x3  }
0xf: {  	v5 =	vor.u32 $0x10, v0;
	v6 =	vadd.s32 $0x1, v1;
	v7 =	vadd.s32 $0x2, v1;
	s8 =	sshrl.u32 s31, $0x3;
	s12 =	sshrl.u32 s12, $0x3;
	s7 =	sadd.s32 s9, s7  }
0x10: {  	v8 =	vadd.s32 $0x430, v1;
	v9 =	vadd.s32 $0x431, v1;
	v10 =	vadd.s32 $0x432, v1;
	s8 =	sadd.s32 s9, s8;
	s9 =	sadd.s32 s9, s12;
	s12 =	simm.s32 $0x3  }
.LBB2_1:
0x11: {  	[tilespmem:s3], [sflag:$0x3] =	stream.linear.gather [hbm4b:s6+s3], $0x3000, $0x38;
	[tilespmem:$0x8420] =	vst v63  }
0x12: {  	_ =	swait.ge [sflag:s12], $0x3000  }
0x13: {  	[sflag:s12] =	ssyncset.done $0x0  }
0x14: {  	[sflag:s12] =	ssyncadd.s32 $0xFFFFD000  }
0x15: {  	[tilespmem:s13], [sflag:$0x3] =	stream.linear.gather [hbm4b:s7+s3], $0x100, $0x38;
	[tilespmem:$0x8420] =	vst v63  }
0x16: {  	_ =	swait.ge [sflag:s12], $0x100  }
0x17: {  	[sflag:s12] =	ssyncset.done $0x0  }
0x18: {  	[sflag:s12] =	ssyncadd.s32 $0xFFFFFF00  }
0x19: {  	[tilespmem:s14], [sflag:$0x3] =	stream.linear.gather [hbm4b:s8+s3], $0x100, $0x38;
	[tilespmem:$0x8420] =	vst v63  }
0x1a: {  	_ =	swait.ge [sflag:s12], $0x100  }
0x1b: {  	[sflag:s12] =	ssyncset.done $0x0  }
0x1c: {  	[sflag:s12] =	ssyncadd.s32 $0xFFFFFF00  }
0x1d: {  	[tilespmem:s15], [sflag:$0x3] =	stream.linear.gather [hbm4b:s9+s3], $0x100, $0x38;
	[tilespmem:$0x8420] =	vst v63  }
0x1e: {  	_ =	swait.ge [sflag:s12], $0x100  }
0x1f: {  	[sflag:s12] =	ssyncset.done $0x0  }
0x20: {  	s25 =	simm.s32 $0x0;
	[sflag:s12] =	ssyncadd.s32 $0xFFFFFF00  }
0x21: {  	v11 =	vld [tilespmem:s25+$0x0]  }
0x22: {  	v12 =	vld [tilespmem:s25+$0x1000]  }
0x23: {  	v15 =	vld [tilespmem:s25+$0x2000];
	_ =	sdelay $0x3  }
0x24: {  	s24 =	simm.s32 $0x10;
	v14 =	vmul.f32 v11, v11;
	v16 =	vmul.f32 v12, v12;
	v17 =	vshrl.u32 v11, $0x10  }
0x25: {  	v13 =	vld [tilespmem:s24+$0x0];
	v18 =	vshrl.u32 v12, $0x10;
	v19 =	vmul.f32 v15, v15;
	v20 =	vshrl.u32 v15, $0x10  }
0x26: {  	v17 =	vand.u32 $0x1, v17;
	v18 =	vand.u32 $0x1, v18;
	v16 =	vadd.f32 v16, v14;
	v14 =	vld [tilespmem:s24+$0x1000]  }
0x27: {  	v11 =	vadd.s32 v17, v11;
	v17 =	vadd.s32 v18, v12;
	v18 =	vand.u32 $0x1, v20  }
0x28: {  	v12 =	vld [tilespmem:s24+$0x2000];
	v11 =	vadd.s32 $0x7FFF, v11;
	v15 =	vadd.s32 v18, v15  }
0x29: {  	v17 =	vadd.s32 $0x7FFF, v17;
	v16 =	vadd.f32 v19, v16;
	v11 =	vand.u32 $0xFFFF0000, v11  }
0x2a: {  	v15 =	vadd.s32 $0x7FFF, v15;
	v19 =	vshrl.u32 v13, $0x10;
	v20 =	vand.u32 $0xFFFF0000, v17;
	[tilespmem:s25+$0x3000] =	vst v11  }
0x2b: {  	s26 =	simm.s32 $0x20;
	[tilespmem:s25+$0x6000] =	vst v16;
	v16 =	vmul.f32 v13, v13;
	v17 =	vshrl.u32 v14, $0x10;
	v18 =	vmul.f32 v14, v14  }
0x2c: {  	s28 =	simm.s32 $0xC0;
	v15 =	vand.u32 $0xFFFF0000, v15;
	v19 =	vand.u32 $0x1, v19;
	v11 =	vld [tilespmem:s26+$0x0];
	[tilespmem:s25+$0x4000] =	vst v20;
	v17 =	vand.u32 $0x1, v17  }
.LBB2_2:
0x2d: {  	p0 =	sne.s32 s28, $0x3FC0;
	v20 =	vld [tilespmem:s26+$0x1000];
	v21 =	vshrl.u32 v12, $0x10;
	v16 =	vadd.f32 v18, v16;
	v18 =	vmul.f32 v12, v12;
	[tilespmem:s25+$0x5000] =	vst v15;
	s25 =	smov.u32 s24;
	s24 =	smov.u32 s26  }
0x2e: {  	v13 =	vadd.s32 v19, v13;
	v14 =	vadd.s32 v17, v14;
	v15 =	vand.u32 $0x1, v21  }
.Ltmp0:
0x2f: {  	v22 =	vadd.s32 $0x7FFF, v13;
	v15 =	vadd.s32 v15, v12;
	v12 =	vld [tilespmem:s24+$0x2000];
	v16 =	vadd.f32 v18, v16;
	(pc) =	sbr.rel @p0 .LBB2_2-.Ltmp0, $4  }
0x30: {  	v17 =	vand.u32 $0xFFFF0000, v22;
	v18 =	vadd.s32 $0x7FFF, v14;
	v23 =	vadd.s32 $0x7FFF, v15  }
0x31: {  	v21 =	vand.u32 $0xFFFF0000, v18;
	v19 =	vshrl.u32 v11, $0x10;
	v15 =	vand.u32 $0xFFFF0000, v23;
	[tilespmem:s25+$0x6000] =	vst v16;
	v13 =	vmovc v11  }
0x32: {  	s26 =	sshra.s32 s28, $0x2;
	v22 =	vshrl.u32 v20, $0x10;
	v16 =	vmul.f32 v11, v13;
	v18 =	vmul.f32 v20, v20;
	[tilespmem:s25+$0x3000] =	vst v17;
	v14 =	vmovc v20  }
0x33: {  	s28 =	sadd.s32 $0x40, s28;
	v19 =	vand.u32 $0x1, v19;
	v11 =	vld [tilespmem:s26+$0x0];
	v17 =	vand.u32 $0x1, v22;
	[tilespmem:s25+$0x4000] =	vst v21  }
0x34: {  	v20 =	vld [tilespmem:s26+$0x1000];
	v21 =	vshrl.u32 v12, $0x10;
	[tilespmem:s25+$0x5000] =	vst v15;
	v49 =	vadd.f32 v18, v16  }
0x35: {  	v50 =	vmul.f32 v12, v12;
	v13 =	vadd.s32 v19, v13;
	v14 =	vadd.s32 v17, v14;
	v51 =	vld [tilespmem:s26+$0x2000]  }
0x36: {  	v52 =	vand.u32 $0x1, v21;
	v13 =	vadd.s32 $0x7FFF, v13;
	v14 =	vadd.s32 $0x7FFF, v14  }
0x37: {  	v53 =	vadd.s32 v52, v12;
	v15 =	vadd.f32 v50, v49;
	v13 =	vand.u32 $0xFFFF0000, v13  }
0x38: {  	v14 =	vand.u32 $0xFFFF0000, v14;
	v12 =	vadd.s32 $0x7FFF, v53;
	v54 =	vmul.f32 v11, v11  }
0x39: {  	v56 =	vshrl.u32 v11, $0x10;
	v12 =	vand.u32 $0xFFFF0000, v12;
	v55 =	vmul.f32 v20, v20  }
0x3a: {  	[tilespmem:s24+$0x3000] =	vst v13;
	v57 =	vshrl.u32 v20, $0x10;
	v59 =	vand.u32 $0x1, v56;
	v58 =	vmul.f32 v51, v51  }
0x3b: {  	[tilespmem:s24+$0x6000] =	vst v15;
	v15 =	vand.u32 $0x1, v57;
	v60 =	vshrl.u32 v51, $0x10;
	v11 =	vadd.s32 v59, v11  }
0x3c: {  	[tilespmem:s24+$0x4000] =	vst v14;
	v16 =	vadd.f32 v55, v54;
	v62 =	vadd.s32 v15, v20;
	v11 =	vadd.s32 $0x7FFF, v11  }
0x3d: {  	[tilespmem:s24+$0x5000] =	vst v12;
	v14 =	vand.u32 $0x1, v60;
	v11 =	vand.u32 $0xFFFF0000, v11;
	v12 =	vadd.s32 $0x7FFF, v62  }
0x3e: {  	v14 =	vadd.s32 v14, v51;
	v61 =	vadd.f32 v58, v16;
	v12 =	vand.u32 $0xFFFF0000, v12;
	[tilespmem:s26+$0x3000] =	vst v11  }
0x3f: {  	v63 =	vadd.s32 $0x7FFF, v14;
	[tilespmem:s26+$0x4000] =	vst v12  }
0x40: {  	v11 =	vand.u32 $0xFFFF0000, v63;
	[tilespmem:s26+$0x6000] =	vst v61  }
0x41: {  	s24 =	simm.s32 $0x0;
	[tilespmem:s26+$0x5000] =	vst v11  }
.LBB2_4:
0x42: {  	v11 =	vmov s24  }
0x43: {  	v12 =	vor.u32 $0x100, v11  }
0x44: {  	v14 =	vor.u32 $0x200, v11;
	_ =	sdelay $0x2  }
0x45: {  	v13 =	vld.idx.msk [tilespmem:v11+s13+$0x0], $0xffff  }
0x46: {  	v12 =	vld.idx.msk [tilespmem:v12+s13+$0x0], $0xffff  }
0x47: {  	v11 =	vld.idx.msk [tilespmem:v14+s13+$0x0], $0xffff;
	_ =	sdelay $0x3  }
0x48: {  	v14 =	vshrl.u32 v13, $0x10;
	v17 =	vmul.f32 v13, v13  }
0x49: {  	v14 =	vand.u32 $0x1, v14;
	v15 =	vshrl.u32 v12, $0x10;
	v16 =	vshrl.u32 v11, $0x10  }
0x4a: {  	v18 =	vmul.f32 v12, v12;
	v14 =	vadd.s32 v14, v13;
	v15 =	vand.u32 $0x1, v15  }
0x4b: {  	v16 =	vand.u32 $0x1, v16;
	v14 =	vadd.s32 $0x7FFF, v14;
	v15 =	vadd.s32 v15, v12  }
0x4c: {  	v16 =	vadd.s32 v16, v11;
	v17 =	vadd.f32 v18, v17;
	v18 =	vmul.f32 v11, v11  }
0x4d: {  	s25 =	simm.s32 $0x40;
	s26 =	simm.s32 $0x4040;
	[tilespmem:$0x7300] =	vst v3;
	v14 =	vand.u32 $0xFFFF0000, v14;
	v15 =	vadd.s32 $0x7FFF, v15;
	v16 =	vadd.s32 $0x7FFF, v16  }
0x4e: {  	s28 =	simm.s32 $0x6040;
	s30 =	simm.s32 $0x0;
	s29 =	simm.s32 $0x0;
	[tilespmem:$0x7310] =	vst v3;
	v15 =	vand.u32 $0xFFFF0000, v15;
	v16 =	vand.u32 $0xFFFF0000, v16;
	v17 =	vadd.f32 v18, v17  }
.LBB2_5:
0x4f: {  	v18 =	vld [tilespmem:s26+$0xFFFFEFC0]  }
0x50: {  	v19 =	vld [tilespmem:s26+$0xFFFFFFC0]  }
0x51: {  	v22 =	vld [tilespmem:s26+$0xFFFFEFD0]  }
0x52: {  	v23 =	vld [tilespmem:s26+$0xFFFFFFD0]  }
0x53: {  	v24 =	vld [tilespmem:s26+$0xFD0]  }
0x54: {  	v26 =	vld [tilespmem:s26+$0xFFFFEFE0]  }
0x55: {  	v27 =	vld [tilespmem:s26+$0xFFFFFFE0]  }
0x56: {  	v28 =	vld [tilespmem:s26+$0xFE0]  }
0x57: {  	v31 =	vld [tilespmem:s26+$0xFFFFFFF0]  }
0x58: {  	v34 =	vld [tilespmem:s26+$0xFFFFF000]  }
0x59: {  	v37 =	vld [tilespmem:s26+$0x0]  }
0x5a: {  	v40 =	vld [tilespmem:s26+$0x1000]  }
0x5b: {  	v42 =	vld [tilespmem:s26+$0xFFFFF010];
	v18 =	vmul.f32 v14, v18;
	v19 =	vmul.f32 v15, v19  }
0x5c: {  	v45 =	vld [tilespmem:s26+$0x10];
	v22 =	vmul.f32 v14, v22;
	v23 =	vmul.f32 v15, v23  }
0x5d: {  	v20 =	vld [tilespmem:s26+$0xFC0];
	v36 =	vmul.f32 v16, v24;
	v38 =	vmul.f32 v14, v26  }
0x5e: {  	v49 =	vld [tilespmem:s26+$0x20];
	v39 =	vmul.f32 v15, v27;
	v41 =	vmul.f32 v15, v31  }
0x5f: {  	v48 =	vld [tilespmem:s26+$0xFFFFF020];
	v44 =	vmul.f32 v16, v28;
	v52 =	vmul.f32 v14, v34  }
0x60: {  	v47 =	vld [tilespmem:s26+$0x1010];
	v24 =	vmul.f32 v15, v37;
	v27 =	vmul.f32 v16, v40  }
0x61: {  	v30 =	vld [tilespmem:s26+$0xFFFFEFF0];
	v54 =	vmul.f32 v14, v42;
	v26 =	vmul.f32 v15, v45  }
0x62: {  	v53 =	vld [tilespmem:s26+$0x1020];
	v18 =	vadd.f32 v19, v18;
	v19 =	vmul.f32 v16, v20;
	v22 =	vadd.f32 v23, v22  }
0x63: {  	v28 =	vmul.f32 v15, v49;
	v43 =	vadd.f32 v39, v38;
	v24 =	vadd.f32 v24, v52  }
0x64: {  	v32 =	vld [tilespmem:s26+$0xFF0];
	v23 =	vmul.f32 v14, v48;
	v26 =	vadd.f32 v26, v54;
	v18 =	vadd.f32 v19, v18  }
0x65: {  	v56 =	vmul.f32 v16, v47;
	v20 =	vadd.f32 v36, v22;
	v22 =	vadd.f32 v44, v43  }
0x66: {  	v21 =	vld [tilespmem:s28+$0xFFFFFFC0];
	v19 =	vmul.f32 v14, v30;
	v23 =	vadd.f32 v28, v23;
	v24 =	vadd.f32 v27, v24  }
0x67: {  	v25 =	vld [tilespmem:s28+$0xFFFFFFD0];
	v58 =	vmul.f32 v16, v53;
	v26 =	vadd.f32 v56, v26;
	v18 =	vadd.f32 v18, v18  }
0x68: {  	v29 =	vld [tilespmem:s28+$0xFFFFFFE0];
	v19 =	vadd.f32 v41, v19;
	v20 =	vadd.f32 v20, v20  }
0x69: {  	v50 =	vld [tilespmem:s26+$0xFFFFF030];
	v46 =	vmul.f32 v16, v32;
	v22 =	vadd.f32 v22, v22;
	v23 =	vadd.f32 v58, v23  }
0x6a: {  	v51 =	vld [tilespmem:s26+$0x30];
	v24 =	vadd.f32 v24, v24;
	v62 =	vadd.f32 v26, v26  }
0x6b: {  	v60 =	vld [tilespmem:s28+$0x10];
	v18 =	vsub.f32 v17, v18;
	v19 =	vadd.f32 v46, v19  }
0x6c: {  	v35 =	vld [tilespmem:s26+$0x1030];
	v20 =	vsub.f32 v17, v20;
	v22 =	vsub.f32 v17, v22  }
0x6d: {  	v23 =	vadd.f32 v23, v23;
	v30 =	vsub.f32 v17, v62  }
0x6e: {  	v33 =	vld [tilespmem:s28+$0xFFFFFFF0];
	v55 =	vmul.f32 v14, v50;
	v18 =	vadd.f32 v18, v21;
	v19 =	vadd.f32 v19, v19  }
0x6f: {  	v57 =	vld [tilespmem:s28+$0x0];
	v20 =	vadd.f32 v20, v25;
	v22 =	vadd.f32 v22, v29;
	v21 =	vmul.f32 v15, v51  }
0x70: {  	v61 =	vld [tilespmem:s28+$0x20];
	v31 =	vsub.f32 v17, v23;
	v32 =	vadd.f32 v30, v60  }
0x71: {  	v59 =	vmul.f32 v16, v35;
	v19 =	vsub.f32 v17, v19;
	v21 =	vadd.f32 v21, v55  }
0x72: {  	vm7 =	vle.f32 v18, $6.250000000e-02;
	v18 =	vsub.f32 v17, v24;
	vm6 =	vle.f32 v20, $6.250000000e-02  }
0x73: {  	vm4 =	vle.f32 v22, $6.250000000e-02;
	vm2 =	vle.f32 v32, $6.250000000e-02;
	v19 =	vadd.f32 v19, v33  }
0x74: {  	v34 =	vsel vm7, $0x1, v4;
	v21 =	vadd.f32 v59, v21;
	v18 =	vadd.f32 v18, v57  }
0x75: {  	v63 =	vld [tilespmem:s28+$0x30];
	v35 =	vmpcnt.ones.xlane vm4;
	vm5 =	vle.f32 v19, $6.250000000e-02;
	v19 =	vadd.f32 v31, v61  }
0x76: {  	v21 =	vadd.f32 v21, v21;
	vm3 =	vle.f32 v18, $6.250000000e-02;
	v18 =	vmpcnt.ones.xlane vm7  }
0x77: {  	v36 =	vsel vm6, $0x1, v4;
	vm1 =	vle.f32 v19, $6.250000000e-02;
	v19 =	vmpcnt.ones.xlane vm6  }
0x78: {  	v38 =	vsel vm4, $0x1, v4;
	v21 =	vsub.f32 v17, v21;
	v18 =	vadd.s32 s30, v18  }
0x79: {  	v41 =	vmpcnt.ones.xlane vm2;
	(xrf0) =	vadd.scan.msk.s32 $0xffff, v34;
	v37 =	vmpcnt.ones.xlane vm5;
	v19 =	vadd.s32 v18, v19  }
0x7a: {  	(xrf0) =	vadd.scan.msk.s32 $0xffff, v36;
	v39 =	vmpcnt.ones.xlane vm3;
	v33 =	vadd.f32 v21, v63;
	v21 =	vadd.s32 v19, v35  }
0x7b: {  	(xrf0) =	vadd.scan.msk.s32 $0xffff, v38;
	v40 =	vsel vm5, $0x1, v4;
	v42 =	vsel vm3, $0x1, v4;
	v22 =	vadd.s32 v21, v37  }
0x7c: {  	(xrf0) =	vadd.scan.msk.s32 $0xffff, v40;
	v43 =	vmpcnt.ones.xlane vm1;
	vm0 =	vle.f32 v33, $6.250000000e-02;
	v23 =	vadd.s32 v22, v39  }
0x7d: {  	v44 =	vsel vm2, $0x1, v4;
	(xrf0) =	vadd.scan.msk.s32 $0xffff, v42;
	v45 =	vmpcnt.ones.xlane vm0;
	v24 =	vadd.s32 v23, v41  }
0x7e: {  	v46 =	vsel vm1, $0x1, v4;
	(xrf0) =	vadd.scan.msk.s32 $0xffff, v44;
	v25 =	vadd.s32 v24, v43  }
0x7f: {  	v47, _, _ =	vpop (xrf0);
	(xrf0) =	vadd.scan.msk.s32 $0xffff, v46;
	v48 =	vsel vm0, $0x1, v4;
	v26 =	vadd.s32 v25, v45  }
0x80: {  	v49, _, _ =	vpop (xrf0);
	(xrf0) =	vadd.scan.msk.s32 $0xffff, v48;
	v50 =	vxor.u32 $0x80000000, v26  }
0x81: {  	v51, _, _ =	vpop (xrf0);
	(xrf0) =	vmax.scan.msk.u32 $0xffff, v50  }
0x82: {  	v52, _, _ =	vpop (xrf0)  }
0x83: {  	v53, _, _ =	vpop (xrf0)  }
0x84: {  	v54, _, _ =	vpop (xrf0)  }
0x85: {  	v55, _, _ =	vpop (xrf0)  }
0x86: {  	v56, _, _ =	vpop (xrf0)  }
0x87: {  	v57, _, _ =	vpop (xrf0)  }
0x88: {  	(v2sf) =	vpush v57, $0xF;
	_ =	sdelay $0x5  }
0x89: {  	v27 =	vadd.s32 s30, v47  }
0x8a: {  	v18 =	vadd.s32 v18, v49;
	v27 =	vadd.s32 $0xFFFFFFFF, v27  }
0x8b: {  	v19 =	vadd.s32 v19, v51;
	v18 =	vadd.s32 $0xFFFFFFFF, v18  }
0x8c: {  	v19 =	vadd.s32 $0xFFFFFFFF, v19;
	v20 =	vadd.s32 v21, v52  }
0x8d: {  	s30 =	sadd.s32 $0xFFFFFFC0, s25;
	v58 =	vadd.s32 v22, v53;
	v20 =	vadd.s32 $0xFFFFFFFF, v20  }
0x8e: {  	s31 =	sadd.s32 $0xFFFFFFD0, s25;
	v60 =	vor.u32 s30, v0;
	v21 =	vadd.s32 $0xFFFFFFFF, v58  }
0x8f: {  	v62 =	vor.u32 s31, v0;
	s30 =	sadd.s32 $0xFFFFFFE0, s25;
	[tilespmem:v27+s16+$0x0] =	vst.idx.msk vm7, v60  }
0x90: {  	s0 =	sadd.s32 $0xFFFFFFF0, s25;
	v63 =	vor.u32 s30, v0;
	[tilespmem:v18+s16+$0x0] =	vst.idx.msk vm6, v62  }
0x91: {  	[tilespmem:v19+s16+$0x0] =	vst.idx.msk vm4, v63;
	v19 =	vor.u32 s0, v0  }
0x92: {  	s30 =	sadd.s32 $0x10, s25;
	v59 =	vadd.s32 v23, v54;
	[tilespmem:v20+s16+$0x0] =	vst.idx.msk vm5, v19;
	v19 =	vor.u32 s25, v0;
	s31 =	spop (v2sf)  }
0x93: {  	p0 =	sgt.u32 s29, $0x1E;
	v61 =	vadd.s32 v24, v55;
	v22 =	vadd.s32 $0xFFFFFFFF, v59;
	[tilespmem:v21+s16+$0x0] =	vst.idx.msk vm3, v19;
	v19 =	vor.u32 s30, v0;
	s30 =	sxor.u32 $0x80000000, s31  }
0x94: {  	v23 =	vadd.s32 $0xFFFFFFFF, v61;
	v18 =	vadd.s32 v25, v56;
	p1 =	slt.s32 @!p0 s30, $0x20  }
0x95: {  	v18 =	vadd.s32 $0xFFFFFFFF, v18;
	p0 =	por p0, !p1  }
.Ltmp1:
0x96: {  	_ = 	snop;
	(pc) =	sbr.rel @!p0 .LBB2_5-.Ltmp1, $4  }
0x97: {  	s0 =	sadd.s32 $0x20, s25  }
0x98: {  	[tilespmem:v22+s16+$0x0] =	vst.idx.msk vm2, v19;
	v19 =	vor.u32 s0, v0;
	s31 =	sadd.s32 $0x30, s25  }
0x99: {  	s29 =	sadd.s32 $0x1, s29;
	[tilespmem:v23+s16+$0x0] =	vst.idx.msk vm1, v19;
	v19 =	vor.u32 s31, v0  }
0x9a: {  	s26 =	sadd.s32 $0x80, s26;
	s28 =	sadd.s32 $0x80, s28;
	s25 =	sadd.s32 $0x80, s25;
	[tilespmem:v18+s16+$0x0] =	vst.idx.msk vm0, v19  }
0x9b: {  	v14 =	vld [tilespmem:$0x7300];
	_ =	sdelay $0x4  }
0x9c: {  	v15 =	vxor.u32 $0x80000000, v14  }
0x9d: {  	(xrf0) =	vmin.scan.msk.u32 $0xffff, v15;
	_ =	sdelay $0x5  }
0x9e: {  	v15, _, _ =	vpop (xrf0)  }
0x9f: {  	(v2sf) =	vpush v15, $0xF;
	_ =	sdelay $0xc  }
0xa0: {  	v46 =	vld [tilespmem:$0x7310];
	_ =	sdelay $0x1  }
0xa1: {  	v16 =	vmov s30;
	s0 =	spop (v2sf)  }
0xa2: {  	vm0 =	vgt.s32 v16, v0;
	s0 =	sxor.u32 $0x80000000, s0  }
0xa3: {  	vm15 =	vgt.s32 v16, v5;
	v14 =	vnsel vm0, s0, v14  }
0xa4: {  	v15 =	vnsel vm15, s0, v46;
	v47 =	vadd.s32 v2, v14  }
0xa5: {  	p0 =	seq.s32 s24, $0x0;
	v48 =	vadd.s32 v2, v15;
	[tilespmem:$0x73A0] =	vst v47  }
0xa6: {  	s0 =	simm.s32 @!p0 $0x2;
	[tilespmem:$0x73B0] =	vst v48  }
0xa7: {  	[tilespmem:s19], [sflag:$0x1] =	stream.indirect.gather [hbm4b:s5+s17], $0x40, s18, s17, $0xb8;
	[tilespmem:$0x8420] =	vst v63  }
0xa8: {  	_ =	swait.ge @!p0 [sflag:s0], $0x860  }
0xa9: {  	[sflag:s0] =	ssyncset.done @!p0 $0x0  }
0xaa: {  	[sflag:s0] =	ssyncadd.s32 @!p0 $0xFFFFF7A0  }
0xab: {  	v49 =	vld.idx.msk [tilespmem:v14+s3+$0x0], $0xffff;
	_ =	sdelay $0x2  }
0xac: {  	v17 =	vadd.s32 $0x1000, v14;
	_ =	sdelay $0x1  }
0xad: {  	v16 =	vsub.f32 v49, v13;
	_ =	sdelay $0x1  }
0xae: {  	[tilespmem:v1+s20+$0x0] =	vst.idx.msk $0xffff, v16  }
0xaf: {  	v16 =	vld.idx.msk [tilespmem:v17+s3+$0x0], $0xffff;
	_ =	sdelay $0x2  }
0xb0: {  	v14 =	vadd.s32 $0x2000, v14;
	_ =	sdelay $0x1  }
0xb1: {  	v16 =	vsub.f32 v16, v12;
	_ =	sdelay $0x1  }
0xb2: {  	[tilespmem:v6+s20+$0x0] =	vst.idx.msk $0xffff, v16  }
0xb3: {  	v14 =	vld.idx.msk [tilespmem:v14+s3+$0x0], $0xffff;
	_ =	sdelay $0x4  }
0xb4: {  	v14 =	vsub.f32 v14, v11;
	_ =	sdelay $0x1  }
0xb5: {  	[tilespmem:v7+s20+$0x0] =	vst.idx.msk $0xffff, v14  }
0xb6: {  	v14 =	vld.idx.msk [tilespmem:v15+s3+$0x0], $0xffff;
	_ =	sdelay $0x2  }
0xb7: {  	v50 =	vadd.s32 $0x1000, v15;
	_ =	sdelay $0x1  }
0xb8: {  	v51 =	vsub.f32 v14, v13;
	_ =	sdelay $0x1  }
0xb9: {  	[tilespmem:v8+s20+$0x0] =	vst.idx.msk $0xffff, v51  }
0xba: {  	v13 =	vld.idx.msk [tilespmem:v50+s3+$0x0], $0xffff;
	_ =	sdelay $0x2  }
0xbb: {  	v52 =	vadd.s32 $0x2000, v15;
	_ =	sdelay $0x1  }
0xbc: {  	v53 =	vsub.f32 v13, v12;
	_ =	sdelay $0x1  }
0xbd: {  	[tilespmem:v9+s20+$0x0] =	vst.idx.msk $0xffff, v53  }
0xbe: {  	v12 =	vld.idx.msk [tilespmem:v52+s3+$0x0], $0xffff;
	_ =	sdelay $0x4  }
0xbf: {  	v11 =	vsub.f32 v12, v11;
	_ =	sdelay $0x1  }
0xc0: {  	[tilespmem:v10+s20+$0x0] =	vst.idx.msk $0xffff, v11  }
0xc1: {  	_ =	swait.ge [sflag:s21], $0x800  }
0xc2: {  	[sflag:s21] =	ssyncset.done $0x0  }
0xc3: {  	[sflag:s21] =	ssyncadd.s32 $0xFFFFF800  }
0xc4: {  	v11 =	vld [tilespmem:$0x73C0]  }
0xc5: {  	v54 =	vld [tilespmem:$0x73D0]  }
0xc6: {  	v55 =	vld [tilespmem:$0x73E0]  }
0xc7: {  	v56 =	vld [tilespmem:$0x73F0]  }
0xc8: {  	v57 =	vld [tilespmem:$0x7400]  }
0xc9: {  	v58 =	vld [tilespmem:$0x7420];
	[tilespmem:$0x7BC3] =	vst v11  }
0xca: {  	v59 =	vld [tilespmem:$0x7430];
	[tilespmem:$0x7BD3] =	vst v54  }
0xcb: {  	v11 =	vld [tilespmem:$0x7410];
	[tilespmem:$0x7BE3] =	vst v55  }
0xcc: {  	v60 =	vld [tilespmem:$0x7440];
	[tilespmem:$0x7BF3] =	vst v56  }
0xcd: {  	v61 =	vld [tilespmem:$0x7450];
	[tilespmem:$0x7C06] =	vst v57  }
0xce: {  	v62 =	vld [tilespmem:$0x7470];
	[tilespmem:$0x7C26] =	vst v58  }
0xcf: {  	v63 =	vld [tilespmem:$0x7480];
	[tilespmem:$0x7C36] =	vst v59  }
0xd0: {  	[tilespmem:$0x7C16] =	vst v11;
	v11 =	vld [tilespmem:$0x7460]  }
0xd1: {  	v18 =	vld [tilespmem:$0x7490];
	[tilespmem:$0x7C49] =	vst v60  }
0xd2: {  	v19 =	vld [tilespmem:$0x74A0];
	[tilespmem:$0x7C59] =	vst v61  }
0xd3: {  	v20 =	vld [tilespmem:$0x74C0];
	[tilespmem:$0x7C79] =	vst v62  }
0xd4: {  	v21 =	vld [tilespmem:$0x74D0];
	[tilespmem:$0x7C8C] =	vst v63  }
0xd5: {  	[tilespmem:$0x7C69] =	vst v11;
	v11 =	vld [tilespmem:$0x74B0]  }
0xd6: {  	v22 =	vld [tilespmem:$0x74E0];
	[tilespmem:$0x7C9C] =	vst v18  }
0xd7: {  	v23 =	vld [tilespmem:$0x74F0];
	[tilespmem:$0x7CAC] =	vst v19  }
0xd8: {  	v24 =	vld [tilespmem:$0x7510];
	[tilespmem:$0x7CCF] =	vst v20  }
0xd9: {  	v25 =	vld [tilespmem:$0x7520];
	[tilespmem:$0x7CDF] =	vst v21  }
0xda: {  	[tilespmem:$0x7CBC] =	vst v11;
	v11 =	vld [tilespmem:$0x7500]  }
0xdb: {  	v26 =	vld [tilespmem:$0x7530];
	[tilespmem:$0x7CEF] =	vst v22  }
0xdc: {  	v27 =	vld [tilespmem:$0x7540];
	[tilespmem:$0x7CFF] =	vst v23  }
0xdd: {  	v28 =	vld [tilespmem:$0x7560];
	[tilespmem:$0x7D22] =	vst v24  }
0xde: {  	v29 =	vld [tilespmem:$0x7570];
	[tilespmem:$0x7D32] =	vst v25  }
0xdf: {  	[tilespmem:$0x7D12] =	vst v11;
	v11 =	vld [tilespmem:$0x7550]  }
0xe0: {  	v30 =	vld [tilespmem:$0x7580];
	[tilespmem:$0x7D42] =	vst v26  }
0xe1: {  	v31 =	vld [tilespmem:$0x7590];
	[tilespmem:$0x7D55] =	vst v27  }
0xe2: {  	v32 =	vld [tilespmem:$0x75B0];
	[tilespmem:$0x7D75] =	vst v28  }
0xe3: {  	v33 =	vld [tilespmem:$0x75C0];
	[tilespmem:$0x7D85] =	vst v29  }
0xe4: {  	[tilespmem:$0x7D65] =	vst v11;
	v11 =	vld [tilespmem:$0x75A0]  }
0xe5: {  	v34 =	vld [tilespmem:$0x75D0];
	[tilespmem:$0x7D98] =	vst v30  }
0xe6: {  	v35 =	vld [tilespmem:$0x75E0];
	[tilespmem:$0x7DA8] =	vst v31  }
0xe7: {  	v36 =	vld [tilespmem:$0x7600];
	[tilespmem:$0x7DC8] =	vst v32  }
0xe8: {  	v37 =	vld [tilespmem:$0x7610];
	[tilespmem:$0x7DDB] =	vst v33  }
0xe9: {  	[tilespmem:$0x7DB8] =	vst v11;
	v11 =	vld [tilespmem:$0x75F0]  }
0xea: {  	v38 =	vld [tilespmem:$0x7620];
	[tilespmem:$0x7DEB] =	vst v34  }
0xeb: {  	v39 =	vld [tilespmem:$0x7630];
	[tilespmem:$0x7DFB] =	vst v35  }
0xec: {  	v40 =	vld [tilespmem:$0x7650];
	[tilespmem:$0x7E1E] =	vst v36  }
0xed: {  	v41 =	vld [tilespmem:$0x7660];
	[tilespmem:$0x7E2E] =	vst v37  }
0xee: {  	[tilespmem:$0x7E0B] =	vst v11;
	v11 =	vld [tilespmem:$0x7640]  }
0xef: {  	v42 =	vld [tilespmem:$0x7670];
	[tilespmem:$0x7E3E] =	vst v38  }
0xf0: {  	v43 =	vld [tilespmem:$0x7680];
	[tilespmem:$0x7E4E] =	vst v39  }
0xf1: {  	v44 =	vld [tilespmem:$0x76A0];
	[tilespmem:$0x7E71] =	vst v40  }
0xf2: {  	v45 =	vld [tilespmem:$0x76B0];
	[tilespmem:$0x7E81] =	vst v41  }
0xf3: {  	[tilespmem:$0x7E61] =	vst v11;
	v11 =	vld [tilespmem:$0x7690]  }
0xf4: {  	v46 =	vld [tilespmem:$0x76C0];
	[tilespmem:$0x7E91] =	vst v42  }
0xf5: {  	v47 =	vld [tilespmem:$0x76D0];
	[tilespmem:$0x7EA4] =	vst v43  }
0xf6: {  	v48 =	vld [tilespmem:$0x76F0];
	[tilespmem:$0x7EC4] =	vst v44  }
0xf7: {  	v49 =	vld [tilespmem:$0x7700];
	[tilespmem:$0x7ED4] =	vst v45  }
0xf8: {  	[tilespmem:$0x7EB4] =	vst v11;
	v11 =	vld [tilespmem:$0x76E0]  }
0xf9: {  	v50 =	vld [tilespmem:$0x7710];
	[tilespmem:$0x7EE7] =	vst v46  }
0xfa: {  	v51 =	vld [tilespmem:$0x7720];
	[tilespmem:$0x7EF7] =	vst v47  }
0xfb: {  	v52 =	vld [tilespmem:$0x7740];
	[tilespmem:$0x7F17] =	vst v48  }
0xfc: {  	v53 =	vld [tilespmem:$0x7750];
	[tilespmem:$0x7F2A] =	vst v49  }
0xfd: {  	[tilespmem:$0x7F07] =	vst v11;
	v11 =	vld [tilespmem:$0x7730]  }
0xfe: {  	[tilespmem:$0x7F3A] =	vst v50;
	v54 =	vld [tilespmem:$0x7760]  }
0xff: {  	[tilespmem:$0x7F4A] =	vst v51;
	v55 =	vld [tilespmem:$0x7770]  }
0x100: {  	[tilespmem:$0x7F6D] =	vst v52;
	v56 =	vld [tilespmem:$0x7790]  }
0x101: {  	[tilespmem:$0x7F7D] =	vst v53;
	v57 =	vld [tilespmem:$0x77A0]  }
0x102: {  	[tilespmem:$0x7F5A] =	vst v11;
	v11 =	vld [tilespmem:$0x7780]  }
0x103: {  	v58 =	vld [tilespmem:$0x77B0];
	[tilespmem:$0x7F8D] =	vst v54  }
0x104: {  	v59 =	vld [tilespmem:$0x77C0];
	[tilespmem:$0x7F9D] =	vst v55  }
0x105: {  	v60 =	vld [tilespmem:$0x77E0];
	[tilespmem:$0x7FC0] =	vst v56  }
0x106: {  	v61 =	vld [tilespmem:$0x77F0];
	[tilespmem:$0x7FD0] =	vst v57  }
0x107: {  	[tilespmem:$0x7FB0] =	vst v11;
	v11 =	vld [tilespmem:$0x77D0]  }
0x108: {  	v62 =	vld [tilespmem:$0x7800];
	[tilespmem:$0x7FE0] =	vst v58  }
0x109: {  	v63 =	vld [tilespmem:$0x7810];
	[tilespmem:$0x7FF3] =	vst v59  }
0x10a: {  	v18 =	vld [tilespmem:$0x7830];
	[tilespmem:$0x8013] =	vst v60  }
0x10b: {  	v19 =	vld [tilespmem:$0x7840];
	[tilespmem:$0x8023] =	vst v61  }
0x10c: {  	[tilespmem:$0x8003] =	vst v11;
	v11 =	vld [tilespmem:$0x7820]  }
0x10d: {  	v20 =	vld [tilespmem:$0x7850];
	[tilespmem:$0x8036] =	vst v62  }
0x10e: {  	v21 =	vld [tilespmem:$0x7860];
	[tilespmem:$0x8046] =	vst v63  }
0x10f: {  	v22 =	vld [tilespmem:$0x7880];
	[tilespmem:$0x8066] =	vst v18  }
0x110: {  	v23 =	vld [tilespmem:$0x7890];
	[tilespmem:$0x8079] =	vst v19  }
0x111: {  	[tilespmem:$0x8056] =	vst v11;
	v11 =	vld [tilespmem:$0x7870]  }
0x112: {  	v24 =	vld [tilespmem:$0x78A0];
	[tilespmem:$0x8089] =	vst v20  }
0x113: {  	v25 =	vld [tilespmem:$0x78B0];
	[tilespmem:$0x8099] =	vst v21  }
0x114: {  	v26 =	vld [tilespmem:$0x78D0];
	[tilespmem:$0x80BC] =	vst v22  }
0x115: {  	v27 =	vld [tilespmem:$0x78E0];
	[tilespmem:$0x80CC] =	vst v23  }
0x116: {  	[tilespmem:$0x80A9] =	vst v11;
	v11 =	vld [tilespmem:$0x78C0]  }
0x117: {  	v28 =	vld [tilespmem:$0x78F0];
	[tilespmem:$0x80DC] =	vst v24  }
0x118: {  	v29 =	vld [tilespmem:$0x7900];
	[tilespmem:$0x80EC] =	vst v25  }
0x119: {  	v30 =	vld [tilespmem:$0x7920];
	[tilespmem:$0x810F] =	vst v26  }
0x11a: {  	v31 =	vld [tilespmem:$0x7930];
	[tilespmem:$0x811F] =	vst v27  }
0x11b: {  	[tilespmem:$0x80FF] =	vst v11;
	v11 =	vld [tilespmem:$0x7910]  }
0x11c: {  	v32 =	vld [tilespmem:$0x7940];
	[tilespmem:$0x812F] =	vst v28  }
0x11d: {  	v33 =	vld [tilespmem:$0x7950];
	[tilespmem:$0x8142] =	vst v29  }
0x11e: {  	v34 =	vld [tilespmem:$0x7970];
	[tilespmem:$0x8162] =	vst v30  }
0x11f: {  	v35 =	vld [tilespmem:$0x7980];
	[tilespmem:$0x8172] =	vst v31  }
0x120: {  	[tilespmem:$0x8152] =	vst v11;
	v11 =	vld [tilespmem:$0x7960]  }
0x121: {  	v36 =	vld [tilespmem:$0x7990];
	[tilespmem:$0x8185] =	vst v32  }
0x122: {  	v37 =	vld [tilespmem:$0x79A0];
	[tilespmem:$0x8195] =	vst v33  }
0x123: {  	v38 =	vld [tilespmem:$0x79C0];
	[tilespmem:$0x81B5] =	vst v34  }
0x124: {  	v39 =	vld [tilespmem:$0x79D0];
	[tilespmem:$0x81C8] =	vst v35  }
0x125: {  	[tilespmem:$0x81A5] =	vst v11;
	v11 =	vld [tilespmem:$0x79B0]  }
0x126: {  	v40 =	vld [tilespmem:$0x79E0];
	[tilespmem:$0x81D8] =	vst v36  }
0x127: {  	v41 =	vld [tilespmem:$0x79F0];
	[tilespmem:$0x81E8] =	vst v37  }
0x128: {  	v42 =	vld [tilespmem:$0x7A10];
	[tilespmem:$0x820B] =	vst v38  }
0x129: {  	v43 =	vld [tilespmem:$0x7A20];
	[tilespmem:$0x821B] =	vst v39  }
0x12a: {  	[tilespmem:$0x81F8] =	vst v11;
	v11 =	vld [tilespmem:$0x7A00]  }
0x12b: {  	v44 =	vld [tilespmem:$0x7A30];
	[tilespmem:$0x822B] =	vst v40  }
0x12c: {  	v45 =	vld [tilespmem:$0x7A40];
	[tilespmem:$0x823B] =	vst v41  }
0x12d: {  	v46 =	vld [tilespmem:$0x7A60];
	[tilespmem:$0x825E] =	vst v42  }
0x12e: {  	v47 =	vld [tilespmem:$0x7A70];
	[tilespmem:$0x826E] =	vst v43  }
0x12f: {  	[tilespmem:$0x824E] =	vst v11;
	v11 =	vld [tilespmem:$0x7A50]  }
0x130: {  	v48 =	vld [tilespmem:$0x7A80];
	[tilespmem:$0x827E] =	vst v44  }
0x131: {  	v49 =	vld [tilespmem:$0x7A90];
	[tilespmem:$0x8291] =	vst v45  }
0x132: {  	v50 =	vld [tilespmem:$0x7AB0];
	[tilespmem:$0x82B1] =	vst v46  }
0x133: {  	v51 =	vld [tilespmem:$0x7AC0];
	[tilespmem:$0x82C1] =	vst v47  }
0x134: {  	[tilespmem:$0x82A1] =	vst v11;
	v11 =	vld [tilespmem:$0x7AA0]  }
0x135: {  	v52 =	vld [tilespmem:$0x7AD0];
	[tilespmem:$0x82D4] =	vst v48  }
0x136: {  	v53 =	vld [tilespmem:$0x7AE0];
	[tilespmem:$0x82E4] =	vst v49  }
0x137: {  	[tilespmem:$0x8304] =	vst v50;
	v54 =	vld [tilespmem:$0x7B00]  }
0x138: {  	[tilespmem:$0x8317] =	vst v51;
	v55 =	vld [tilespmem:$0x7B10]  }
0x139: {  	[tilespmem:$0x82F4] =	vst v11;
	v11 =	vld [tilespmem:$0x7AF0]  }
0x13a: {  	[tilespmem:$0x8327] =	vst v52;
	v56 =	vld [tilespmem:$0x7B20]  }
0x13b: {  	[tilespmem:$0x8337] =	vst v53;
	v57 =	vld [tilespmem:$0x7B30]  }
0x13c: {  	v58 =	vld [tilespmem:$0x7B50];
	[tilespmem:$0x835A] =	vst v54  }
0x13d: {  	v59 =	vld [tilespmem:$0x7B60];
	[tilespmem:$0x836A] =	vst v55  }
0x13e: {  	[tilespmem:$0x8347] =	vst v11;
	v11 =	vld [tilespmem:$0x7B40]  }
0x13f: {  	v60 =	vld [tilespmem:$0x7B70];
	[tilespmem:$0x837A] =	vst v56  }
0x140: {  	v61 =	vld [tilespmem:$0x7B80];
	[tilespmem:$0x838A] =	vst v57  }
0x141: {  	v62 =	vld [tilespmem:$0x7BA0];
	[tilespmem:$0x83AD] =	vst v58  }
0x142: {  	v63 =	vld [tilespmem:$0x7BB0];
	[tilespmem:$0x83BD] =	vst v59  }
0x143: {  	s31 =	sadd.s32 s4, s24;
	s24 =	sadd.s32 $0x1, s24;
	[tilespmem:$0x839D] =	vst v11;
	v11 =	vld [tilespmem:$0x7B90]  }
0x144: {  	s0 =	smul.u32 $0x860, s31;
	p0 =	sne.s32 s24, $0x100;
	[tilespmem:$0x83CD] =	vst v60  }
.Ltmp2:
0x145: {  	[tilespmem:$0x83E0] =	vst v61;
	(pc) =	sbr.rel @p0 .LBB2_4-.Ltmp2, $4  }
0x146: {  	s0 =	sadd.s32 s10, s0;
	[tilespmem:$0x8400] =	vst v62  }
0x147: {  	s0 =	sshrl.u32 s0, $0x3;
	[tilespmem:$0x8410] =	vst v63  }
0x148: {  	s0 =	sadd.s32 s2, s0;
	[tilespmem:$0x83F0] =	vst v11  }
0x149: {  	[hbm4b:s0+s3] =	stream.linear.scatter [tilespmem:s20], [sflag:$0x2], $0x860, $0x38;
	[tilespmem:$0x8420] =	vst v63  }
0x14a: {  	s23 =	sadd.s32 $0x1, s23  }
0x14b: {  	p0 =	sne.s32 s23, s11  }
.Ltmp3:
0x14c: {  	_ = 	snop;
	(pc) =	sbr.rel @p0 .LBB2_1-.Ltmp3, $4  }
0x14d: {  	_ = 	snop  }
0x14e: {  	_ =	swait.ge [sflag:s22], $0x860  }
0x14f: {  	[sflag:s22] =	ssyncset.done $0x0  }
0x150: {  	[sflag:s22] =	ssyncadd.s32 $0xFFFFF7A0  }
0x151: {  	_ =	sfence.sel $0x180000  }
0x152: {  	[bflag:$0x0] =	sbarrier.arrive $0xFFFF  }
0x153: {  	_ =	strace $0x90000047  }
0x154: {  	[bflag:$0x2] =	sbarrier.arrive $0xFFFF  }
0x155: {  	p0 =	sne.s32 s1, $0x0;
	s0 =	rddreg [dreg:$0x2]  }
0x156: {  	s0 =	sadd.s32 @!p0 $0x100000, s0  }
0x157: {  	[sflag:s0] =	ssyncadd.tile.s32 @!p0 $0x1;
	_ =	shalt  }
.Lfunc_end2:
_tile_overlayer_lowered:
.L_overlay_start_2:
0x158: {  	(tag) =	ssettag $0x2  }
0x159: {  	s0 =	rddreg [dreg:$0x0];
	s2 =	stileid.u32  }
0x15a: {  	s1 =	rddreg [dreg:$0x1];
	p0 =	sne.s32 s2, $0x0  }
0x15b: {  	s3 =	rddreg [dreg:$0x2];
	[bflag:$0x3] =	sbarrier.arrive $0xFFFF;
	s2 =	simm.s32 @!p0 $0x1C03  }
0x15c: {  	[timem:s3], [sflag:s2] =	dma.local @!p0 [hbm:s0], s1  }
0x15d: {  	s0 =	simm.s32 @!p0 $0x3  }
0x15e: {  	_ =	swait.ge @!p0 [sflag:s0], s1  }
0x15f: {  	s1 =	ssub.s32 @!p0 $0x0, s1;
	[sflag:s0] =	ssyncset.done @!p0 $0x0  }
0x160: {  	[sflag:s0] =	ssyncadd.s32 @!p0 s1  }
0x161: {  	[bflag:$0x3] =	sbarrier.arrive $0xFFFF  }
0x162: {  	_ =	shalt  }

// kernel: sparse-core-data-format-call.1.cloned.1.call-start
scs
called_computation.1_lowered:
.L_overlay_start_0:
0x0: {  	s1 =	sld [smem:$0x3FD9]  }
0x1: {  	s2 =	sld [smem:$0x3FFE];
	_ =	sdelay $0x1  }
0x2: {  	s3 =	srdreg.scid  }
0x3: {  	s0 =	sand.u32 $0x1, s3  }
0x4: {  	s17 =	sshll.u32 s0, $0xA;
	s1 =	sadd.s32 s2, s1  }
0x5: {  	s1 =	sadd.s32 s1, s17  }
0x6: {  	[smem:$0x3FC5] =	sst s1  }
0x7: {  	_ = 	snop  }
0x8: {  	(tm) =	ssettm $0x1  }
0x9: {  	s18 =	sld [smem:$0x3FFB];
	_ =	sdelay $0x3  }
0xa: {  	_ =	strace s18  }
0xb: {  	s1 =	sld [smem:$0x3FFC];
	_ =	sdelay $0x3  }
0xc: {  	_ =	strace s1  }
0xd: {  	s1 =	sld [smem:$0x3FFD];
	_ =	sdelay $0x3  }
0xe: {  	_ =	strace s1  }
0xf: {  	_ =	strace $0x8FFFFFFF  }
0x10: {  	s19 =	sld [smem:$0x3FDB];
	_ =	sdelay $0x1  }
0x11: {  	s20 =	simm.s32 $_scs_section_size  }
0x12: {  	s4 =	simm.s32 $_size__tile_overlayer_lowered;
	s5 =	simm.s32 $_tile_overlayer_lowered  }
0x13: {  	s23 =	simm.s32 $0x1BFF;
	s22 =	sshll.u32 s5, $0x1;
	s1 =	sadd.s32 s20, s19  }
0x14: {  	s6 =	simm.s32 $0x0;
	s21 =	sshll.u32 s4, $0x1;
	s4 =	sadd.s32 s22, s1  }
0x15: {  	[timem:s6], [sflag:s23] =	dma.local [hbm:s4], s21  }
0x16: {  	_ =	swait.ge [sflag:s23], s21  }
0x17: {  	s2 =	ssub.s32 $0x0, s21;
	[sflag:s23] =	ssyncset.done $0x0  }
0x18: {  	[sflag:s23] =	ssyncadd.s32 s2;
	_ =	sdelay $0x1  }
0x19: {  	s24 =	simm.s32 $0x1B8B  }
0x1a: {  	_ =	swait.ge [sflag:s24], $0x1  }
0x1b: {  	[sflag:s24] =	ssyncset.done $0x0  }
0x1c: {  	s26 =	simm.s32 $0x1B8E;
	s25 =	sld [smem:$0x3FFE];
	[sflag:s24] =	ssyncadd.s32 $0xFFFFFFFF  }
0x1d: {  	s27 =	simm.s32 $execute0_lowered;
	[smem:$0x3FD2] =	sst s26  }
0x1e: {  	s4 =	sshll.u32 s27, $0x1;
	_ =	strace $0x80000049;
	[dreg:$0x1] =	wrdreg $0xFFFFFFFF  }
0x1f: {  	s28 =	simm.s32 $_size_execute0_lowered;
	s1 =	sadd.s32 s1, s4;
	[dreg:$0x0] =	wrdreg $0x0  }
0x20: {  	s4 =	sshll.u32 s28, $0x1;
	[dreg:$0x2] =	wrdreg s1  }
0x21: {  	[dreg:$0x3] =	wrdreg s4  }
0x22: {  	[dreg:$0x4] =	wrdreg $0xC0  }
0x23: {  	_ =	task [dreg:s6], $0x5FFFF  }
0x24: {  	[dreg:$0x1] =	wrdreg $0xFFFFFFFF  }
0x25: {  	[dreg:$0x0] =	wrdreg $0x60  }
0x26: {  	[dreg:$0x2] =	wrdreg s25  }
0x27: {  	[dreg:$0x3] =	wrdreg $0x9  }
0x28: {  	_ =	task.clear_ibuf [dreg:s6], $0x4FFFF;
	_ =	strace $0x90000049  }
0x29: {  	s29 =	simm.s32 $0x9;
	_ =	strace $0x8000004B  }
0x2a: {  	_ =	swait.ge [sflag:s29], $0x1  }
0x2b: {  	[sflag:s29] =	ssyncadd.s32 $0xFFFFFFFF  }
0x2c: {  	_ =	strace $0x9000004B  }
0x2d: {  	_ =	sfence  }
0x2e: {  	s30 =	sld [smem:$0x0];
	_ =	sdelay $0x2  }
0x2f: {  	s31 =	sshll.u32 s3, $0xD;
	s3 =	sshrl.u32 s3, $0x2  }
0x30: {  	s2 =	sand.u32 $0x4000, s31;
	s1 =	sadd.s32 s3, s30  }
0x31: {  	s0 =	sor.u32 s2, s0;
	s1 =	sshll.u32 s1, $0x11  }
0x32: {  	s0 =	sor.u32 s1, s0  }
0x33: {  	s0 =	sadd.s32 $0x8F2B, s0  }
0x34: {  	[sflag:s0] =	ssyncadd.remote.s32 $0x1  }
0x35: {  	_ =	sfence.sel $0xFFFF  }
0x36: {  	[dreg:$0x0] =	wrdreg $0xFFFFFFFF;
	(pc) =	sbr.abs _section_cstart, $3  }
0x37: {  	[dreg:$0x1] =	wrdreg $0xFFFFFFFF  }
0x38: {  	_ =	task.clear_ibuf [dreg:s6], $0x2FFFF;
	_ =	strace $0x9FFFFFFF  }
0x39: {  	(tm) =	ssettm $0x7FFFFFFF  }
tec
execute0_lowered:
.L_overlay_start_1:
0x0: {  	(tag) =	ssettag $0x1  }
0x1: {  	s0 =	stileid.u32;
	s1 =	srdreg.scid  }
0x2: {  	s4 =	rddreg [dreg:$0x0];
	s5 =	simm.s32 $0x1;
	s8 =	simm.s32 $0x2  }
0x3: {  	s18 =	simm.s32 $0x0;
	s2 =	sshll.u32 s0, $0x4;
	s1 =	sshll.u32 s1, $0x8  }
0x4: {  	s9 =	simm.s32 $0x2000;
	s17 =	simm.s32 $0x0;
	s1 =	sor.u32 s2, s1  }
0x5: {  	s19 =	simm.s32 $0x0;
	s10 =	simm.s32 $0x0;
	s2 =	sand.u32 $0x180, s1  }
0x6: {  	s11 =	simm.s32 $0x0;
	s12 =	simm.s32 $0x0;
	s3 =	ssub.s32 $0x400, s2  }
0x7: {  	s13 =	simm.s32 $0x0;
	s7 =	sand.u32 $0x7, s0;
	s31 =	sand.u32 $0x180, s3  }
0x8: {  	s16 =	simm.s32 $0x0;
	s15 =	smov.u32 s7;
	p0 =	sne.s32 s31, $0x0  }
.Ltmp0:
0x9: {  	s6 =	sshrl.u32 s3, $0x9;
	s5 =	simm.s32 @!p0 $0x0;
	(pc) =	sbr.rel .LBB1_1-.Ltmp0, $4  }
0xa: {  	s1 =	rddreg [dreg:$0x1];
	_ =	strace $0x8000004A;
	s6 =	sadd.s32 s5, s6  }
0xb: {  	s14 =	smov.u32 s2;
	s5 =	simm.s32 $0x1;
	s6 =	smul.u32 $0x11, s6  }
0xc: {  	s3 =	sadd.s32 $0xC00, s4;
	s4 =	sadd.s32 $0x220C00, s4;
	[sflag:s5] =	ssyncpa.u1 $0x0  }
0xd: {  	p0 =	por $0x0, $0x0;
	[sflag:s8] =	ssyncpa.u1 $0x0;
	s8 =	sadd.s32 $0x1, s6  }
.LBB1_4:
0xe: {  	s24 =	sshra.s32 s24, $0x2;
	p1 =	sgt.s32 s10, $0x7E0;
	s25 =	smov.u32 s12  }
0xf: {  	s26 =	sshra.s32 s12, $0x1F;
	s27 =	sshra.s32 s10, $0x1F;
	s28 =	sshra.s32 s11, $0x1F  }
0x10: {  	s30 =	sshll.u32 s12, $0x7;
	s23 =	sadd.s32 s24, s23;
	s24 =	smov.u32 s10  }
0x11: {  	s26 =	sand.u32 s26, s12;
	s24 =	simm.s32 @!p1 $0x7E0;
	p1 =	sgt.s32 s12, $0x7  }
0x12: {  	v5 =	vld [tilespmem:s21+$0xFFFFFFD0];
	[tilespmem:s22+$0x2040 ss:$0x81] =	vst.msk $0xffff, v4;
	s27 =	sand.u32 s27, s10;
	s28 =	sand.u32 s28, s11;
	s25 =	simm.s32 @!p1 $0x7  }
0x13: {  	v58 =	vld [tilespmem:s21+$0xFFFFFFE0];
	[tilespmem:s22+$0x2850 ss:$0x81] =	vst.msk $0xffff, v3;
	p1 =	sgt.s32 s11, $0x380;
	s25 =	ssub.s32 s25, s26;
	s26 =	smov.u32 s11  }
0x14: {  	v59 =	vld [tilespmem:s21+$0xFFFFFFF0];
	[tilespmem:s22+$0x3060 ss:$0x81] =	vst.msk $0xffff, v2;
	s24 =	ssub.s32 s24, s27;
	s27 =	sand.u32 $0x380, s11;
	s26 =	simm.s32 @!p1 $0x380  }
0x15: {  	v60 =	vld [tilespmem:s21+$0x0];
	[tilespmem:s22+$0x0 ss:$0x81] =	vst.msk $0xffff, v0;
	s31 =	sadd.s32 $0xFFFFF820, s24;
	s26 =	ssub.s32 s26, s28;
	s28 =	sadd.s32 $0xFFFFFFF9, s25  }
0x16: {  	v61 =	vld [tilespmem:s21+$0x10];
	[tilespmem:s23+$0x3870 ss:$0x81] =	vst.msk $0xffff, v1;
	s22 =	ssub.s32 $0x8, s25;
	p1 =	sgt.s32 s28, $0x0;
	s29 =	sadd.s32 $0xFFFFFC80, s26  }
0x17: {  	v62 =	vld [tilespmem:s21+$0x20];
	[tilespmem:s23+$0x810 ss:$0x81] =	vst.msk $0xffff, v5;
	s25 =	ssub.s32 $0x400, s26;
	s22 =	simm.s32 @p1 $0x0;
	p1 =	sgt.s32 s29, $0x7F  }
0x18: {  	v63 =	vld [tilespmem:s21+$0xFFFFFFC0];
	s21 =	ssub.s32 $0x860, s24;
	[tilespmem:s23+$0x1020 ss:$0x81] =	vst.msk $0xffff, v58;
	s26 =	sand.u32 $0x380, s30;
	s25 =	simm.s32 @p1 $0x0  }
0x19: {  	[tilespmem:s23+$0x1830 ss:$0x81] =	vst.msk $0xffff, v59;
	s28 =	sshll.u32 s10, $0xA;
	p1 =	sgt.s32 s31, $0x7F;
	s22 =	smul.u32 s22, s25  }
0x1a: {  	[tilespmem:s23+$0x2040 ss:$0x81] =	vst.msk $0xffff, v60;
	s29 =	sand.u32 $0x7, s11;
	s25 =	sand.u32 $0x78, s11;
	s21 =	simm.s32 @p1 $0x0  }
0x1b: {  	[tilespmem:s23+$0x2850 ss:$0x81] =	vst.msk $0xffff, v61;
	s24 =	sor.u32 s25, s26;
	s25 =	sadd.s32 s4, s27;
	s21 =	smul.u32 s21, s22  }
0x1c: {  	[tilespmem:s23+$0x3060 ss:$0x81] =	vst.msk $0xffff, v62;
	s30 =	sshll.u32 s29, $0x12;
	s24 =	sshrl.u32 s24, $0x3;
	s22 =	sadd.s32 s28, s25  }
0x1d: {  	[tilespmem:s23+$0x0 ss:$0x81] =	vst.msk $0xffff, v63;
	s31 =	sor.u32 $0x80, s30;
	s22 =	sadd.s32 s24, s22;
	s21 =	sand.u32 $0x3FFFFFFF, s21  }
0x1e: {  	[hbm4b:s22+s31] =	stream.strided.scatter [tilespmem:s20], [sflag:$0x2], s21, s9, s31, $0x20;
	[tilespmem:$0x10100] =	vst v63  }
.LBB1_5:
0x1f: {  	p1 =	slt.u32 s16, $0x2;
	s21 =	smov.u32 s19  }
0x20: {  	p2 =	sgt.s32 @!p1 s18, $0x7E0;
	s20 =	sshra.s32 @!p1 s18, $0x1F;
	p3 =	sgt.s32 @!p1 s19, $0x7  }
0x21: {  	s22 =	sshra.s32 @!p1 s19, $0x1F;
	p2 =	por !p2, p1;
	s20 =	sand.u32 @!p1 s20, s18  }
0x22: {  	p3 =	por !p3, p1;
	s19 =	sand.u32 @!p1 s22, s19;
	s22 =	sshra.s32 @!p1 s17, $0x1F  }
0x23: {  	s21 =	simm.s32 @p3 $0x7;
	p3 =	sgt.s32 @!p1 s17, $0x380;
	s18 =	simm.s32 @p2 $0x7E0  }
0x24: {  	s19 =	ssub.s32 @!p1 s21, s19;
	p3 =	por !p3, p1;
	s21 =	smov.u32 s17  }
0x25: {  	s17 =	sand.u32 @!p1 s22, s17;
	s18 =	ssub.s32 @!p1 s18, s20;
	s21 =	simm.s32 @p3 $0x380  }
0x26: {  	s20 =	sadd.s32 @!p1 $0xFFFFFFF9, s19;
	s19 =	ssub.s32 @!p1 $0x8, s19;
	s17 =	ssub.s32 @!p1 s21, s17  }
0x27: {  	s21 =	sadd.s32 @!p1 $0xFFFFF820, s18;
	p2 =	sgt.s32 @!p1 s20, $0x0;
	s20 =	sadd.s32 @!p1 $0xFFFFFC80, s17  }
0x28: {  	s18 =	ssub.s32 @!p1 $0x860, s18;
	p2 =	por !p2, p1;
	p3 =	sgt.s32 @!p1 s20, $0x7F  }
0x29: {  	s17 =	ssub.s32 @!p1 $0x400, s17;
	s19 =	simm.s32 @!p2 $0x0;
	p2 =	por !p3, p1  }
0x2a: {  	s20 =	sadd.s32 $0x80, s13;
	p3 =	sgt.s32 @!p1 s21, $0x7F;
	s17 =	simm.s32 @!p2 $0x0  }
0x2b: {  	s21 =	smov.u32 s14;
	p2 =	por !p3, p1;
	s17 =	smul.u32 @!p1 s19, s17  }
0x2c: {  	s18 =	simm.s32 @!p2 $0x0;
	p2 =	sgt.s32 s20, $0x85F;
	s19 =	sadd.s32 $0x200, s14  }
0x2d: {  	s22 =	smov.u32 s15;
	s21 =	smov.u32 @p2 s19  }
0x2e: {  	s17 =	smul.u32 @!p1 s18, s17;
	p3 =	sgt.s32 s21, $0x3FF;
	s18 =	sadd.s32 $0x8, s15  }
0x2f: {  	p0 =	por !p0, !p0;
	s23 =	simm.s32 @!p1 $0x2;
	s22 =	smov.u32 @p3 s18  }
0x30: {  	s20 =	simm.s32 @p2 $0x0;
	s19 =	smov.u32 s12;
	p2 =	sgt.s32 s22, $0x7  }
0x31: {  	s12 =	smov.u32 s15;
	s22 =	smov.u32 @p2 s7;
	p2 =	sne.s32 s16, s8  }
.Ltmp1:
0x32: {  	s21 =	smov.u32 @p3 s2;
	s18 =	smov.u32 s10;
	(pc) =	sbr.rel @!p2 .LBB1_6-.Ltmp1, $4  }
0x33: {  	s10 =	smov.u32 s13;
	s13 =	smov.u32 s20;
	s17 =	sand.u32 @!p1 $0x3FFFFFFF, s17  }
0x34: {  	_ =	swait.ge @!p1 [sflag:s23], s17;
	s24 =	ssub.s32 @!p1 $0x0, s17;
	s17 =	smov.u32 s11  }
0x35: {  	s16 =	sadd.s32 $0x1, s16;
	s11 =	smov.u32 s14;
	[sflag:s23] =	ssyncset.done @!p1 $0x0  }
0x36: {  	s14 =	smov.u32 s21;
	s15 =	smov.u32 s22;
	[sflag:s23] =	ssyncadd.s32 @!p1 s24  }
.LBB1_1:
0x37: {  	p1 =	sge.u32 s16, s6  }
0x38: {  	s20 =	sshrl.u32 @!p1 s14, $0x3  }
0x39: {  	s21 =	sshll.u32 @!p1 s13, $0x3;
	s20 =	smul.u32 @!p1 $0x4400, s20  }
0x3a: {  	s22 =	sshll.u32 @!p1 s14, $0x7;
	s21 =	sand.u32 @!p1 $0xFFFFFC00, s21  }
0x3b: {  	s20 =	sadd.s32 @!p1 s20, s21;
	s21 =	sand.u32 @!p1 $0x380, s22  }
0x3c: {  	s22 =	sand.u32 @!p1 $0x7F, s13;
	s20 =	sor.u32 @!p1 s21, s20  }
0x3d: {  	s21 =	sor.u32 @!p1 s22, s20  }
0x3e: {  	s22 =	smulhi.u32 @!p1 $0xF0F0F0F1, s21  }
0x3f: {  	s20 =	smulhi.u32 @!p1 $0xF0F0F0F1, s20  }
0x40: {  	s22 =	sshrl.u32 @!p1 s22, $0xB  }
0x41: {  	s31 =	sadd.s32 $0xFFFFFFFF, s16;
	s20 =	sshrl.u32 @!p1 s20, $0xB;
	s22 =	smul.u32 @!p1 $0x880, s22  }
0x42: {  	s23 =	sxor.u32 @!p1 $0xFFFFFFFF, s16;
	s24 =	smul.u32 @!p1 $0x44000, s15;
	s20 =	sand.u32 @!p1 $0x3FF, s20  }
0x43: {  	s23 =	sshll.u32 @!p1 s23, $0xE;
	s20 =	smul.u32 @!p1 $0x110, s20;
	s21 =	ssub.s32 @!p1 s21, s22  }
0x44: {  	s22 =	sand.u32 @!p1 $0x4000, s23;
	s23 =	sadd.s32 @!p1 s3, s24;
	s24 =	sand.u32 @!p1 $0x7, s21  }
0x45: {  	s21 =	sshrl.u32 @!p1 s21, $0x3;
	s20 =	sadd.s32 @!p1 s20, s23;
	s23 =	sshll.u32 @!p1 s24, $0x12  }
0x46: {  	s20 =	sadd.s32 @!p1 s21, s20;
	s21 =	sor.u32 @!p1 $0x400, s23;
	s23 =	simm.s32 @!p1 $0x4400  }
0x47: {  	[tilespmem:s22], [sflag:$0x1] =	stream.strided.gather @!p1 [hbm4b:s20+s21], $0x4000, s23, s21, $0x38;
	[tilespmem:$0x10100] =	vst v63  }
0x48: {  	p1 =	sge.u32 s31, s6  }
.Ltmp2:
0x49: {  	_ = 	snop;
	(pc) =	sbr.rel @p1 .LBB1_5-.Ltmp2, $1  }
0x4a: {  	_ =	sdelay $0x3  }
0x4b: {  	s20 =	simm.s32 $0x1  }
0x4c: {  	_ =	swait.ge [sflag:s5], $0x4000;
	s20 =	simm.s32 @!p0 $0x0  }
0x4d: {  	[sflag:s5] =	ssyncset.done $0x0;
	s21 =	sshll.u32 s20, $0xE  }
0x4e: {  	[sflag:s5] =	ssyncadd.s32 $0xFFFFC000;
	s21 =	sor.u32 $0x40, s21  }
0x4f: {  	s20 =	smul.u32 $0x10200, s20;
	v0 =	vld [tilespmem:s21+$0x30]  }
0x50: {  	v1 =	vld [tilespmem:s21+$0xFFFFFFD0]  }
0x51: {  	s20 =	sshrl.u32 s20, $0x2;
	v5 =	vld [tilespmem:s21+$0xFFFFFFE0]  }
0x52: {  	v6 =	vld [tilespmem:s21+$0xFFFFFFF0];
	s23 =	sor.u32 $0x8000, s20  }
0x53: {  	s31 =	sand.u32 $0x1, s16;
	v4 =	vld [tilespmem:s21+$0x0];
	s22 =	sadd.s32 $0x0, s23  }
0x54: {  	v3 =	vld [tilespmem:s21+$0x10];
	s20 =	smul.u32 $0x10200, s31;
	[tilespmem:s22+$0x3870 ss:$0x81] =	vst.msk $0xffff, v0  }
0x55: {  	v2 =	vld [tilespmem:s21+$0x20];
	[tilespmem:s22+$0x810 ss:$0x81] =	vst.msk $0xffff, v1  }
0x56: {  	s20 =	sshrl.u32 s20, $0x2;
	v0 =	vld [tilespmem:s21+$0xFFFFFFC0];
	[tilespmem:s22+$0x1020 ss:$0x81] =	vst.msk $0xffff, v5;
	s21 =	sadd.s32 $0x80, s21  }
0x57: {  	s24 =	simm.s32 $0x4;
	s25 =	simm.s32 $0x8;
	s20 =	sor.u32 $0x8000, s20;
	[tilespmem:s22+$0x1830 ss:$0x81] =	vst.msk $0xffff, v6;
	v1 =	vld [tilespmem:s21+$0x30]  }
.LBB1_3:
0x58: {  	p1 =	sne.s32 s25, $0x1FC;
	v5 =	vld [tilespmem:s21+$0xFFFFFFD0];
	[tilespmem:s22+$0x2040 ss:$0x81] =	vst.msk $0xffff, v4  }
0x59: {  	v6 =	vld [tilespmem:s21+$0xFFFFFFE0];
	[tilespmem:s22+$0x2850 ss:$0x81] =	vst.msk $0xffff, v3  }
0x5a: {  	s26 =	sshra.s32 s24, $0x2;
	s24 =	smov.u32 s25;
	v7 =	vld [tilespmem:s21+$0xFFFFFFF0];
	[tilespmem:s22+$0x3060 ss:$0x81] =	vst.msk $0xffff, v2  }
.Ltmp3:
0x5b: {  	v4 =	vld [tilespmem:s21+$0x0];
	[tilespmem:s22+$0x0 ss:$0x81] =	vst.msk $0xffff, v0;
	s22 =	sadd.s32 s26, s23;
	(pc) =	sbr.rel @p1 .LBB1_3-.Ltmp3, $4  }
0x5c: {  	v3 =	vld [tilespmem:s21+$0x10];
	[tilespmem:s22+$0x3870 ss:$0x81] =	vst.msk $0xffff, v1  }
0x5d: {  	[tilespmem:s22+$0x810 ss:$0x81] =	vst.msk $0xffff, v5;
	v2 =	vld [tilespmem:s21+$0x20]  }
0x5e: {  	v0 =	vld [tilespmem:s21+$0xFFFFFFC0];
	[tilespmem:s22+$0x1020 ss:$0x81] =	vst.msk $0xffff, v6;
	s21 =	sadd.s32 $0x80, s21  }
0x5f: {  	s25 =	sadd.s32 $0x4, s25;
	v1 =	vld [tilespmem:s21+$0x30];
	[tilespmem:s22+$0x1830 ss:$0x81] =	vst.msk $0xffff, v7  }
.Ltmp4:
0x60: {  	_ = 	snop;
	(pc) =	sbr.rel .LBB1_4-.Ltmp4, $1  }
0x61: {  	_ =	sdelay $0x3  }
.LBB1_6:
0x62: {  	_ =	sfence.sel $0x180000  }
0x63: {  	s2 =	simm.s32 $0x1;
	[bflag:$0x0] =	sbarrier.arrive $0xFFFF  }
0x64: {  	s31 =	simm.s32 $0x2;
	[sflag:s2] =	ssyncpa.u1 $0x1  }
0x65: {  	[sflag:s31] =	ssyncpa.u1 $0x1  }
0x66: {  	p0 =	sne.s32 s0, $0x0;
	_ =	strace $0x9000004A  }
0x67: {  	s0 =	sadd.s32 @!p0 $0x100000, s1;
	[bflag:$0x2] =	sbarrier.arrive $0xFFFF  }
0x68: {  	[sflag:s0] =	ssyncadd.tile.s32 @!p0 $0x1;
	_ =	shalt  }
.Lfunc_end1:
_tile_overlayer_lowered:
.L_overlay_start_2:
0x69: {  	(tag) =	ssettag $0x2  }
0x6a: {  	s0 =	rddreg [dreg:$0x0];
	s2 =	stileid.u32  }
0x6b: {  	s1 =	rddreg [dreg:$0x1];
	p0 =	sne.s32 s2, $0x0  }
0x6c: {  	s3 =	rddreg [dreg:$0x2];
	[bflag:$0x3] =	sbarrier.arrive $0xFFFF;
	s2 =	simm.s32 @!p0 $0x1C01  }
0x6d: {  	[timem:s3], [sflag:s2] =	dma.local @!p0 [hbm:s0], s1  }
0x6e: {  	s0 =	simm.s32 @!p0 $0x1  }
0x6f: {  	_ =	swait.ge @!p0 [sflag:s0], s1  }
0x70: {  	s1 =	ssub.s32 @!p0 $0x0, s1;
	[sflag:s0] =	ssyncset.done @!p0 $0x0  }
0x71: {  	[sflag:s0] =	ssyncadd.s32 @!p0 s1  }
0x72: {  	[bflag:$0x3] =	sbarrier.arrive $0xFFFF  }
0x73: {  	_ =	shalt  }

// kernel: sparse-core-data-format-call.cloned.1.call-start
scs
called_computation_lowered:
.L_overlay_start_0:
0x0: {  	s2 =	sld [smem:$0x3FD9]  }
0x1: {  	s3 =	sld [smem:$0x3FFE];
	_ =	sdelay $0x1  }
0x2: {  	s1 =	srdreg.scid  }
0x3: {  	s0 =	sand.u32 $0x1, s1  }
0x4: {  	s18 =	sshll.u32 s0, $0xA;
	s2 =	sadd.s32 s3, s2  }
0x5: {  	s2 =	sadd.s32 s2, s18  }
0x6: {  	[smem:$0x3FC5] =	sst s2  }
0x7: {  	_ = 	snop  }
0x8: {  	s2 =	sld [smem:$0x3FD0];
	(tm) =	ssettm $0x1  }
0x9: {  	s19 =	sld [smem:$0x3FFB];
	_ =	sdelay $0x3  }
0xa: {  	_ =	strace s19  }
0xb: {  	s3 =	sld [smem:$0x3FFC];
	_ =	sdelay $0x3  }
0xc: {  	_ =	strace s3  }
0xd: {  	s3 =	sld [smem:$0x3FFD];
	_ =	sdelay $0x3  }
0xe: {  	_ =	strace s3  }
0xf: {  	_ =	strace $0x8FFFFFFF  }
0x10: {  	s20 =	sld [smem:$0x3FDB];
	_ =	sdelay $0x1  }
0x11: {  	s4 =	simm.s32 $_scs_section_size  }
0x12: {  	s5 =	simm.s32 $_size__tile_overlayer_lowered;
	s6 =	simm.s32 $_tile_overlayer_lowered  }
0x13: {  	s23 =	simm.s32 $0x1BFF;
	s22 =	sshll.u32 s6, $0x1;
	s3 =	sadd.s32 s4, s20  }
0x14: {  	s7 =	simm.s32 $0x0;
	s21 =	sshll.u32 s5, $0x1;
	s5 =	sadd.s32 s22, s3  }
0x15: {  	[timem:s7], [sflag:s23] =	dma.local [hbm:s5], s21  }
0x16: {  	_ =	swait.ge [sflag:s23], s21  }
0x17: {  	s4 =	ssub.s32 $0x0, s21;
	[sflag:s23] =	ssyncset.done $0x0  }
0x18: {  	[sflag:s23] =	ssyncadd.s32 s4;
	_ =	sdelay $0x1  }
0x19: {  	s24 =	simm.s32 $0x1B8B  }
0x1a: {  	_ =	swait.ge [sflag:s24], $0x1  }
0x1b: {  	[sflag:s24] =	ssyncset.done $0x0  }
0x1c: {  	s26 =	simm.s32 $0x1B8E;
	s25 =	sld [smem:$0x3FFE];
	[sflag:s24] =	ssyncadd.s32 $0xFFFFFFFF  }
0x1d: {  	s27 =	simm.s32 $execute0_lowered;
	[smem:$0x3FD2] =	sst s26  }
0x1e: {  	s5 =	sshll.u32 s27, $0x1;
	_ =	strace $0x8000004C;
	[dreg:$0x1] =	wrdreg $0xFFFFFFFF  }
0x1f: {  	s28 =	simm.s32 $_size_execute0_lowered;
	s3 =	sadd.s32 s3, s5;
	[dreg:$0x0] =	wrdreg $0x0  }
0x20: {  	s5 =	sshll.u32 s28, $0x1;
	[dreg:$0x2] =	wrdreg s3  }
0x21: {  	[dreg:$0x3] =	wrdreg s5  }
0x22: {  	[dreg:$0x4] =	wrdreg $0xC0  }
0x23: {  	_ =	task [dreg:s7], $0x5FFFF  }
0x24: {  	[dreg:$0x1] =	wrdreg $0xFFFFFFFF  }
0x25: {  	[dreg:$0x0] =	wrdreg $0x60  }
0x26: {  	[dreg:$0x2] =	wrdreg s25  }
0x27: {  	[dreg:$0x3] =	wrdreg s2  }
0x28: {  	[dreg:$0x4] =	wrdreg $0x9  }
0x29: {  	_ =	task.clear_ibuf [dreg:s7], $0x5FFFF;
	_ =	strace $0x9000004C  }
0x2a: {  	s29 =	simm.s32 $0x9;
	_ =	strace $0x8000004E  }
0x2b: {  	_ =	swait.ge [sflag:s29], $0x1  }
0x2c: {  	[sflag:s29] =	ssyncadd.s32 $0xFFFFFFFF  }
0x2d: {  	_ =	strace $0x9000004E  }
0x2e: {  	_ =	sfence  }
0x2f: {  	s30 =	sld [smem:$0x0];
	_ =	sdelay $0x2  }
0x30: {  	s31 =	sshll.u32 s1, $0xD;
	s1 =	sshrl.u32 s1, $0x2  }
0x31: {  	s3 =	sand.u32 $0x4000, s31;
	s1 =	sadd.s32 s1, s30  }
0x32: {  	s0 =	sor.u32 s3, s0;
	s1 =	sshll.u32 s1, $0x11  }
0x33: {  	s0 =	sor.u32 s1, s0  }
0x34: {  	s0 =	sadd.s32 $0x8F2B, s0  }
0x35: {  	[sflag:s0] =	ssyncadd.remote.s32 $0x1  }
0x36: {  	_ =	sfence.sel $0xFFFF  }
0x37: {  	[dreg:$0x0] =	wrdreg $0xFFFFFFFF;
	(pc) =	sbr.abs _section_cstart, $3  }
0x38: {  	[dreg:$0x1] =	wrdreg $0xFFFFFFFF  }
0x39: {  	_ =	task.clear_ibuf [dreg:s7], $0x2FFFF;
	_ =	strace $0x9FFFFFFF  }
0x3a: {  	(tm) =	ssettm $0x7FFFFFFF  }
0x3b: {  	_ =	shalt  }
tec
execute0_lowered:
.L_overlay_start_1:
0x0: {  	(tag) =	ssettag $0x1  }
0x1: {  	s0 =	stileid.u32  }
0x2: {  	s1 =	rddreg [dreg:$0x0];
	s2 =	srdreg.scid  }
0x3: {  	s31 =	simm.s32 $0x2;
	s16 =	simm.s32 $0x0;
	s10 =	simm.s32 $0x800  }
0x4: {  	s11 =	simm.s32 $0x218000;
	s12 =	simm.s32 $0x0;
	s17 =	simm.s32 $0x0  }
0x5: {  	s18 =	simm.s32 $0x0;
	s15 =	simm.s32 $0x0;
	s3 =	sshll.u32 s0, $0x3  }
0x6: {  	s24 =	simm.s32 $0x0;
	s5 =	sshll.u32 s2, $0x9;
	s2 =	sand.u32 $0x18, s3  }
0x7: {  	s4 =	sshll.u32 s0, $0x5;
	s7 =	sshrl.u32 s0, $0x2;
	s28 =	ssub.s32 $0x20, s2  }
0x8: {  	s4 =	sor.u32 s4, s5;
	s5 =	sand.u32 $0x1, s7;
	s6 =	sand.u32 $0x18, s28  }
0x9: {  	s4 =	sand.u32 $0x300, s4;
	p0 =	sne.s32 s6, $0x0;
	s6 =	simm.s32 $0x1  }
0xa: {  	s8 =	sshrl.u32 s28, $0x5;
	s9 =	ssub.s32 $0x400, s4;
	s6 =	simm.s32 @!p0 $0x0  }
0xb: {  	s30 =	ssub.s32 $0x22, s5;
	s29 =	sand.u32 $0x300, s9;
	s6 =	sadd.s32 s6, s8  }
0xc: {  	s7 =	simm.s32 $0x1;
	p0 =	sne.s32 s29, $0x0;
	s8 =	smul.u32 s30, s6  }
.Ltmp0:
0xd: {  	s9 =	sshrl.u32 s9, $0xA;
	s7 =	simm.s32 @!p0 $0x0;
	(pc) =	sbr.rel .LBB1_1-.Ltmp0, $4  }
0xe: {  	s3 =	rddreg [dreg:$0x1];
	_ =	strace $0x8000004D;
	s7 =	sadd.s32 s7, s9  }
0xf: {  	s13 =	smov.u32 s5;
	s6 =	simm.s32 $0x1;
	s7 =	smul.u32 s7, s8  }
0x10: {  	s14 =	smov.u32 s2;
	s1 =	sadd.s32 s4, s1;
	[sflag:s6] =	ssyncpa.u1 $0x0  }
0x11: {  	[sflag:s31] =	ssyncpa.u1 $0x0;
	s8 =	sadd.s32 $0x220C00, s1;
	s9 =	sadd.s32 $0x1, s7  }
.LBB1_7:
0x12: {  	s1 =	sadd.s32 $0x2, s13  }
0x13: {  	s17 =	sadd.s32 $0x20, s14;
	s19 =	smov.u32 s14;
	p1 =	sgt.s32 s1, $0x42  }
0x14: {  	s19 =	smov.u32 @p1 s17  }
0x15: {  	s1 =	smov.u32 @p1 s5;
	p1 =	sgt.s32 s19, $0x1F  }
0x16: {  	s19 =	smov.u32 @p1 s2;
	p1 =	sne.s32 s15, s9  }
.Ltmp1:
0x17: {  	p0 =	slt.u32 s15, $0x2;
	(pc) =	sbr.rel @!p1 .LBB1_8-.Ltmp1, $4  }
0x18: {  	s18 =	smov.u32 s14;
	s16 =	simm.s32 @!p0 $0x2  }
0x19: {  	s12 =	sadd.s32 $0x4000, s12;
	_ =	swait.ge @!p0 [sflag:s16], $0x4000;
	s17 =	smov.u32 s13  }
0x1a: {  	[sflag:s16] =	ssyncset.done @!p0 $0x0;
	s13 =	smov.u32 s1;
	s15 =	sadd.s32 $0x1, s15  }
0x1b: {  	[sflag:s16] =	ssyncadd.s32 @!p0 $0xFFFFC000;
	s16 =	smov.u32 s4;
	s14 =	smov.u32 s19  }
.LBB1_1:
0x1c: {  	p0 =	sge.u32 s15, s7  }
0x1d: {  	s19 =	smul.u32 @!p0 $0x10C00, s14  }
0x1e: {  	s31 =	sadd.s32 $0xFFFFFFFF, s15;
	s1 =	sxor.u32 @!p0 $0xFFFFFFFF, s15;
	s20 =	sshll.u32 @!p0 s13, $0xA  }
0x1f: {  	s21 =	simm.s32 @!p0 $0x86000;
	s1 =	sshll.u32 @!p0 s1, $0xE;
	s19 =	sadd.s32 @!p0 s19, s8  }
0x20: {  	s1 =	sand.u32 @!p0 $0x4000, s1;
	s19 =	sadd.s32 @!p0 s20, s19;
	s20 =	simm.s32 @!p0 $0x800  }
0x21: {  	[tilespmem:s1], [sflag:$0x1] =	stream.strided.gather @!p0 [hbm4b:s19+s20], $0x4000, s21, s20, $0x38;
	[tilespmem:$0x10000] =	vst v63  }
0x22: {  	p0 =	sge.u32 s31, s7  }
.Ltmp2:
0x23: {  	_ = 	snop;
	(pc) =	sbr.rel @p0 .LBB1_7-.Ltmp2, $1  }
0x24: {  	_ =	sdelay $0x3  }
0x25: {  	s1 =	sshll.u32 s12, $0x2;
	_ =	swait.ge [sflag:s6], $0x4000;
	s19 =	sshll.u32 s15, $0xE  }
0x26: {  	p0 =	por $0x0, $0x0;
	s25 =	simm.s32 $0x0;
	s26 =	simm.s32 $0x0  }
0x27: {  	s1 =	sand.u32 $0x10000, s1;
	[sflag:s6] =	ssyncset.done $0x0;
	s22 =	sand.u32 $0x4000, s19  }
0x28: {  	s1 =	sshrl.u32 s1, $0x2;
	[sflag:s6] =	ssyncadd.s32 $0xFFFFC000;
	s19 =	sor.u32 $0x8000, s22  }
0x29: {  	s20 =	sor.u32 $0x40, s1;
	s21 =	sor.u32 $0x8410, s1;
	s23 =	sadd.s32 $0x8400, s1  }
.LBB1_3:
0x2a: {  	v1 =	vld [tilespmem:s20+$0xFFFFFFD0]  }
0x2b: {  	v2 =	vld [tilespmem:s20+$0x430]  }
0x2c: {  	s1 =	sshll.u32 s26, $0xB;
	v4 =	vld [tilespmem:s20+$0xFFFFFFE0]  }
0x2d: {  	v7 =	vld [tilespmem:s20+$0xFFFFFFF0];
	v0 =	vmov s1  }
0x2e: {  	v8 =	vld [tilespmem:s20+$0x0]  }
0x2f: {  	v9 =	vld [tilespmem:s20+$0x10];
	s1 =	sand.u32 $0x300, s24  }
0x30: {  	s27 =	sand.u32 $0x80, s24;
	v10 =	vld [tilespmem:s20+$0x20];
	s1 =	sadd.s32 s1, s22  }
0x31: {  	v11 =	vld [tilespmem:s20+$0x30];
	s1 =	sadd.s32 s27, s1;
	s27 =	simm.s32 $0x1;
	[tilespmem:s21+$0x60] =	vst v2  }
0x32: {  	s27 =	simm.s32 @!p0 $0x0;
	[tilespmem:s21+$0xFFFFFC00] =	vst v1;
	v3 =	vld.idx.msk [tilespmem:v0+s1+$0x400 ss:$0x1], $0xffff;
	s1 =	sshll.u32 s25, $0x2  }
0x33: {  	v6 =	vld [tilespmem:s20+$0x3D0];
	s27 =	sshll.u32 s27, $0x9;
	[tilespmem:s21+$0xFFFFFC10] =	vst v4;
	s1 =	sand.u32 $0xFFFFFC00, s1  }
0x34: {  	v5 =	vld [tilespmem:s20+$0x3E0];
	[tilespmem:s21+$0xFFFFFC20] =	vst v7;
	s1 =	sor.u32 s27, s1  }
0x35: {  	[tilespmem:s21+$0xFFFFFC30] =	vst v8;
	v4 =	vld [tilespmem:s20+$0x400];
	s1 =	sshrl.u32 s1, $0x2  }
0x36: {  	[tilespmem:s21+$0xFFFFFC40] =	vst v9;
	v1 =	vld [tilespmem:s20+$0x410];
	s27 =	sadd.s32 s1, s23  }
0x37: {  	[tilespmem:s27+$0x0] =	vst v3;
	v3 =	vld [tilespmem:s20+$0x3F0]  }
0x38: {  	s31 =	simm.s32 $0x80;
	s30 =	simm.s32 $0x100;
	[tilespmem:s21+$0xFFFFFC50] =	vst v10;
	v2 =	vld [tilespmem:s20+$0x420]  }
0x39: {  	s28 =	sadd.s32 $0x80, s20;
	s29 =	smov.u32 s21;
	v7 =	vld [tilespmem:s20+$0xFFFFFFC0];
	[tilespmem:s21+$0xFFFFFC60] =	vst v11;
	s1 =	sand.u32 $0x300, s31  }
.LBB1_4:
0x3a: {  	p1 =	sne.s32 s30, $0x380;
	v8 =	vld [tilespmem:s28+$0xFFFFFFD0];
	s31 =	sand.u32 $0x80, s31;
	s1 =	sadd.s32 s1, s22;
	[tilespmem:s29+$0x0] =	vst v6  }
0x3b: {  	s1 =	sadd.s32 s31, s1;
	v6 =	vld [tilespmem:s28+$0x430];
	[tilespmem:s29+$0x10] =	vst v5;
	s31 =	smov.u32 s30  }
0x3c: {  	v5 =	vld.idx.msk [tilespmem:v0+s1+$0x400 ss:$0x1], $0xffff;
	[tilespmem:s29+$0x20] =	vst v3  }
0x3d: {  	v3 =	vld [tilespmem:s28+$0xFFFFFFE0];
	[tilespmem:s29+$0x30] =	vst v4  }
0x3e: {  	v4 =	vld [tilespmem:s28+$0xFFFFFFF0];
	[tilespmem:s29+$0xFFFFFBF0] =	vst v7  }
0x3f: {  	v7 =	vld [tilespmem:s28+$0x0];
	[tilespmem:s29+$0x40] =	vst v1  }
0x40: {  	v1 =	vld [tilespmem:s28+$0x10];
	[tilespmem:s29+$0x50] =	vst v2;
	s29 =	sadd.s32 $0x800, s29  }
0x41: {  	s27 =	sadd.s32 $0x800, s27;
	v2 =	vld [tilespmem:s28+$0x20];
	[tilespmem:s29+$0x60] =	vst v6  }
0x42: {  	v9 =	vld [tilespmem:s28+$0x30];
	[tilespmem:s27+$0x0] =	vst v5  }
0x43: {  	[tilespmem:s29+$0xFFFFFC00] =	vst v8;
	v6 =	vld [tilespmem:s28+$0x3D0]  }
0x44: {  	[tilespmem:s29+$0xFFFFFC10] =	vst v3;
	v5 =	vld [tilespmem:s28+$0x3E0]  }
.Ltmp3:
0x45: {  	[tilespmem:s29+$0xFFFFFC20] =	vst v4;
	v3 =	vld [tilespmem:s28+$0x3F0];
	(pc) =	sbr.rel @p1 .LBB1_4-.Ltmp3, $4  }
0x46: {  	[tilespmem:s29+$0xFFFFFC30] =	vst v7;
	v4 =	vld [tilespmem:s28+$0x400]  }
0x47: {  	[tilespmem:s29+$0xFFFFFC40] =	vst v1;
	v1 =	vld [tilespmem:s28+$0x410]  }
0x48: {  	[tilespmem:s29+$0xFFFFFC50] =	vst v2;
	v2 =	vld [tilespmem:s28+$0x420]  }
0x49: {  	s30 =	sadd.s32 $0x80, s30;
	s1 =	sand.u32 $0x300, s31;
	v7 =	vld [tilespmem:s28+$0xFFFFFFC0];
	[tilespmem:s29+$0xFFFFFC60] =	vst v9;
	s28 =	sadd.s32 $0x80, s28  }
0x4a: {  	[tilespmem:s29+$0x0] =	vst v6  }
0x4b: {  	[tilespmem:s29+$0x10] =	vst v5  }
0x4c: {  	v49 =	vld [tilespmem:s28+$0x430];
	[tilespmem:s29+$0x20] =	vst v3  }
0x4d: {  	v50 =	vld [tilespmem:s28+$0xFFFFFFD0];
	[tilespmem:s29+$0x30] =	vst v4  }
0x4e: {  	v51 =	vld [tilespmem:s28+$0xFFFFFFE0];
	[tilespmem:s29+$0x40] =	vst v1  }
0x4f: {  	v52 =	vld [tilespmem:s28+$0xFFFFFFF0];
	[tilespmem:s29+$0x50] =	vst v2  }
0x50: {  	s30 =	sand.u32 $0x80, s31;
	s31 =	sadd.s32 $0x800, s29;
	v53 =	vld [tilespmem:s28+$0x0];
	[tilespmem:s29+$0xFFFFFBF0] =	vst v7  }
0x51: {  	v54 =	vld [tilespmem:s28+$0x10];
	[tilespmem:s31+$0x60] =	vst v49  }
0x52: {  	v55 =	vld [tilespmem:s28+$0x20];
	[tilespmem:s31+$0xFFFFFC00] =	vst v50  }
0x53: {  	v56 =	vld [tilespmem:s28+$0x30];
	[tilespmem:s31+$0xFFFFFC10] =	vst v51  }
0x54: {  	v57 =	vld [tilespmem:s28+$0x3D0];
	[tilespmem:s31+$0xFFFFFC20] =	vst v52  }
0x55: {  	v58 =	vld [tilespmem:s28+$0x3E0];
	[tilespmem:s31+$0xFFFFFC30] =	vst v53  }
0x56: {  	v59 =	vld [tilespmem:s28+$0x3F0];
	[tilespmem:s31+$0xFFFFFC40] =	vst v54  }
0x57: {  	v60 =	vld [tilespmem:s28+$0x400];
	[tilespmem:s31+$0xFFFFFC50] =	vst v55  }
0x58: {  	v61 =	vld [tilespmem:s28+$0xFFFFFFC0];
	[tilespmem:s31+$0xFFFFFC60] =	vst v56  }
0x59: {  	s1 =	sadd.s32 s1, s22;
	v62 =	vld [tilespmem:s28+$0x410];
	[tilespmem:s31+$0x0] =	vst v57  }
0x5a: {  	v63 =	vld [tilespmem:s28+$0x420];
	s26 =	sadd.s32 $0x1, s26;
	s1 =	sadd.s32 s30, s1;
	[tilespmem:s31+$0x10] =	vst v58  }
0x5b: {  	p1 =	sne.s32 s26, $0x8;
	v0 =	vld.idx.msk [tilespmem:v0+s1+$0x400 ss:$0x1], $0xffff;
	[tilespmem:s31+$0x20] =	vst v59  }
.Ltmp4:
0x5c: {  	[tilespmem:s31+$0x30] =	vst v60;
	(pc) =	sbr.rel @p1 .LBB1_3-.Ltmp4, $4  }
0x5d: {  	[tilespmem:s31+$0xFFFFFBF0] =	vst v61  }
0x5e: {  	[tilespmem:s31+$0x40] =	vst v62  }
0x5f: {  	s27 =	sadd.s32 $0x800, s27;
	s20 =	sadd.s32 $0x800, s20;
	[tilespmem:s31+$0x50] =	vst v63  }
0x60: {  	s25 =	sadd.s32 $0x80, s25;
	p0 =	por !p0, !p0;
	s21 =	sadd.s32 $0x80, s21;
	[tilespmem:s27+$0x0] =	vst v0  }
0x61: {  	s1 =	sshll.u32 s18, $0x7  }
.Ltmp5:
0x62: {  	s17 =	sshll.u32 s17, $0xC;
	s30 =	sshll.u32 s18, $0x4;
	(pc) =	sbr.rel .LBB1_7-.Ltmp5, $4  }
0x63: {  	s1 =	sand.u32 $0xC00, s1;
	s18 =	sand.u32 $0x70, s30;
	s17 =	sadd.s32 s3, s17  }
0x64: {  	s1 =	sor.u32 s16, s1;
	s31 =	sadd.s32 s18, s17  }
0x65: {  	s1 =	sadd.s32 s1, s31  }
0x66: {  	[hbm4b:s1+s10] =	stream.strided.scatter [tilespmem:s19], [sflag:$0x2], $0x4000, s11, s10, $0x38;
	[tilespmem:$0x10000] =	vst v63  }
.LBB1_8:
0x67: {  	_ =	sfence.sel $0x180000  }
0x68: {  	s1 =	simm.s32 $0x1;
	[bflag:$0x0] =	sbarrier.arrive $0xFFFF  }
0x69: {  	s31 =	simm.s32 $0x2;
	[sflag:s1] =	ssyncpa.u1 $0x1  }
0x6a: {  	[sflag:s31] =	ssyncpa.u1 $0x1  }
0x6b: {  	_ =	strace $0x9000004D  }
0x6c: {  	[bflag:$0x2] =	sbarrier.arrive $0xFFFF  }
0x6d: {  	p0 =	sne.s32 s0, $0x0;
	s0 =	rddreg [dreg:$0x2]  }
0x6e: {  	s0 =	sadd.s32 @!p0 $0x100000, s0  }
0x6f: {  	[sflag:s0] =	ssyncadd.tile.s32 @!p0 $0x1;
	_ =	shalt  }
.Lfunc_end1:
_tile_overlayer_lowered:
.L_overlay_start_2:
0x70: {  	(tag) =	ssettag $0x2  }
0x71: {  	s0 =	rddreg [dreg:$0x0];
	s2 =	stileid.u32  }
0x72: {  	s1 =	rddreg [dreg:$0x1];
	p0 =	sne.s32 s2, $0x0  }
0x73: {  	s3 =	rddreg [dreg:$0x2];
	[bflag:$0x3] =	sbarrier.arrive $0xFFFF;
	s2 =	simm.s32 @!p0 $0x1C01  }
0x74: {  	[timem:s3], [sflag:s2] =	dma.local @!p0 [hbm:s0], s1  }
0x75: {  	s0 =	simm.s32 @!p0 $0x1  }
0x76: {  	_ =	swait.ge @!p0 [sflag:s0], s1  }
0x77: {  	s1 =	ssub.s32 @!p0 $0x0, s1;
	[sflag:s0] =	ssyncset.done @!p0 $0x0  }
0x78: {  	[sflag:s0] =	ssyncadd.s32 @!p0 s1  }
0x79: {  	[bflag:$0x3] =	sbarrier.arrive $0xFFFF  }
0x7a: {  	_ =	shalt  }

</sc_bundles>
